<compile_context>
chip_gen: v7x
topology: tpu7x:2x2x1
jax: 0.10.2.dev20260603
libtpu: 0.0.44.dev20260713+nightly
codegen_flags: <defaults>
</compile_context>

<pallas_src>
import functools

import jax
import jax.numpy as jnp
from jax import lax
from jax.experimental import pallas as pl
from jax.experimental.pallas import tpu as pltpu
from jax.experimental.pallas import tpu_sc as plsc

N_NODES = 10080
N_EDGES = 322560
BATCH = 360
NPG = 28
SEQ = 128
BL = BATCH * SEQ

NC = 2
NS = 16
NW = NC * NS
EPT = N_EDGES // NW
K_EDGE = 112
NCHUNK = EPT // K_EDGE
NPT = N_NODES // NS
NPAD = 10240
LANES = 16
EPS = 1e-5

_SC_MESH = plsc.VectorSubcoreMesh(core_axis_name="c", subcore_axis_name="s",
                                  num_cores=NC, num_subcores=NS)



@functools.partial(
    pl.kernel,
    out_type=jax.ShapeDtypeStruct((NW, NPAD), jnp.float32),
    mesh=_SC_MESH,
    scratch_types=[
        pltpu.VMEM((EPT,), jnp.int32),
        pltpu.VMEM((NPAD,), jnp.float32),
    ],
    compiler_params=pltpu.CompilerParams(needs_layout_passes=False),
)
def _deg_counts(dst_hbm, out_hbm, idx_v, hist_v):
    cid = lax.axis_index("c")
    sid = lax.axis_index("s")
    wid = cid * NS + sid

    zero16 = jnp.zeros((LANES,), jnp.float32)

    def _zero(i, c):
        hist_v[pl.ds(i * LANES, LANES)] = zero16
        return c

    lax.fori_loop(0, NPAD // LANES, _zero, 0)

    pltpu.sync_copy(dst_hbm.at[pl.ds(wid * EPT, EPT)], idx_v)

    ones16 = jnp.ones((LANES,), jnp.float32)

    def _accum(i, c):
        idx = idx_v[pl.ds(i * LANES, LANES)]
        plsc.addupdate_scatter(hist_v, [idx], ones16)
        return c

    lax.fori_loop(0, EPT // LANES, _accum, 0)

    pltpu.sync_copy(hist_v, out_hbm.at[wid])


def _make_msg_kernel(d):

    @functools.partial(
        pl.kernel,
        out_type=jax.ShapeDtypeStruct((NC, N_NODES, d), jnp.float32),
        mesh=_SC_MESH,
        scratch_types=[
            pltpu.VMEM((EPT,), jnp.int32),
            pltpu.VMEM((NCHUNK, K_EDGE), jnp.int32),
            pltpu.VMEM((K_EDGE, d), jnp.float32),
            pltpu.VMEM((K_EDGE, d), jnp.float32),
            pltpu.VMEM_SHARED((N_NODES, d), jnp.float32),
            pltpu.SemaphoreType.DMA,
            pltpu.SemaphoreType.DMA,
            pltpu.SemaphoreType.DMA,
            pltpu.SemaphoreType.DMA,
        ],
        compiler_params=pltpu.CompilerParams(needs_layout_passes=False,
                                             use_tc_tiling_on_sc=False),
    )
    def _msg(src_hbm, dst2_hbm, g_hbm, out_hbm, si_v, di_v, rows0_v, rows1_v,
             acc_sh, sem0, sem1, ssem0, ssem1):
        cid = lax.axis_index("c")
        sid = lax.axis_index("s")
        wid = cid * NS + sid
        row0 = sid * NPT

        pltpu.sync_copy(src_hbm.at[pl.ds(wid * EPT, EPT)], si_v)
        pltpu.sync_copy(dst2_hbm.at[pl.ds(wid * NCHUNK, NCHUNK)], di_v)
        pltpu.sync_copy(g_hbm.at[pl.ds(row0, NPT)], acc_sh.at[pl.ds(row0, NPT)])
        plsc.subcore_barrier()

        def _gather(j, rref, sem):
            return pltpu.make_async_copy(
                g_hbm.at[si_v.at[pl.ds(j * K_EDGE, K_EDGE)]], rref, sem)

        def _scatter(j, rref, ssem):
            return pltpu.make_async_copy(rref, acc_sh.at[di_v.at[j]], ssem)

        _gather(0, rows0_v, sem0).start()
        _gather(1, rows1_v, sem1).start()

        def _step(j, rref, sem, ssem):
            _gather(j, rref, sem).wait()
            _scatter(j, rref, ssem).start(add=True)

            @pl.when(j + 2 < NCHUNK)
            def _():
                _scatter(j, rref, ssem).wait()
                _gather(j + 2, rref, sem).start()

        def _chunk2(j2, c):
            _step(j2 * 2, rows0_v, sem0, ssem0)
            _step(j2 * 2 + 1, rows1_v, sem1, ssem1)
            return c

        lax.fori_loop(0, NCHUNK // 2, _chunk2, 0)
        _scatter(NCHUNK - 2, rows0_v, ssem0).wait()
        _scatter(NCHUNK - 1, rows1_v, ssem1).wait()
        plsc.subcore_barrier()

        pltpu.sync_copy(acc_sh.at[pl.ds(row0, NPT)],
                        out_hbm.at[cid, pl.ds(row0, NPT)])

    return _msg


_msg128 = _make_msg_kernel(128)



def _bdot(a, b):
    return jnp.dot(a.astype(jnp.bfloat16), b.astype(jnp.bfloat16),
                   preferred_element_type=jnp.float32)


def _t0_body(x_ref, w_ref, dis_ref, out_ref):
    out_ref[...] = _bdot(x_ref[...], w_ref[...]) * dis_ref[...]


def _t0(x, w, dis):
    return pl.pallas_call(
        _t0_body,
        out_shape=jax.ShapeDtypeStruct((N_NODES, w.shape[1]), jnp.float32),
    )(x, w, dis)


def _gcn_post(p0, p1, g, dis, b, gam, bet):
    s = (p0 + p1 - g) * dis + b
    m = jnp.mean(s, axis=0, keepdims=True)
    c = s - m
    v = jnp.mean(c * c, axis=0, keepdims=True)
    return jnp.maximum(gam * c * lax.rsqrt(v + EPS) + bet, 0.0)


def _tmid_body(p0_ref, p1_ref, g_ref, dis_ref, b_ref, gam_ref, bet_ref,
               w_ref, out_ref):
    h = _gcn_post(p0_ref[...], p1_ref[...], g_ref[...], dis_ref[...],
                  b_ref[...], gam_ref[...], bet_ref[...])
    out_ref[...] = _bdot(h, w_ref[...]) * dis_ref[...]


def _tmid(p0, p1, g, dis, b, gam, bet, w):
    return pl.pallas_call(
        _tmid_body,
        out_shape=jax.ShapeDtypeStruct((N_NODES, w.shape[1]), jnp.float32),
    )(p0, p1, g, dis, b, gam, bet, w)


def _tlast_body(p0_ref, p1_ref, g_ref, dis_ref, b_ref, gam_ref, bet_ref,
                out_ref):
    out_ref[...] = _gcn_post(p0_ref[...], p1_ref[...], g_ref[...], dis_ref[...],
                             b_ref[...], gam_ref[...], bet_ref[...])


def _tlast(p0, p1, g, dis, b, gam, bet):
    return pl.pallas_call(
        _tlast_body,
        out_shape=jax.ShapeDtypeStruct((N_NODES, 128), jnp.float32),
    )(p0, p1, g, dis, b, gam, bet)


CB = 9216
NCB = BL // CB


def _shift_cols(x, s):
    if s == 0:
        return x
    w = x.shape[1]
    z = jnp.zeros((x.shape[0], s), jnp.float32)
    xs = jnp.concatenate([z, x[:, :w - s]], axis=1)
    col = lax.broadcasted_iota(jnp.int32, (1, w), 1)
    return xs * (col % SEQ >= s).astype(jnp.float32)


def _bn_apply(x, s1, s2, gam, bet):
    m = s1 * (1.0 / BL)
    v = s2 * (1.0 / BL) - m * m
    return jnp.maximum(gam * (x - m) * lax.rsqrt(v + EPS) + bet, 0.0)


CBB = CB // SEQ


def _shifted_cat(x, dil):
    return jnp.concatenate(
        [_shift_cols(x, 2 * dil), _shift_cols(x, dil), x], axis=0)


def _conv_body(xin, w_ref, b_ref, dil, o_ref, s1_ref, s2_ref):
    o = jnp.dot(w_ref[...], _shifted_cat(xin, dil),
                preferred_element_type=jnp.float32) + b_ref[...]
    o_ref[...] = o

    @pl.when(pl.program_id(0) == 0)
    def _():
        s1_ref[...] = jnp.zeros_like(s1_ref)
        s2_ref[...] = jnp.zeros_like(s2_ref)

    s1_ref[...] += jnp.sum(o, axis=1, keepdims=True)
    s2_ref[...] += jnp.sum(o * o, axis=1, keepdims=True)


def _col_spec(c):
    return pl.BlockSpec((c, CB), lambda j: (0, j))


def _full(a, b):
    return pl.BlockSpec((a, b), lambda j: (0, 0))


def _comb(o2_ref, s1_ref, s2_ref, g_ref, be_ref, x_ref, wd_ref, bd_ref):
    a2 = _bn_apply(o2_ref[...], s1_ref[...], s2_ref[...],
                   g_ref[...], be_ref[...])
    res = jnp.dot(wd_ref[...], x_ref[...],
                  preferred_element_type=jnp.float32) + bd_ref[...]
    return jnp.maximum(a2 + res, 0.0)


def _make_conv_a(cin, cout, dil):

    def _body(x_ref, w_ref, b_ref, o_ref, s1_ref, s2_ref):
        _conv_body(x_ref[...], w_ref, b_ref, dil, o_ref, s1_ref, s2_ref)

    def _call(x, w, b):
        return pl.pallas_call(
            _body, grid=(NCB,),
            in_specs=[_col_spec(cin), _full(cout, 3 * cin), _full(cout, 1)],
            out_specs=[_col_spec(cout), _full(cout, 1), _full(cout, 1)],
            out_shape=[jax.ShapeDtypeStruct((cout, BL), jnp.float32),
                       jax.ShapeDtypeStruct((cout, 1), jnp.float32),
                       jax.ShapeDtypeStruct((cout, 1), jnp.float32)],
        )(x, w, b)

    return _call


def _make_conv_b(cin, dil):

    def _body(x_ref, ps1_ref, ps2_ref, pg_ref, pb_ref, w_ref, b_ref,
              o_ref, s1_ref, s2_ref):
        xin = _bn_apply(x_ref[...], ps1_ref[...], ps2_ref[...],
                        pg_ref[...], pb_ref[...])
        _conv_body(xin, w_ref, b_ref, dil, o_ref, s1_ref, s2_ref)

    def _call(o1, s1, s2, pg, pb, w, b):
        return pl.pallas_call(
            _body, grid=(NCB,),
            in_specs=[_col_spec(cin)] + [_full(cin, 1)] * 4
            + [_full(cin, 3 * cin), _full(cin, 1)],
            out_specs=[_col_spec(cin), _full(cin, 1), _full(cin, 1)],
            out_shape=[jax.ShapeDtypeStruct((cin, BL), jnp.float32),
                       jax.ShapeDtypeStruct((cin, 1), jnp.float32),
                       jax.ShapeDtypeStruct((cin, 1), jnp.float32)],
        )(o1, s1, s2, pg, pb, w, b)

    return _call


def _make_conv_c(cres, cin, cout, dil):

    def _body(o2_ref, ps1_ref, ps2_ref, pg_ref, pb_ref, xr_ref, wd_ref,
              bd_ref, w_ref, b_ref, xin_ref, o_ref, s1_ref, s2_ref):
        xin = _comb(o2_ref, ps1_ref, ps2_ref, pg_ref, pb_ref, xr_ref,
                    wd_ref, bd_ref)
        xin_ref[...] = xin
        _conv_body(xin, w_ref, b_ref, dil, o_ref, s1_ref, s2_ref)

    def _call(o2, s1, s2, pg, pb, xr, wd, bd, w, b):
        return pl.pallas_call(
            _body, grid=(NCB,),
            in_specs=[_col_spec(cin)] + [_full(cin, 1)] * 4
            + [_col_spec(cres), _full(cin, cres), _full(cin, 1),
               _full(cout, 3 * cin), _full(cout, 1)],
            out_specs=[_col_spec(cin), _col_spec(cout), _full(cout, 1),
                       _full(cout, 1)],
            out_shape=[jax.ShapeDtypeStruct((cin, BL), jnp.float32),
                       jax.ShapeDtypeStruct((cout, BL), jnp.float32),
                       jax.ShapeDtypeStruct((cout, 1), jnp.float32),
                       jax.ShapeDtypeStruct((cout, 1), jnp.float32)],
        )(o2, s1, s2, pg, pb, xr, wd, bd, w, b)

    return _call


def _tail_body(o2_ref, ps1_ref, ps2_ref, pg_ref, pb_ref, xr_ref, wd_ref,
               bd_ref, w1_ref, b1_ref, w2_ref, b2_ref, out_ref):
    xin = _comb(o2_ref, ps1_ref, ps2_ref, pg_ref, pb_ref, xr_ref,
                wd_ref, bd_ref)
    ri = lax.broadcasted_iota(jnp.int32, (CB, CBB), 0)
    bi = lax.broadcasted_iota(jnp.int32, (CB, CBB), 1)
    sel = ((ri // SEQ == bi) & (ri % SEQ == SEQ - 1)).astype(jnp.float32)
    t = jnp.dot(xin, sel, preferred_element_type=jnp.float32)
    wc = jnp.dot(w1_ref[...], w2_ref[...],
                 preferred_element_type=jnp.float32)
    bc = jnp.dot(b1_ref[...], w2_ref[...],
                 preferred_element_type=jnp.float32) + b2_ref[...]
    out_ref[...] = lax.dot_general(
        t, wc, (((0,), (0,)), ((), ())),
        preferred_element_type=jnp.float32) + bc


def _tail(o2, s1, s2, pg, pb, xr, wd, bd, w1, b1, w2, b2):
    return pl.pallas_call(
        _tail_body, grid=(NCB,),
        in_specs=[_col_spec(32)] + [_full(32, 1)] * 4
        + [_col_spec(64), _full(32, 64), _full(32, 1),
           _full(32, 128), _full(1, 128), _full(128, 1), _full(1, 1)],
        out_specs=pl.BlockSpec((CBB, 1), lambda j: (j, 0)),
        out_shape=jax.ShapeDtypeStruct((BATCH, 1), jnp.float32),
    )(o2, s1, s2, pg, pb, xr, wd, bd, w1, b1, w2, b2)


_conv_a0 = _make_conv_a(NPG, 128, 1)
_conv_b0 = _make_conv_b(128, 1)
_conv_c1 = _make_conv_c(NPG, 128, 64, 2)
_conv_b1 = _make_conv_b(64, 2)
_conv_c2 = _make_conv_c(128, 64, 32, 4)
_conv_b2 = _make_conv_b(32, 4)


def _wcat(w3):
    return jnp.concatenate([w3[:, :, 0], w3[:, :, 1], w3[:, :, 2]], axis=1)


def _tcn_head(x0, p):
    o1, a1, a2 = _conv_a0(x0, _wcat(p['tcn0_w1']), p['tcn0_b1'][:, None])
    o2, b1, b2 = _conv_b0(o1, a1, a2, p['tcn0_bn1_g'][:, None],
                          p['tcn0_bn1_b'][:, None], _wcat(p['tcn0_w2']),
                          p['tcn0_b2'][:, None])
    x1, o3, c1, c2 = _conv_c1(o2, b1, b2, p['tcn0_bn2_g'][:, None],
                              p['tcn0_bn2_b'][:, None], x0,
                              p['tcn0_down_w'][:, :, 0],
                              p['tcn0_down_b'][:, None],
                              _wcat(p['tcn1_w1']), p['tcn1_b1'][:, None])
    o4, d1, d2 = _conv_b1(o3, c1, c2, p['tcn1_bn1_g'][:, None],
                          p['tcn1_bn1_b'][:, None], _wcat(p['tcn1_w2']),
                          p['tcn1_b2'][:, None])
    x2, o5, e1, e2 = _conv_c2(o4, d1, d2, p['tcn1_bn2_g'][:, None],
                              p['tcn1_bn2_b'][:, None], x1,
                              p['tcn1_down_w'][:, :, 0],
                              p['tcn1_down_b'][:, None],
                              _wcat(p['tcn2_w1']), p['tcn2_b1'][:, None])
    o6, f1, f2 = _conv_b2(o5, e1, e2, p['tcn2_bn1_g'][:, None],
                          p['tcn2_bn1_b'][:, None], _wcat(p['tcn2_w2']),
                          p['tcn2_b2'][:, None])
    ot = _tail(o6, f1, f2, p['tcn2_bn2_g'][:, None], p['tcn2_bn2_b'][:, None],
               x2, p['tcn2_down_w'][:, :, 0], p['tcn2_down_b'][:, None],
               p['fc1_w'], p['fc1_b'][None, :], p['fc_w'], p['fc_b'][None, :])
    return ot



def kernel(x, edge_index, params):
    p = params
    src = edge_index[0]
    dst = edge_index[1]
    dst2 = dst.reshape(N_EDGES // K_EDGE, K_EDGE)

    deg_part = _deg_counts(dst)
    deg = jnp.sum(deg_part[:, :N_NODES], axis=0) + 1.0
    dis = lax.rsqrt(deg)[:, None]

    pad64 = lambda a: jnp.pad(a, ((0, 0), (0, 64)))
    g1 = _t0(x, pad64(p['gcn1_w']), dis)
    pt = _msg128(src, dst2, g1)
    g2 = _tmid(pt[0], pt[1], g1, dis, pad64(p['gcn1_b'][None, :]),
               pad64(p['bn1_g'][None, :]), pad64(p['bn1_b'][None, :]),
               jnp.pad(p['gcn2_w'], ((0, 64), (0, 0))))
    pt = _msg128(src, dst2, g2)
    g3 = _tmid(pt[0], pt[1], g2, dis, p['gcn2_b'][None, :],
               p['bn2_g'][None, :], p['bn2_b'][None, :], p['gcn3_w'])
    pt = _msg128(src, dst2, g3)
    h3 = _tlast(pt[0], pt[1], g3, dis, p['gcn3_b'][None, :],
                p['bn3_g'][None, :], p['bn3_b'][None, :])

    x0 = h3.reshape(BATCH, NPG, SEQ).transpose(1, 0, 2).reshape(NPG, BL)
    return _tcn_head(x0, p)

# --- scband reference (transcript-rebuilt; emitter-appended) ---
"""Pipeline reference for scband-gcn-tcn-model-24180665876953 (READ-ONLY COPY).

The authoritative reference and input builder live on the scoring server;
editing this copy changes nothing except your own understanding.
"""

import jax, jax.numpy as jnp
import numpy as np

N_NODES = 10080
BATCH = 360
NPG = 28
D_FEAT = 128
N_EDGES = 322560


def _w(k, shape, fan_in):
    return jax.random.normal(k, shape, dtype=jnp.float32) * np.float32(1.0 / np.sqrt(fan_in))


def _make_params(key):
    ks = jax.random.split(key, 16)
    p = {}
    p['gcn1_w'] = _w(ks[0], (128, 64), 128); p['gcn1_b'] = jnp.zeros((64,), jnp.float32)
    p['bn1_g'] = jnp.ones((64,), jnp.float32); p['bn1_b'] = jnp.zeros((64,), jnp.float32)
    p['gcn2_w'] = _w(ks[1], (64, 128), 64); p['gcn2_b'] = jnp.zeros((128,), jnp.float32)
    p['bn2_g'] = jnp.ones((128,), jnp.float32); p['bn2_b'] = jnp.zeros((128,), jnp.float32)
    p['gcn3_w'] = _w(ks[2], (128, 128), 128); p['gcn3_b'] = jnp.zeros((128,), jnp.float32)
    p['bn3_g'] = jnp.ones((128,), jnp.float32); p['bn3_b'] = jnp.zeros((128,), jnp.float32)
    cfg = [('tcn0', 28, 128), ('tcn1', 128, 64), ('tcn2', 64, 32)]
    i = 3
    for pre, cin, cout in cfg:
        p[pre + '_w1'] = _w(ks[i], (cout, cin, 3), cin * 3); p[pre + '_b1'] = jnp.zeros((cout,), jnp.float32); i += 1
        p[pre + '_bn1_g'] = jnp.ones((cout,), jnp.float32); p[pre + '_bn1_b'] = jnp.zeros((cout,), jnp.float32)
        p[pre + '_w2'] = _w(ks[i], (cout, cout, 3), cout * 3); p[pre + '_b2'] = jnp.zeros((cout,), jnp.float32); i += 1
        p[pre + '_bn2_g'] = jnp.ones((cout,), jnp.float32); p[pre + '_bn2_b'] = jnp.zeros((cout,), jnp.float32)
        p[pre + '_down_w'] = _w(ks[i], (cout, cin, 1), cin); p[pre + '_down_b'] = jnp.zeros((cout,), jnp.float32); i += 1
    p['fc1_w'] = _w(ks[i], (32, 128), 32); p['fc1_b'] = jnp.zeros((128,), jnp.float32); i += 1
    p['fc_w'] = _w(ks[i], (128, 1), 128); p['fc_b'] = jnp.zeros((1,), jnp.float32)
    return p


def setup_inputs(seed: int = 0) -> dict:
    key = jax.random.key(seed)
    kx, ke, kp = jax.random.split(key, 3)
    x = jax.random.normal(kx, (N_NODES, D_FEAT), dtype=jnp.float32)
    edge_index = jax.random.randint(ke, (2, N_EDGES), 0, N_NODES, dtype=jnp.int32)
    params = _make_params(kp)
    return {'x': x, 'edge_index': edge_index, 'params': params}


def _bn_nodes(h, g, b, eps=1e-5):
    m = h.mean(axis=0)
    v = h.var(axis=0)
    return g * (h - m) / jnp.sqrt(v + eps) + b


def _bn_seq(h, g, b, eps=1e-5):
    m = h.mean(axis=(0, 2), keepdims=True)
    v = h.var(axis=(0, 2), keepdims=True)
    return g[None, :, None] * (h - m) / jnp.sqrt(v + eps) + b[None, :, None]


def _gcn(h, src, dst, w, b, n):
    loop = jnp.arange(n, dtype=src.dtype)
    s = jnp.concatenate([src, loop])
    d = jnp.concatenate([dst, loop])
    deg = jnp.zeros((n,), jnp.float32).at[d].add(1.0)
    dis = jnp.where(deg > 0, 1.0 / jnp.sqrt(deg), 0.0)
    norm = dis[s] * dis[d]
    hw = h @ w
    msg = hw[s] * norm[:, None]
    out = jnp.zeros((n, w.shape[1]), jnp.float32).at[d].add(msg)
    return out + b


def _causal_conv(h, w, b, dil):
    pad = (w.shape[2] - 1) * dil
    o = jax.lax.conv_general_dilated(h, w, window_strides=(1,), padding=[(pad, 0)], rhs_dilation=(dil,), dimension_numbers=('NCH', 'OIH', 'NCH'))
    return o + b[None, :, None]


def _tblock(h, p, pre, dil):
    o = jax.nn.relu(_bn_seq(_causal_conv(h, p[pre + '_w1'], p[pre + '_b1'], dil), p[pre + '_bn1_g'], p[pre + '_bn1_b']))
    o = jax.nn.relu(_bn_seq(_causal_conv(o, p[pre + '_w2'], p[pre + '_b2'], dil), p[pre + '_bn2_g'], p[pre + '_bn2_b']))
    res = _causal_conv(h, p[pre + '_down_w'], p[pre + '_down_b'], 1)
    return jax.nn.relu(o + res)


def _forward(x, edge_index, p):
    n = x.shape[0]
    src = edge_index[0]
    dst = edge_index[1]
    h = jax.nn.relu(_bn_nodes(_gcn(x, src, dst, p['gcn1_w'], p['gcn1_b'], n), p['bn1_g'], p['bn1_b']))
    h = jax.nn.relu(_bn_nodes(_gcn(h, src, dst, p['gcn2_w'], p['gcn2_b'], n), p['bn2_g'], p['bn2_b']))
    h = jax.nn.relu(_bn_nodes(_gcn(h, src, dst, p['gcn3_w'], p['gcn3_b'], n), p['bn3_g'], p['bn3_b']))
    h = h.reshape(BATCH, NPG, -1)  # (360, 28, 128) -> Conv1d sees C=28, L=128
    t = _tblock(h, p, 'tcn0', 1)
    t = _tblock(t, p, 'tcn1', 2)
    t = _tblock(t, p, 'tcn2', 4)
    t = t[:, :, -1]
    o = t @ p['fc1_w'] + p['fc1_b']
    o = o @ p['fc_w'] + p['fc_b']
    return o


def reference(x, edge_index, params):
    return _forward(x, edge_index, params)

if __name__ == "__main__":
    import jax
    _d = setup_inputs()
    print(jax.jit(kernel)(*tuple(_d.values())))

</pallas_src>

<mosaic_0001>
#map = affine_map<(d0, d1) -> (0)>
#map1 = affine_map<(d0, d1) -> (0, 0)>
module attributes {stable_mosaic.version = 14 : i64} {
  func.func @_deg_counts(%arg0: i32, %arg1: i32, %arg2: memref<322560xi32, #tpu.memory_space<hbm>>, %arg3: memref<32x10240xf32, #tpu.memory_space<hbm>>, %arg4: memref<10080xi32, #tpu.memory_space<vmem>>, %arg5: memref<10240xf32, #tpu.memory_space<vmem>>) attributes {dimension_semantics = [#tpu.dimension_semantics<core_parallel>, #tpu.dimension_semantics<subcore_parallel>], iteration_bounds = array<i64: 2, 16>, scalar_prefetch = 0 : i64, scratch_operands = 2 : i64, tpu.core_type = #tpu.core_type<sc_vector_subcore>, window_params = [{transform_indices = #map}, {transform_indices = #map1}]} {
    %mul3A = arith.constant 16 : i32
    %mul3A_0 = arith.muli %arg0, %mul3A : i32
    %add3A = arith.addi %mul3A_0, %arg1 : i32
    %broadcast_in_dim3A = arith.constant 0.000000e+00 : f32
    %broadcast_in_dim3A_1 = vector.broadcast %broadcast_in_dim3A : f32 to vector<16xf32>
    %scan3A = arith.constant 0 : i32
    %scan3A_2 = arith.constant 0 : i32
    %scan3A_3 = arith.constant 640 : i32
    %scan3A_4 = arith.addi %scan3A_2, %scan3A_3 : i32
    %scan3A_5 = arith.constant 1 : i32
    scf.for %scan3A_17 = %scan3A_2 to %scan3A_4 step %scan3A_5  : i32 {
      %mul3A_18 = arith.constant 16 : i32
      %mul3A_19 = arith.muli %scan3A_17, %mul3A_18 : i32
      %swap3A = arith.index_cast %mul3A_19 : i32 to index
      %swap3A_20 = tpu.vector_load %arg5[%swap3A] {strides = array<i32>} : memref<10240xf32, #tpu.memory_space<vmem>>, vector<16xf32>,
      tpu.vector_store %arg5[%swap3A], %broadcast_in_dim3A_1 {strides = array<i32>} : memref<10240xf32, #tpu.memory_space<vmem>>, vector<16xf32>,
    }
    %scan3A_6 = arith.constant 640 : i32
    %mul3A_7 = arith.constant 10080 : i32
    %mul3A_8 = arith.muli %add3A, %mul3A_7 : i32
    "tpu.region"() ({
      %run_scoped3A = tpu.sem_alloc : memref<!tpu.dma_semaphore, #tpu.memory_space<semaphore_mem>>
      %dma_start3A = tpu.memref_slice %arg2[%mul3A_8] : memref<322560xi32, #tpu.memory_space<hbm>> -> memref<10080xi32, #tpu.memory_space<hbm>>
      %dma_start3A_17 = tpu.memref_slice %arg2[%mul3A_8] : memref<322560xi32, #tpu.memory_space<hbm>> -> memref<10080xi32, #tpu.memory_space<hbm>>
      tpu.enqueue_dma source(%dma_start3A_17 : memref<10080xi32, #tpu.memory_space<hbm>>) target(%arg4 : memref<10080xi32, #tpu.memory_space<vmem>>) target_semaphore(%run_scoped3A : memref<!tpu.dma_semaphore, #tpu.memory_space<semaphore_mem>>)
      %dma_wait3A = tpu.memref_slice %arg2[%mul3A_8] : memref<322560xi32, #tpu.memory_space<hbm>> -> memref<10080xi32, #tpu.memory_space<hbm>>
      %dma_wait3A_18 = tpu.memref_slice %arg2[%mul3A_8] : memref<322560xi32, #tpu.memory_space<hbm>> -> memref<10080xi32, #tpu.memory_space<hbm>>
      tpu.wait_dma2 semaphore(%run_scoped3A : memref<!tpu.dma_semaphore, #tpu.memory_space<semaphore_mem>>) src(%dma_wait3A_18 : memref<10080xi32, #tpu.memory_space<hbm>>) dst(%arg4 : memref<10080xi32, #tpu.memory_space<vmem>>)
      tpu.yield
    }) : () -> ()
    %broadcast_in_dim3A_9 = arith.constant 1.000000e+00 : f32
    %broadcast_in_dim3A_10 = vector.broadcast %broadcast_in_dim3A_9 : f32 to vector<16xf32>
    %scan3A_11 = arith.constant 0 : i32
    %scan3A_12 = arith.constant 0 : i32
    %scan3A_13 = arith.constant 630 : i32
    %scan3A_14 = arith.addi %scan3A_12, %scan3A_13 : i32
    %scan3A_15 = arith.constant 1 : i32
    scf.for %scan3A_17 = %scan3A_12 to %scan3A_14 step %scan3A_15  : i32 {
      %mul3A_18 = arith.constant 16 : i32
      %mul3A_19 = arith.muli %scan3A_17, %mul3A_18 : i32
      %get3A = arith.index_cast %mul3A_19 : i32 to index
      %get3A_20 = tpu.vector_load %arg4[%get3A] {strides = array<i32>} : memref<10080xi32, #tpu.memory_space<vmem>>, vector<16xi32>,
      tpu.vector_store_idx %arg5[%get3A_20], %broadcast_in_dim3A_10 {add = true} : memref<10240xf32, #tpu.memory_space<vmem>>[vector<16xi32>], vector<16xf32>,
    }
    %scan3A_16 = arith.constant 630 : i32
    "tpu.region"() ({
      %run_scoped3A = tpu.sem_alloc : memref<!tpu.dma_semaphore, #tpu.memory_space<semaphore_mem>>
      %dma_start3A = arith.constant 0 : i32
      %dma_start3A_17 = tpu.memref_slice %arg3[%add3A, %dma_start3A] : memref<32x10240xf32, #tpu.memory_space<hbm>> -> memref<1x10240xf32, #tpu.memory_space<hbm>>
      %dma_start3A_18 = tpu.memref_squeeze %dma_start3A_17 : memref<1x10240xf32, #tpu.memory_space<hbm>> -> memref<10240xf32, #tpu.memory_space<hbm>>
      %dma_start3A_19 = arith.constant 0 : i32
      %dma_start3A_20 = tpu.memref_slice %arg3[%add3A, %dma_start3A_19] : memref<32x10240xf32, #tpu.memory_space<hbm>> -> memref<1x10240xf32, #tpu.memory_space<hbm>>
      %dma_start3A_21 = tpu.memref_squeeze %dma_start3A_20 : memref<1x10240xf32, #tpu.memory_space<hbm>> -> memref<10240xf32, #tpu.memory_space<hbm>>
      tpu.enqueue_dma source(%arg5 : memref<10240xf32, #tpu.memory_space<vmem>>) target(%dma_start3A_21 : memref<10240xf32, #tpu.memory_space<hbm>>) target_semaphore(%run_scoped3A : memref<!tpu.dma_semaphore, #tpu.memory_space<semaphore_mem>>)
      %dma_wait3A = arith.constant 0 : i32
      %dma_wait3A_22 = tpu.memref_slice %arg3[%add3A, %dma_wait3A] : memref<32x10240xf32, #tpu.memory_space<hbm>> -> memref<1x10240xf32, #tpu.memory_space<hbm>>
      %dma_wait3A_23 = tpu.memref_squeeze %dma_wait3A_22 : memref<1x10240xf32, #tpu.memory_space<hbm>> -> memref<10240xf32, #tpu.memory_space<hbm>>
      %dma_wait3A_24 = arith.constant 0 : i32
      %dma_wait3A_25 = tpu.memref_slice %arg3[%add3A, %dma_wait3A_24] : memref<32x10240xf32, #tpu.memory_space<hbm>> -> memref<1x10240xf32, #tpu.memory_space<hbm>>
      %dma_wait3A_26 = tpu.memref_squeeze %dma_wait3A_25 : memref<1x10240xf32, #tpu.memory_space<hbm>> -> memref<10240xf32, #tpu.memory_space<hbm>>
      tpu.wait_dma2 semaphore(%run_scoped3A : memref<!tpu.dma_semaphore, #tpu.memory_space<semaphore_mem>>) src(%arg5 : memref<10240xf32, #tpu.memory_space<vmem>>) dst(%dma_wait3A_26 : memref<10240xf32, #tpu.memory_space<hbm>>)
      tpu.yield
    }) : () -> ()
    return
  }
}

#map = affine_map<(d0, d1) -> (0)>
#map1 = affine_map<(d0, d1) -> (0, 0)>
#map2 = affine_map<(d0, d1) -> (0, 0, 0)>
module attributes {stable_mosaic.version = 14 : i64} {
  func.func @_msg(%arg0: i32, %arg1: i32, %arg2: memref<322560xi32, #tpu.memory_space<hbm>>, %arg3: memref<2880x112xi32, #tpu.memory_space<hbm>>, %arg4: memref<10080x128xf32, #tpu.memory_space<hbm>>, %arg5: memref<2x10080x128xf32, #tpu.memory_space<hbm>>, %arg6: memref<10080xi32, #tpu.memory_space<vmem>>, %arg7: memref<90x112xi32, #tpu.memory_space<vmem>>, %arg8: memref<112x128xf32, #tpu.memory_space<vmem>>, %arg9: memref<112x128xf32, #tpu.memory_space<vmem>>, %arg10: memref<10080x128xf32, #tpu.memory_space<vmem_shared>>, %arg11: memref<!tpu.dma_semaphore, #tpu.memory_space<semaphore_mem>>, %arg12: memref<!tpu.dma_semaphore, #tpu.memory_space<semaphore_mem>>, %arg13: memref<!tpu.dma_semaphore, #tpu.memory_space<semaphore_mem>>, %arg14: memref<!tpu.dma_semaphore, #tpu.memory_space<semaphore_mem>>) attributes {dimension_semantics = [#tpu.dimension_semantics<core_parallel>, #tpu.dimension_semantics<subcore_parallel>], iteration_bounds = array<i64: 2, 16>, scalar_prefetch = 0 : i64, scratch_operands = 9 : i64, tpu.core_type = #tpu.core_type<sc_vector_subcore>, window_params = [{transform_indices = #map}, {transform_indices = #map1}, {transform_indices = #map1}, {transform_indices = #map2}]} {
    %mul3A = arith.constant 16 : i32
    %mul3A_0 = arith.muli %arg0, %mul3A : i32
    %add3A = arith.addi %mul3A_0, %arg1 : i32
    %mul3A_1 = arith.constant 630 : i32
    %mul3A_2 = arith.muli %arg1, %mul3A_1 : i32
    %mul3A_3 = arith.constant 10080 : i32
    %mul3A_4 = arith.muli %add3A, %mul3A_3 : i32
    "tpu.region"() ({
      %run_scoped3A = tpu.sem_alloc : memref<!tpu.dma_semaphore, #tpu.memory_space<semaphore_mem>>
      %dma_start3A_35 = tpu.memref_slice %arg2[%mul3A_4] : memref<322560xi32, #tpu.memory_space<hbm>> -> memref<10080xi32, #tpu.memory_space<hbm>>
      %dma_start3A_36 = tpu.memref_slice %arg2[%mul3A_4] : memref<322560xi32, #tpu.memory_space<hbm>> -> memref<10080xi32, #tpu.memory_space<hbm>>
      tpu.enqueue_dma source(%dma_start3A_36 : memref<10080xi32, #tpu.memory_space<hbm>>) target(%arg6 : memref<10080xi32, #tpu.memory_space<vmem>>) target_semaphore(%run_scoped3A : memref<!tpu.dma_semaphore, #tpu.memory_space<semaphore_mem>>)
      %dma_wait3A_37 = tpu.memref_slice %arg2[%mul3A_4] : memref<322560xi32, #tpu.memory_space<hbm>> -> memref<10080xi32, #tpu.memory_space<hbm>>
      %dma_wait3A_38 = tpu.memref_slice %arg2[%mul3A_4] : memref<322560xi32, #tpu.memory_space<hbm>> -> memref<10080xi32, #tpu.memory_space<hbm>>
      tpu.wait_dma2 semaphore(%run_scoped3A : memref<!tpu.dma_semaphore, #tpu.memory_space<semaphore_mem>>) src(%dma_wait3A_38 : memref<10080xi32, #tpu.memory_space<hbm>>) dst(%arg6 : memref<10080xi32, #tpu.memory_space<vmem>>)
      tpu.yield
    }) : () -> ()
    %mul3A_5 = arith.constant 90 : i32
    %mul3A_6 = arith.muli %add3A, %mul3A_5 : i32
    "tpu.region"() ({
      %run_scoped3A = tpu.sem_alloc : memref<!tpu.dma_semaphore, #tpu.memory_space<semaphore_mem>>
      %dma_start3A_35 = arith.constant 0 : i32
      %dma_start3A_36 = tpu.memref_slice %arg3[%mul3A_6, %dma_start3A_35] : memref<2880x112xi32, #tpu.memory_space<hbm>> -> memref<90x112xi32, #tpu.memory_space<hbm>>
      %dma_start3A_37 = arith.constant 0 : i32
      %dma_start3A_38 = tpu.memref_slice %arg3[%mul3A_6, %dma_start3A_37] : memref<2880x112xi32, #tpu.memory_space<hbm>> -> memref<90x112xi32, #tpu.memory_space<hbm>>
      tpu.enqueue_dma source(%dma_start3A_38 : memref<90x112xi32, #tpu.memory_space<hbm>>) target(%arg7 : memref<90x112xi32, #tpu.memory_space<vmem>>) target_semaphore(%run_scoped3A : memref<!tpu.dma_semaphore, #tpu.memory_space<semaphore_mem>>)
      %dma_wait3A_39 = arith.constant 0 : i32
      %dma_wait3A_40 = tpu.memref_slice %arg3[%mul3A_6, %dma_wait3A_39] : memref<2880x112xi32, #tpu.memory_space<hbm>> -> memref<90x112xi32, #tpu.memory_space<hbm>>
      %dma_wait3A_41 = arith.constant 0 : i32
      %dma_wait3A_42 = tpu.memref_slice %arg3[%mul3A_6, %dma_wait3A_41] : memref<2880x112xi32, #tpu.memory_space<hbm>> -> memref<90x112xi32, #tpu.memory_space<hbm>>
      tpu.wait_dma2 semaphore(%run_scoped3A : memref<!tpu.dma_semaphore, #tpu.memory_space<semaphore_mem>>) src(%dma_wait3A_42 : memref<90x112xi32, #tpu.memory_space<hbm>>) dst(%arg7 : memref<90x112xi32, #tpu.memory_space<vmem>>)
      tpu.yield
    }) : () -> ()
    "tpu.region"() ({
      %run_scoped3A = tpu.sem_alloc : memref<!tpu.dma_semaphore, #tpu.memory_space<semaphore_mem>>
      %dma_start3A_35 = arith.constant 0 : i32
      %dma_start3A_36 = tpu.memref_slice %arg10[%mul3A_2, %dma_start3A_35] : memref<10080x128xf32, #tpu.memory_space<vmem_shared>> -> memref<630x128xf32, #tpu.memory_space<vmem_shared>>
      %dma_start3A_37 = arith.constant 0 : i32
      %dma_start3A_38 = tpu.memref_slice %arg4[%mul3A_2, %dma_start3A_37] : memref<10080x128xf32, #tpu.memory_space<hbm>> -> memref<630x128xf32, #tpu.memory_space<hbm>>
      tpu.enqueue_dma source(%dma_start3A_38 : memref<630x128xf32, #tpu.memory_space<hbm>>) target(%dma_start3A_36 : memref<630x128xf32, #tpu.memory_space<vmem_shared>>) target_semaphore(%run_scoped3A : memref<!tpu.dma_semaphore, #tpu.memory_space<semaphore_mem>>)
      %dma_wait3A_39 = arith.constant 0 : i32
      %dma_wait3A_40 = tpu.memref_slice %arg10[%mul3A_2, %dma_wait3A_39] : memref<10080x128xf32, #tpu.memory_space<vmem_shared>> -> memref<630x128xf32, #tpu.memory_space<vmem_shared>>
      %dma_wait3A_41 = arith.constant 0 : i32
      %dma_wait3A_42 = tpu.memref_slice %arg4[%mul3A_2, %dma_wait3A_41] : memref<10080x128xf32, #tpu.memory_space<hbm>> -> memref<630x128xf32, #tpu.memory_space<hbm>>
      tpu.wait_dma2 semaphore(%run_scoped3A : memref<!tpu.dma_semaphore, #tpu.memory_space<semaphore_mem>>) src(%dma_wait3A_42 : memref<630x128xf32, #tpu.memory_space<hbm>>) dst(%dma_wait3A_40 : memref<630x128xf32, #tpu.memory_space<vmem_shared>>)
      tpu.yield
    }) : () -> ()
    %barrier3A = arith.constant 0 : index
    tpu.barrier barrier_id(%barrier3A)
    %dma_start3A = arith.constant 0 : i32
    %dma_start3A_7 = tpu.memref_slice %arg6[%dma_start3A] : memref<10080xi32, #tpu.memory_space<vmem>> -> memref<112xi32, #tpu.memory_space<vmem>>
    %dma_start3A_8 = arith.constant 0 : i32
    %dma_start3A_9 = arith.constant 0 : i32
    %dma_start3A_10 = tpu.memref_slice %arg4[%dma_start3A_8, %dma_start3A_9] : memref<10080x128xf32, #tpu.memory_space<hbm>> -> memref<10080x128xf32, #tpu.memory_space<hbm>>
    tpu.enqueue_indirect_dma source(%dma_start3A_10 : memref<10080x128xf32, #tpu.memory_space<hbm>>) target(%arg8 : memref<112x128xf32, #tpu.memory_space<vmem>>) offsets(%dma_start3A_7 : memref<112xi32, #tpu.memory_space<vmem>>) semaphore(%arg11 : memref<!tpu.dma_semaphore, #tpu.memory_space<semaphore_mem>>)
    %dma_start3A_11 = arith.constant 112 : i32
    %dma_start3A_12 = tpu.memref_slice %arg6[%dma_start3A_11] : memref<10080xi32, #tpu.memory_space<vmem>> -> memref<112xi32, #tpu.memory_space<vmem>>
    %dma_start3A_13 = arith.constant 0 : i32
    %dma_start3A_14 = arith.constant 0 : i32
    %dma_start3A_15 = tpu.memref_slice %arg4[%dma_start3A_13, %dma_start3A_14] : memref<10080x128xf32, #tpu.memory_space<hbm>> -> memref<10080x128xf32, #tpu.memory_space<hbm>>
    tpu.enqueue_indirect_dma source(%dma_start3A_15 : memref<10080x128xf32, #tpu.memory_space<hbm>>) target(%arg9 : memref<112x128xf32, #tpu.memory_space<vmem>>) offsets(%dma_start3A_12 : memref<112xi32, #tpu.memory_space<vmem>>) semaphore(%arg12 : memref<!tpu.dma_semaphore, #tpu.memory_space<semaphore_mem>>)
    %scan3A = arith.constant 0 : i32
    %scan3A_16 = arith.constant 0 : i32
    %scan3A_17 = arith.constant 45 : i32
    %scan3A_18 = arith.addi %scan3A_16, %scan3A_17 : i32
    %scan3A_19 = arith.constant 1 : i32
    scf.for %scan3A_35 = %scan3A_16 to %scan3A_18 step %scan3A_19  : i32 {
      %mul3A_36 = arith.constant 2 : i32
      %mul3A_37 = arith.muli %scan3A_35, %mul3A_36 : i32
      %mul3A_38 = arith.constant 112 : i32
      %mul3A_39 = arith.muli %mul3A_37, %mul3A_38 : i32
      %dma_wait3A_40 = tpu.memref_slice %arg6[%mul3A_39] : memref<10080xi32, #tpu.memory_space<vmem>> -> memref<112xi32, #tpu.memory_space<vmem>>
      %dma_wait3A_41 = arith.constant 0 : i32
      %dma_wait3A_42 = arith.constant 0 : i32
      %dma_wait3A_43 = tpu.memref_slice %arg4[%dma_wait3A_41, %dma_wait3A_42] : memref<10080x128xf32, #tpu.memory_space<hbm>> -> memref<10080x128xf32, #tpu.memory_space<hbm>>
      tpu.wait_indirect_dma semaphore(%arg11 : memref<!tpu.dma_semaphore, #tpu.memory_space<semaphore_mem>>) src(%dma_wait3A_43 : memref<10080x128xf32, #tpu.memory_space<hbm>>) dst(%arg8 : memref<112x128xf32, #tpu.memory_space<vmem>>)
      %dma_start3A_44 = arith.constant 0 : i32
      %dma_start3A_45 = tpu.memref_slice %arg7[%mul3A_37, %dma_start3A_44] : memref<90x112xi32, #tpu.memory_space<vmem>> -> memref<1x112xi32, #tpu.memory_space<vmem>>
      %dma_start3A_46 = tpu.memref_squeeze %dma_start3A_45 : memref<1x112xi32, #tpu.memory_space<vmem>> -> memref<112xi32, #tpu.memory_space<vmem>>
      %dma_start3A_47 = arith.constant 0 : i32
      %dma_start3A_48 = arith.constant 0 : i32
      %dma_start3A_49 = tpu.memref_slice %arg10[%dma_start3A_47, %dma_start3A_48] : memref<10080x128xf32, #tpu.memory_space<vmem_shared>> -> memref<10080x128xf32, #tpu.memory_space<vmem_shared>>
      tpu.enqueue_indirect_dma source(%arg8 : memref<112x128xf32, #tpu.memory_space<vmem>>) target(%dma_start3A_49 : memref<10080x128xf32, #tpu.memory_space<vmem_shared>>) offsets(%dma_start3A_46 : memref<112xi32, #tpu.memory_space<vmem>>) semaphore(%arg13 : memref<!tpu.dma_semaphore, #tpu.memory_space<semaphore_mem>>) {add = true}
      %add3A_50 = arith.constant 2 : i32
      %add3A_51 = arith.addi %mul3A_37, %add3A_50 : i32
      %lt3A = arith.constant 90 : i32
      %lt3A_52 = arith.cmpi slt, %add3A_51, %lt3A : i32
      %convert_element_type3A = arith.extui %lt3A_52 : i1 to i32
      %cond3A = arith.constant 0 : i32
      %cond3A_53 = arith.cmpi ne, %convert_element_type3A, %cond3A : i32
      scf.if %cond3A_53 {
        %dma_wait3A_77 = arith.constant 0 : i32
        %dma_wait3A_78 = tpu.memref_slice %arg7[%mul3A_37, %dma_wait3A_77] : memref<90x112xi32, #tpu.memory_space<vmem>> -> memref<1x112xi32, #tpu.memory_space<vmem>>
        %dma_wait3A_79 = tpu.memref_squeeze %dma_wait3A_78 : memref<1x112xi32, #tpu.memory_space<vmem>> -> memref<112xi32, #tpu.memory_space<vmem>>
        %dma_wait3A_80 = arith.constant 0 : i32
        %dma_wait3A_81 = arith.constant 0 : i32
        %dma_wait3A_82 = tpu.memref_slice %arg10[%dma_wait3A_80, %dma_wait3A_81] : memref<10080x128xf32, #tpu.memory_space<vmem_shared>> -> memref<10080x128xf32, #tpu.memory_space<vmem_shared>>
        tpu.wait_indirect_dma semaphore(%arg13 : memref<!tpu.dma_semaphore, #tpu.memory_space<semaphore_mem>>) src(%arg8 : memref<112x128xf32, #tpu.memory_space<vmem>>) dst(%dma_wait3A_82 : memref<10080x128xf32, #tpu.memory_space<vmem_shared>>)
        %add3A_83 = arith.constant 2 : i32
        %add3A_84 = arith.addi %mul3A_37, %add3A_83 : i32
        %mul3A_85 = arith.constant 112 : i32
        %mul3A_86 = arith.muli %add3A_84, %mul3A_85 : i32
        %dma_start3A_87 = tpu.memref_slice %arg6[%mul3A_86] : memref<10080xi32, #tpu.memory_space<vmem>> -> memref<112xi32, #tpu.memory_space<vmem>>
        %dma_start3A_88 = arith.constant 0 : i32
        %dma_start3A_89 = arith.constant 0 : i32
        %dma_start3A_90 = tpu.memref_slice %arg4[%dma_start3A_88, %dma_start3A_89] : memref<10080x128xf32, #tpu.memory_space<hbm>> -> memref<10080x128xf32, #tpu.memory_space<hbm>>
        tpu.enqueue_indirect_dma source(%dma_start3A_90 : memref<10080x128xf32, #tpu.memory_space<hbm>>) target(%arg8 : memref<112x128xf32, #tpu.memory_space<vmem>>) offsets(%dma_start3A_87 : memref<112xi32, #tpu.memory_space<vmem>>) semaphore(%arg11 : memref<!tpu.dma_semaphore, #tpu.memory_space<semaphore_mem>>)
      } else {
      }
      %mul3A_54 = arith.constant 2 : i32
      %mul3A_55 = arith.muli %scan3A_35, %mul3A_54 : i32
      %add3A_56 = arith.constant 1 : i32
      %add3A_57 = arith.addi %mul3A_55, %add3A_56 : i32
      %mul3A_58 = arith.constant 112 : i32
      %mul3A_59 = arith.muli %add3A_57, %mul3A_58 : i32
      %dma_wait3A_60 = tpu.memref_slice %arg6[%mul3A_59] : memref<10080xi32, #tpu.memory_space<vmem>> -> memref<112xi32, #tpu.memory_space<vmem>>
      %dma_wait3A_61 = arith.constant 0 : i32
      %dma_wait3A_62 = arith.constant 0 : i32
      %dma_wait3A_63 = tpu.memref_slice %arg4[%dma_wait3A_61, %dma_wait3A_62] : memref<10080x128xf32, #tpu.memory_space<hbm>> -> memref<10080x128xf32, #tpu.memory_space<hbm>>
      tpu.wait_indirect_dma semaphore(%arg12 : memref<!tpu.dma_semaphore, #tpu.memory_space<semaphore_mem>>) src(%dma_wait3A_63 : memref<10080x128xf32, #tpu.memory_space<hbm>>) dst(%arg9 : memref<112x128xf32, #tpu.memory_space<vmem>>)
      %dma_start3A_64 = arith.constant 0 : i32
      %dma_start3A_65 = tpu.memref_slice %arg7[%add3A_57, %dma_start3A_64] : memref<90x112xi32, #tpu.memory_space<vmem>> -> memref<1x112xi32, #tpu.memory_space<vmem>>
      %dma_start3A_66 = tpu.memref_squeeze %dma_start3A_65 : memref<1x112xi32, #tpu.memory_space<vmem>> -> memref<112xi32, #tpu.memory_space<vmem>>
      %dma_start3A_67 = arith.constant 0 : i32
      %dma_start3A_68 = arith.constant 0 : i32
      %dma_start3A_69 = tpu.memref_slice %arg10[%dma_start3A_67, %dma_start3A_68] : memref<10080x128xf32, #tpu.memory_space<vmem_shared>> -> memref<10080x128xf32, #tpu.memory_space<vmem_shared>>
      tpu.enqueue_indirect_dma source(%arg9 : memref<112x128xf32, #tpu.memory_space<vmem>>) target(%dma_start3A_69 : memref<10080x128xf32, #tpu.memory_space<vmem_shared>>) offsets(%dma_start3A_66 : memref<112xi32, #tpu.memory_space<vmem>>) semaphore(%arg14 : memref<!tpu.dma_semaphore, #tpu.memory_space<semaphore_mem>>) {add = true}
      %add3A_70 = arith.constant 2 : i32
      %add3A_71 = arith.addi %add3A_57, %add3A_70 : i32
      %lt3A_72 = arith.constant 90 : i32
      %lt3A_73 = arith.cmpi slt, %add3A_71, %lt3A_72 : i32
      %convert_element_type3A_74 = arith.extui %lt3A_73 : i1 to i32
      %cond3A_75 = arith.constant 0 : i32
      %cond3A_76 = arith.cmpi ne, %convert_element_type3A_74, %cond3A_75 : i32
      scf.if %cond3A_76 {
        %dma_wait3A_77 = arith.constant 0 : i32
        %dma_wait3A_78 = tpu.memref_slice %arg7[%add3A_57, %dma_wait3A_77] : memref<90x112xi32, #tpu.memory_space<vmem>> -> memref<1x112xi32, #tpu.memory_space<vmem>>
        %dma_wait3A_79 = tpu.memref_squeeze %dma_wait3A_78 : memref<1x112xi32, #tpu.memory_space<vmem>> -> memref<112xi32, #tpu.memory_space<vmem>>
        %dma_wait3A_80 = arith.constant 0 : i32
        %dma_wait3A_81 = arith.constant 0 : i32
        %dma_wait3A_82 = tpu.memref_slice %arg10[%dma_wait3A_80, %dma_wait3A_81] : memref<10080x128xf32, #tpu.memory_space<vmem_shared>> -> memref<10080x128xf32, #tpu.memory_space<vmem_shared>>
        tpu.wait_indirect_dma semaphore(%arg14 : memref<!tpu.dma_semaphore, #tpu.memory_space<semaphore_mem>>) src(%arg9 : memref<112x128xf32, #tpu.memory_space<vmem>>) dst(%dma_wait3A_82 : memref<10080x128xf32, #tpu.memory_space<vmem_shared>>)
        %add3A_83 = arith.constant 2 : i32
        %add3A_84 = arith.addi %add3A_57, %add3A_83 : i32
        %mul3A_85 = arith.constant 112 : i32
        %mul3A_86 = arith.muli %add3A_84, %mul3A_85 : i32
        %dma_start3A_87 = tpu.memref_slice %arg6[%mul3A_86] : memref<10080xi32, #tpu.memory_space<vmem>> -> memref<112xi32, #tpu.memory_space<vmem>>
        %dma_start3A_88 = arith.constant 0 : i32
        %dma_start3A_89 = arith.constant 0 : i32
        %dma_start3A_90 = tpu.memref_slice %arg4[%dma_start3A_88, %dma_start3A_89] : memref<10080x128xf32, #tpu.memory_space<hbm>> -> memref<10080x128xf32, #tpu.memory_space<hbm>>
        tpu.enqueue_indirect_dma source(%dma_start3A_90 : memref<10080x128xf32, #tpu.memory_space<hbm>>) target(%arg9 : memref<112x128xf32, #tpu.memory_space<vmem>>) offsets(%dma_start3A_87 : memref<112xi32, #tpu.memory_space<vmem>>) semaphore(%arg12 : memref<!tpu.dma_semaphore, #tpu.memory_space<semaphore_mem>>)
      } else {
      }
    }
    %scan3A_20 = arith.constant 45 : i32
    %dma_wait3A = arith.constant 88 : i32
    %dma_wait3A_21 = arith.constant 0 : i32
    %dma_wait3A_22 = tpu.memref_slice %arg7[%dma_wait3A, %dma_wait3A_21] : memref<90x112xi32, #tpu.memory_space<vmem>> -> memref<1x112xi32, #tpu.memory_space<vmem>>
    %dma_wait3A_23 = tpu.memref_squeeze %dma_wait3A_22 : memref<1x112xi32, #tpu.memory_space<vmem>> -> memref<112xi32, #tpu.memory_space<vmem>>
    %dma_wait3A_24 = arith.constant 0 : i32
    %dma_wait3A_25 = arith.constant 0 : i32
    %dma_wait3A_26 = tpu.memref_slice %arg10[%dma_wait3A_24, %dma_wait3A_25] : memref<10080x128xf32, #tpu.memory_space<vmem_shared>> -> memref<10080x128xf32, #tpu.memory_space<vmem_shared>>
    tpu.wait_indirect_dma semaphore(%arg13 : memref<!tpu.dma_semaphore, #tpu.memory_space<semaphore_mem>>) src(%arg8 : memref<112x128xf32, #tpu.memory_space<vmem>>) dst(%dma_wait3A_26 : memref<10080x128xf32, #tpu.memory_space<vmem_shared>>)
    %dma_wait3A_27 = arith.constant 89 : i32
    %dma_wait3A_28 = arith.constant 0 : i32
    %dma_wait3A_29 = tpu.memref_slice %arg7[%dma_wait3A_27, %dma_wait3A_28] : memref<90x112xi32, #tpu.memory_space<vmem>> -> memref<1x112xi32, #tpu.memory_space<vmem>>
    %dma_wait3A_30 = tpu.memref_squeeze %dma_wait3A_29 : memref<1x112xi32, #tpu.memory_space<vmem>> -> memref<112xi32, #tpu.memory_space<vmem>>
    %dma_wait3A_31 = arith.constant 0 : i32
    %dma_wait3A_32 = arith.constant 0 : i32
    %dma_wait3A_33 = tpu.memref_slice %arg10[%dma_wait3A_31, %dma_wait3A_32] : memref<10080x128xf32, #tpu.memory_space<vmem_shared>> -> memref<10080x128xf32, #tpu.memory_space<vmem_shared>>
    tpu.wait_indirect_dma semaphore(%arg14 : memref<!tpu.dma_semaphore, #tpu.memory_space<semaphore_mem>>) src(%arg9 : memref<112x128xf32, #tpu.memory_space<vmem>>) dst(%dma_wait3A_33 : memref<10080x128xf32, #tpu.memory_space<vmem_shared>>)
    %barrier3A_34 = arith.constant 0 : index
    tpu.barrier barrier_id(%barrier3A_34)
    "tpu.region"() ({
      %run_scoped3A = tpu.sem_alloc : memref<!tpu.dma_semaphore, #tpu.memory_space<semaphore_mem>>
      %dma_start3A_35 = arith.constant 0 : i32
      %dma_start3A_36 = tpu.memref_slice %arg5[%arg0, %mul3A_2, %dma_start3A_35] : memref<2x10080x128xf32, #tpu.memory_space<hbm>> -> memref<1x630x128xf32, #tpu.memory_space<hbm>>
      %dma_start3A_37 = tpu.memref_squeeze %dma_start3A_36 : memref<1x630x128xf32, #tpu.memory_space<hbm>> -> memref<630x128xf32, #tpu.memory_space<hbm>>
      %dma_start3A_38 = arith.constant 0 : i32
      %dma_start3A_39 = tpu.memref_slice %arg10[%mul3A_2, %dma_start3A_38] : memref<10080x128xf32, #tpu.memory_space<vmem_shared>> -> memref<630x128xf32, #tpu.memory_space<vmem_shared>>
      tpu.enqueue_dma source(%dma_start3A_39 : memref<630x128xf32, #tpu.memory_space<vmem_shared>>) target(%dma_start3A_37 : memref<630x128xf32, #tpu.memory_space<hbm>>) target_semaphore(%run_scoped3A : memref<!tpu.dma_semaphore, #tpu.memory_space<semaphore_mem>>)
      %dma_wait3A_40 = arith.constant 0 : i32
      %dma_wait3A_41 = tpu.memref_slice %arg5[%arg0, %mul3A_2, %dma_wait3A_40] : memref<2x10080x128xf32, #tpu.memory_space<hbm>> -> memref<1x630x128xf32, #tpu.memory_space<hbm>>
      %dma_wait3A_42 = tpu.memref_squeeze %dma_wait3A_41 : memref<1x630x128xf32, #tpu.memory_space<hbm>> -> memref<630x128xf32, #tpu.memory_space<hbm>>
      %dma_wait3A_43 = arith.constant 0 : i32
      %dma_wait3A_44 = tpu.memref_slice %arg10[%mul3A_2, %dma_wait3A_43] : memref<10080x128xf32, #tpu.memory_space<vmem_shared>> -> memref<630x128xf32, #tpu.memory_space<vmem_shared>>
      tpu.wait_dma2 semaphore(%run_scoped3A : memref<!tpu.dma_semaphore, #tpu.memory_space<semaphore_mem>>) src(%dma_wait3A_44 : memref<630x128xf32, #tpu.memory_space<vmem_shared>>) dst(%dma_wait3A_42 : memref<630x128xf32, #tpu.memory_space<hbm>>)
      tpu.yield
    }) : () -> ()
    return
  }
}

#map = affine_map<(d0, d1) -> (0)>
#map1 = affine_map<(d0, d1) -> (0, 0)>
#map2 = affine_map<(d0, d1) -> (0, 0, 0)>
module attributes {stable_mosaic.version = 14 : i64} {
  func.func @_msg(%arg0: i32, %arg1: i32, %arg2: memref<322560xi32, #tpu.memory_space<hbm>>, %arg3: memref<2880x112xi32, #tpu.memory_space<hbm>>, %arg4: memref<10080x128xf32, #tpu.memory_space<hbm>>, %arg5: memref<2x10080x128xf32, #tpu.memory_space<hbm>>, %arg6: memref<10080xi32, #tpu.memory_space<vmem>>, %arg7: memref<90x112xi32, #tpu.memory_space<vmem>>, %arg8: memref<112x128xf32, #tpu.memory_space<vmem>>, %arg9: memref<112x128xf32, #tpu.memory_space<vmem>>, %arg10: memref<10080x128xf32, #tpu.memory_space<vmem_shared>>, %arg11: memref<!tpu.dma_semaphore, #tpu.memory_space<semaphore_mem>>, %arg12: memref<!tpu.dma_semaphore, #tpu.memory_space<semaphore_mem>>, %arg13: memref<!tpu.dma_semaphore, #tpu.memory_space<semaphore_mem>>, %arg14: memref<!tpu.dma_semaphore, #tpu.memory_space<semaphore_mem>>) attributes {dimension_semantics = [#tpu.dimension_semantics<core_parallel>, #tpu.dimension_semantics<subcore_parallel>], iteration_bounds = array<i64: 2, 16>, scalar_prefetch = 0 : i64, scratch_operands = 9 : i64, tpu.core_type = #tpu.core_type<sc_vector_subcore>, window_params = [{transform_indices = #map}, {transform_indices = #map1}, {transform_indices = #map1}, {transform_indices = #map2}]} {
    %mul3A = arith.constant 16 : i32
    %mul3A_0 = arith.muli %arg0, %mul3A : i32
    %add3A = arith.addi %mul3A_0, %arg1 : i32
    %mul3A_1 = arith.constant 630 : i32
    %mul3A_2 = arith.muli %arg1, %mul3A_1 : i32
    %mul3A_3 = arith.constant 10080 : i32
    %mul3A_4 = arith.muli %add3A, %mul3A_3 : i32
    "tpu.region"() ({
      %run_scoped3A = tpu.sem_alloc : memref<!tpu.dma_semaphore, #tpu.memory_space<semaphore_mem>>
      %dma_start3A_35 = tpu.memref_slice %arg2[%mul3A_4] : memref<322560xi32, #tpu.memory_space<hbm>> -> memref<10080xi32, #tpu.memory_space<hbm>>
      %dma_start3A_36 = tpu.memref_slice %arg2[%mul3A_4] : memref<322560xi32, #tpu.memory_space<hbm>> -> memref<10080xi32, #tpu.memory_space<hbm>>
      tpu.enqueue_dma source(%dma_start3A_36 : memref<10080xi32, #tpu.memory_space<hbm>>) target(%arg6 : memref<10080xi32, #tpu.memory_space<vmem>>) target_semaphore(%run_scoped3A : memref<!tpu.dma_semaphore, #tpu.memory_space<semaphore_mem>>)
      %dma_wait3A_37 = tpu.memref_slice %arg2[%mul3A_4] : memref<322560xi32, #tpu.memory_space<hbm>> -> memref<10080xi32, #tpu.memory_space<hbm>>
      %dma_wait3A_38 = tpu.memref_slice %arg2[%mul3A_4] : memref<322560xi32, #tpu.memory_space<hbm>> -> memref<10080xi32, #tpu.memory_space<hbm>>
      tpu.wait_dma2 semaphore(%run_scoped3A : memref<!tpu.dma_semaphore, #tpu.memory_space<semaphore_mem>>) src(%dma_wait3A_38 : memref<10080xi32, #tpu.memory_space<hbm>>) dst(%arg6 : memref<10080xi32, #tpu.memory_space<vmem>>)
      tpu.yield
    }) : () -> ()
    %mul3A_5 = arith.constant 90 : i32
    %mul3A_6 = arith.muli %add3A, %mul3A_5 : i32
    "tpu.region"() ({
      %run_scoped3A = tpu.sem_alloc : memref<!tpu.dma_semaphore, #tpu.memory_space<semaphore_mem>>
      %dma_start3A_35 = arith.constant 0 : i32
      %dma_start3A_36 = tpu.memref_slice %arg3[%mul3A_6, %dma_start3A_35] : memref<2880x112xi32, #tpu.memory_space<hbm>> -> memref<90x112xi32, #tpu.memory_space<hbm>>
      %dma_start3A_37 = arith.constant 0 : i32
      %dma_start3A_38 = tpu.memref_slice %arg3[%mul3A_6, %dma_start3A_37] : memref<2880x112xi32, #tpu.memory_space<hbm>> -> memref<90x112xi32, #tpu.memory_space<hbm>>
      tpu.enqueue_dma source(%dma_start3A_38 : memref<90x112xi32, #tpu.memory_space<hbm>>) target(%arg7 : memref<90x112xi32, #tpu.memory_space<vmem>>) target_semaphore(%run_scoped3A : memref<!tpu.dma_semaphore, #tpu.memory_space<semaphore_mem>>)
      %dma_wait3A_39 = arith.constant 0 : i32
      %dma_wait3A_40 = tpu.memref_slice %arg3[%mul3A_6, %dma_wait3A_39] : memref<2880x112xi32, #tpu.memory_space<hbm>> -> memref<90x112xi32, #tpu.memory_space<hbm>>
      %dma_wait3A_41 = arith.constant 0 : i32
      %dma_wait3A_42 = tpu.memref_slice %arg3[%mul3A_6, %dma_wait3A_41] : memref<2880x112xi32, #tpu.memory_space<hbm>> -> memref<90x112xi32, #tpu.memory_space<hbm>>
      tpu.wait_dma2 semaphore(%run_scoped3A : memref<!tpu.dma_semaphore, #tpu.memory_space<semaphore_mem>>) src(%dma_wait3A_42 : memref<90x112xi32, #tpu.memory_space<hbm>>) dst(%arg7 : memref<90x112xi32, #tpu.memory_space<vmem>>)
      tpu.yield
    }) : () -> ()
    "tpu.region"() ({
      %run_scoped3A = tpu.sem_alloc : memref<!tpu.dma_semaphore, #tpu.memory_space<semaphore_mem>>
      %dma_start3A_35 = arith.constant 0 : i32
      %dma_start3A_36 = tpu.memref_slice %arg10[%mul3A_2, %dma_start3A_35] : memref<10080x128xf32, #tpu.memory_space<vmem_shared>> -> memref<630x128xf32, #tpu.memory_space<vmem_shared>>
      %dma_start3A_37 = arith.constant 0 : i32
      %dma_start3A_38 = tpu.memref_slice %arg4[%mul3A_2, %dma_start3A_37] : memref<10080x128xf32, #tpu.memory_space<hbm>> -> memref<630x128xf32, #tpu.memory_space<hbm>>
      tpu.enqueue_dma source(%dma_start3A_38 : memref<630x128xf32, #tpu.memory_space<hbm>>) target(%dma_start3A_36 : memref<630x128xf32, #tpu.memory_space<vmem_shared>>) target_semaphore(%run_scoped3A : memref<!tpu.dma_semaphore, #tpu.memory_space<semaphore_mem>>)
      %dma_wait3A_39 = arith.constant 0 : i32
      %dma_wait3A_40 = tpu.memref_slice %arg10[%mul3A_2, %dma_wait3A_39] : memref<10080x128xf32, #tpu.memory_space<vmem_shared>> -> memref<630x128xf32, #tpu.memory_space<vmem_shared>>
      %dma_wait3A_41 = arith.constant 0 : i32
      %dma_wait3A_42 = tpu.memref_slice %arg4[%mul3A_2, %dma_wait3A_41] : memref<10080x128xf32, #tpu.memory_space<hbm>> -> memref<630x128xf32, #tpu.memory_space<hbm>>
      tpu.wait_dma2 semaphore(%run_scoped3A : memref<!tpu.dma_semaphore, #tpu.memory_space<semaphore_mem>>) src(%dma_wait3A_42 : memref<630x128xf32, #tpu.memory_space<hbm>>) dst(%dma_wait3A_40 : memref<630x128xf32, #tpu.memory_space<vmem_shared>>)
      tpu.yield
    }) : () -> ()
    %barrier3A = arith.constant 0 : index
    tpu.barrier barrier_id(%barrier3A)
    %dma_start3A = arith.constant 0 : i32
    %dma_start3A_7 = tpu.memref_slice %arg6[%dma_start3A] : memref<10080xi32, #tpu.memory_space<vmem>> -> memref<112xi32, #tpu.memory_space<vmem>>
    %dma_start3A_8 = arith.constant 0 : i32
    %dma_start3A_9 = arith.constant 0 : i32
    %dma_start3A_10 = tpu.memref_slice %arg4[%dma_start3A_8, %dma_start3A_9] : memref<10080x128xf32, #tpu.memory_space<hbm>> -> memref<10080x128xf32, #tpu.memory_space<hbm>>
    tpu.enqueue_indirect_dma source(%dma_start3A_10 : memref<10080x128xf32, #tpu.memory_space<hbm>>) target(%arg8 : memref<112x128xf32, #tpu.memory_space<vmem>>) offsets(%dma_start3A_7 : memref<112xi32, #tpu.memory_space<vmem>>) semaphore(%arg11 : memref<!tpu.dma_semaphore, #tpu.memory_space<semaphore_mem>>)
    %dma_start3A_11 = arith.constant 112 : i32
    %dma_start3A_12 = tpu.memref_slice %arg6[%dma_start3A_11] : memref<10080xi32, #tpu.memory_space<vmem>> -> memref<112xi32, #tpu.memory_space<vmem>>
    %dma_start3A_13 = arith.constant 0 : i32
    %dma_start3A_14 = arith.constant 0 : i32
    %dma_start3A_15 = tpu.memref_slice %arg4[%dma_start3A_13, %dma_start3A_14] : memref<10080x128xf32, #tpu.memory_space<hbm>> -> memref<10080x128xf32, #tpu.memory_space<hbm>>
    tpu.enqueue_indirect_dma source(%dma_start3A_15 : memref<10080x128xf32, #tpu.memory_space<hbm>>) target(%arg9 : memref<112x128xf32, #tpu.memory_space<vmem>>) offsets(%dma_start3A_12 : memref<112xi32, #tpu.memory_space<vmem>>) semaphore(%arg12 : memref<!tpu.dma_semaphore, #tpu.memory_space<semaphore_mem>>)
    %scan3A = arith.constant 0 : i32
    %scan3A_16 = arith.constant 0 : i32
    %scan3A_17 = arith.constant 45 : i32
    %scan3A_18 = arith.addi %scan3A_16, %scan3A_17 : i32
    %scan3A_19 = arith.constant 1 : i32
    scf.for %scan3A_35 = %scan3A_16 to %scan3A_18 step %scan3A_19  : i32 {
      %mul3A_36 = arith.constant 2 : i32
      %mul3A_37 = arith.muli %scan3A_35, %mul3A_36 : i32
      %mul3A_38 = arith.constant 112 : i32
      %mul3A_39 = arith.muli %mul3A_37, %mul3A_38 : i32
      %dma_wait3A_40 = tpu.memref_slice %arg6[%mul3A_39] : memref<10080xi32, #tpu.memory_space<vmem>> -> memref<112xi32, #tpu.memory_space<vmem>>
      %dma_wait3A_41 = arith.constant 0 : i32
      %dma_wait3A_42 = arith.constant 0 : i32
      %dma_wait3A_43 = tpu.memref_slice %arg4[%dma_wait3A_41, %dma_wait3A_42] : memref<10080x128xf32, #tpu.memory_space<hbm>> -> memref<10080x128xf32, #tpu.memory_space<hbm>>
      tpu.wait_indirect_dma semaphore(%arg11 : memref<!tpu.dma_semaphore, #tpu.memory_space<semaphore_mem>>) src(%dma_wait3A_43 : memref<10080x128xf32, #tpu.memory_space<hbm>>) dst(%arg8 : memref<112x128xf32, #tpu.memory_space<vmem>>)
      %dma_start3A_44 = arith.constant 0 : i32
      %dma_start3A_45 = tpu.memref_slice %arg7[%mul3A_37, %dma_start3A_44] : memref<90x112xi32, #tpu.memory_space<vmem>> -> memref<1x112xi32, #tpu.memory_space<vmem>>
      %dma_start3A_46 = tpu.memref_squeeze %dma_start3A_45 : memref<1x112xi32, #tpu.memory_space<vmem>> -> memref<112xi32, #tpu.memory_space<vmem>>
      %dma_start3A_47 = arith.constant 0 : i32
      %dma_start3A_48 = arith.constant 0 : i32
      %dma_start3A_49 = tpu.memref_slice %arg10[%dma_start3A_47, %dma_start3A_48] : memref<10080x128xf32, #tpu.memory_space<vmem_shared>> -> memref<10080x128xf32, #tpu.memory_space<vmem_shared>>
      tpu.enqueue_indirect_dma source(%arg8 : memref<112x128xf32, #tpu.memory_space<vmem>>) target(%dma_start3A_49 : memref<10080x128xf32, #tpu.memory_space<vmem_shared>>) offsets(%dma_start3A_46 : memref<112xi32, #tpu.memory_space<vmem>>) semaphore(%arg13 : memref<!tpu.dma_semaphore, #tpu.memory_space<semaphore_mem>>) {add = true}
      %add3A_50 = arith.constant 2 : i32
      %add3A_51 = arith.addi %mul3A_37, %add3A_50 : i32
      %lt3A = arith.constant 90 : i32
      %lt3A_52 = arith.cmpi slt, %add3A_51, %lt3A : i32
      %convert_element_type3A = arith.extui %lt3A_52 : i1 to i32
      %cond3A = arith.constant 0 : i32
      %cond3A_53 = arith.cmpi ne, %convert_element_type3A, %cond3A : i32
      scf.if %cond3A_53 {
        %dma_wait3A_77 = arith.constant 0 : i32
        %dma_wait3A_78 = tpu.memref_slice %arg7[%mul3A_37, %dma_wait3A_77] : memref<90x112xi32, #tpu.memory_space<vmem>> -> memref<1x112xi32, #tpu.memory_space<vmem>>
        %dma_wait3A_79 = tpu.memref_squeeze %dma_wait3A_78 : memref<1x112xi32, #tpu.memory_space<vmem>> -> memref<112xi32, #tpu.memory_space<vmem>>
        %dma_wait3A_80 = arith.constant 0 : i32
        %dma_wait3A_81 = arith.constant 0 : i32
        %dma_wait3A_82 = tpu.memref_slice %arg10[%dma_wait3A_80, %dma_wait3A_81] : memref<10080x128xf32, #tpu.memory_space<vmem_shared>> -> memref<10080x128xf32, #tpu.memory_space<vmem_shared>>
        tpu.wait_indirect_dma semaphore(%arg13 : memref<!tpu.dma_semaphore, #tpu.memory_space<semaphore_mem>>) src(%arg8 : memref<112x128xf32, #tpu.memory_space<vmem>>) dst(%dma_wait3A_82 : memref<10080x128xf32, #tpu.memory_space<vmem_shared>>)
        %add3A_83 = arith.constant 2 : i32
        %add3A_84 = arith.addi %mul3A_37, %add3A_83 : i32
        %mul3A_85 = arith.constant 112 : i32
        %mul3A_86 = arith.muli %add3A_84, %mul3A_85 : i32
        %dma_start3A_87 = tpu.memref_slice %arg6[%mul3A_86] : memref<10080xi32, #tpu.memory_space<vmem>> -> memref<112xi32, #tpu.memory_space<vmem>>
        %dma_start3A_88 = arith.constant 0 : i32
        %dma_start3A_89 = arith.constant 0 : i32
        %dma_start3A_90 = tpu.memref_slice %arg4[%dma_start3A_88, %dma_start3A_89] : memref<10080x128xf32, #tpu.memory_space<hbm>> -> memref<10080x128xf32, #tpu.memory_space<hbm>>
        tpu.enqueue_indirect_dma source(%dma_start3A_90 : memref<10080x128xf32, #tpu.memory_space<hbm>>) target(%arg8 : memref<112x128xf32, #tpu.memory_space<vmem>>) offsets(%dma_start3A_87 : memref<112xi32, #tpu.memory_space<vmem>>) semaphore(%arg11 : memref<!tpu.dma_semaphore, #tpu.memory_space<semaphore_mem>>)
      } else {
      }
      %mul3A_54 = arith.constant 2 : i32
      %mul3A_55 = arith.muli %scan3A_35, %mul3A_54 : i32
      %add3A_56 = arith.constant 1 : i32
      %add3A_57 = arith.addi %mul3A_55, %add3A_56 : i32
      %mul3A_58 = arith.constant 112 : i32
      %mul3A_59 = arith.muli %add3A_57, %mul3A_58 : i32
      %dma_wait3A_60 = tpu.memref_slice %arg6[%mul3A_59] : memref<10080xi32, #tpu.memory_space<vmem>> -> memref<112xi32, #tpu.memory_space<vmem>>
      %dma_wait3A_61 = arith.constant 0 : i32
      %dma_wait3A_62 = arith.constant 0 : i32
      %dma_wait3A_63 = tpu.memref_slice %arg4[%dma_wait3A_61, %dma_wait3A_62] : memref<10080x128xf32, #tpu.memory_space<hbm>> -> memref<10080x128xf32, #tpu.memory_space<hbm>>
      tpu.wait_indirect_dma semaphore(%arg12 : memref<!tpu.dma_semaphore, #tpu.memory_space<semaphore_mem>>) src(%dma_wait3A_63 : memref<10080x128xf32, #tpu.memory_space<hbm>>) dst(%arg9 : memref<112x128xf32, #tpu.memory_space<vmem>>)
      %dma_start3A_64 = arith.constant 0 : i32
      %dma_start3A_65 = tpu.memref_slice %arg7[%add3A_57, %dma_start3A_64] : memref<90x112xi32, #tpu.memory_space<vmem>> -> memref<1x112xi32, #tpu.memory_space<vmem>>
      %dma_start3A_66 = tpu.memref_squeeze %dma_start3A_65 : memref<1x112xi32, #tpu.memory_space<vmem>> -> memref<112xi32, #tpu.memory_space<vmem>>
      %dma_start3A_67 = arith.constant 0 : i32
      %dma_start3A_68 = arith.constant 0 : i32
      %dma_start3A_69 = tpu.memref_slice %arg10[%dma_start3A_67, %dma_start3A_68] : memref<10080x128xf32, #tpu.memory_space<vmem_shared>> -> memref<10080x128xf32, #tpu.memory_space<vmem_shared>>
      tpu.enqueue_indirect_dma source(%arg9 : memref<112x128xf32, #tpu.memory_space<vmem>>) target(%dma_start3A_69 : memref<10080x128xf32, #tpu.memory_space<vmem_shared>>) offsets(%dma_start3A_66 : memref<112xi32, #tpu.memory_space<vmem>>) semaphore(%arg14 : memref<!tpu.dma_semaphore, #tpu.memory_space<semaphore_mem>>) {add = true}
      %add3A_70 = arith.constant 2 : i32
      %add3A_71 = arith.addi %add3A_57, %add3A_70 : i32
      %lt3A_72 = arith.constant 90 : i32
      %lt3A_73 = arith.cmpi slt, %add3A_71, %lt3A_72 : i32
      %convert_element_type3A_74 = arith.extui %lt3A_73 : i1 to i32
      %cond3A_75 = arith.constant 0 : i32
      %cond3A_76 = arith.cmpi ne, %convert_element_type3A_74, %cond3A_75 : i32
      scf.if %cond3A_76 {
        %dma_wait3A_77 = arith.constant 0 : i32
        %dma_wait3A_78 = tpu.memref_slice %arg7[%add3A_57, %dma_wait3A_77] : memref<90x112xi32, #tpu.memory_space<vmem>> -> memref<1x112xi32, #tpu.memory_space<vmem>>
        %dma_wait3A_79 = tpu.memref_squeeze %dma_wait3A_78 : memref<1x112xi32, #tpu.memory_space<vmem>> -> memref<112xi32, #tpu.memory_space<vmem>>
        %dma_wait3A_80 = arith.constant 0 : i32
        %dma_wait3A_81 = arith.constant 0 : i32
        %dma_wait3A_82 = tpu.memref_slice %arg10[%dma_wait3A_80, %dma_wait3A_81] : memref<10080x128xf32, #tpu.memory_space<vmem_shared>> -> memref<10080x128xf32, #tpu.memory_space<vmem_shared>>
        tpu.wait_indirect_dma semaphore(%arg14 : memref<!tpu.dma_semaphore, #tpu.memory_space<semaphore_mem>>) src(%arg9 : memref<112x128xf32, #tpu.memory_space<vmem>>) dst(%dma_wait3A_82 : memref<10080x128xf32, #tpu.memory_space<vmem_shared>>)
        %add3A_83 = arith.constant 2 : i32
        %add3A_84 = arith.addi %add3A_57, %add3A_83 : i32
        %mul3A_85 = arith.constant 112 : i32
        %mul3A_86 = arith.muli %add3A_84, %mul3A_85 : i32
        %dma_start3A_87 = tpu.memref_slice %arg6[%mul3A_86] : memref<10080xi32, #tpu.memory_space<vmem>> -> memref<112xi32, #tpu.memory_space<vmem>>
        %dma_start3A_88 = arith.constant 0 : i32
        %dma_start3A_89 = arith.constant 0 : i32
        %dma_start3A_90 = tpu.memref_slice %arg4[%dma_start3A_88, %dma_start3A_89] : memref<10080x128xf32, #tpu.memory_space<hbm>> -> memref<10080x128xf32, #tpu.memory_space<hbm>>
        tpu.enqueue_indirect_dma source(%dma_start3A_90 : memref<10080x128xf32, #tpu.memory_space<hbm>>) target(%arg9 : memref<112x128xf32, #tpu.memory_space<vmem>>) offsets(%dma_start3A_87 : memref<112xi32, #tpu.memory_space<vmem>>) semaphore(%arg12 : memref<!tpu.dma_semaphore, #tpu.memory_space<semaphore_mem>>)
      } else {
      }
    }
    %scan3A_20 = arith.constant 45 : i32
    %dma_wait3A = arith.constant 88 : i32
    %dma_wait3A_21 = arith.constant 0 : i32
    %dma_wait3A_22 = tpu.memref_slice %arg7[%dma_wait3A, %dma_wait3A_21] : memref<90x112xi32, #tpu.memory_space<vmem>> -> memref<1x112xi32, #tpu.memory_space<vmem>>
    %dma_wait3A_23 = tpu.memref_squeeze %dma_wait3A_22 : memref<1x112xi32, #tpu.memory_space<vmem>> -> memref<112xi32, #tpu.memory_space<vmem>>
    %dma_wait3A_24 = arith.constant 0 : i32
    %dma_wait3A_25 = arith.constant 0 : i32
    %dma_wait3A_26 = tpu.memref_slice %arg10[%dma_wait3A_24, %dma_wait3A_25] : memref<10080x128xf32, #tpu.memory_space<vmem_shared>> -> memref<10080x128xf32, #tpu.memory_space<vmem_shared>>
    tpu.wait_indirect_dma semaphore(%arg13 : memref<!tpu.dma_semaphore, #tpu.memory_space<semaphore_mem>>) src(%arg8 : memref<112x128xf32, #tpu.memory_space<vmem>>) dst(%dma_wait3A_26 : memref<10080x128xf32, #tpu.memory_space<vmem_shared>>)
    %dma_wait3A_27 = arith.constant 89 : i32
    %dma_wait3A_28 = arith.constant 0 : i32
    %dma_wait3A_29 = tpu.memref_slice %arg7[%dma_wait3A_27, %dma_wait3A_28] : memref<90x112xi32, #tpu.memory_space<vmem>> -> memref<1x112xi32, #tpu.memory_space<vmem>>
    %dma_wait3A_30 = tpu.memref_squeeze %dma_wait3A_29 : memref<1x112xi32, #tpu.memory_space<vmem>> -> memref<112xi32, #tpu.memory_space<vmem>>
    %dma_wait3A_31 = arith.constant 0 : i32
    %dma_wait3A_32 = arith.constant 0 : i32
    %dma_wait3A_33 = tpu.memref_slice %arg10[%dma_wait3A_31, %dma_wait3A_32] : memref<10080x128xf32, #tpu.memory_space<vmem_shared>> -> memref<10080x128xf32, #tpu.memory_space<vmem_shared>>
    tpu.wait_indirect_dma semaphore(%arg14 : memref<!tpu.dma_semaphore, #tpu.memory_space<semaphore_mem>>) src(%arg9 : memref<112x128xf32, #tpu.memory_space<vmem>>) dst(%dma_wait3A_33 : memref<10080x128xf32, #tpu.memory_space<vmem_shared>>)
    %barrier3A_34 = arith.constant 0 : index
    tpu.barrier barrier_id(%barrier3A_34)
    "tpu.region"() ({
      %run_scoped3A = tpu.sem_alloc : memref<!tpu.dma_semaphore, #tpu.memory_space<semaphore_mem>>
      %dma_start3A_35 = arith.constant 0 : i32
      %dma_start3A_36 = tpu.memref_slice %arg5[%arg0, %mul3A_2, %dma_start3A_35] : memref<2x10080x128xf32, #tpu.memory_space<hbm>> -> memref<1x630x128xf32, #tpu.memory_space<hbm>>
      %dma_start3A_37 = tpu.memref_squeeze %dma_start3A_36 : memref<1x630x128xf32, #tpu.memory_space<hbm>> -> memref<630x128xf32, #tpu.memory_space<hbm>>
      %dma_start3A_38 = arith.constant 0 : i32
      %dma_start3A_39 = tpu.memref_slice %arg10[%mul3A_2, %dma_start3A_38] : memref<10080x128xf32, #tpu.memory_space<vmem_shared>> -> memref<630x128xf32, #tpu.memory_space<vmem_shared>>
      tpu.enqueue_dma source(%dma_start3A_39 : memref<630x128xf32, #tpu.memory_space<vmem_shared>>) target(%dma_start3A_37 : memref<630x128xf32, #tpu.memory_space<hbm>>) target_semaphore(%run_scoped3A : memref<!tpu.dma_semaphore, #tpu.memory_space<semaphore_mem>>)
      %dma_wait3A_40 = arith.constant 0 : i32
      %dma_wait3A_41 = tpu.memref_slice %arg5[%arg0, %mul3A_2, %dma_wait3A_40] : memref<2x10080x128xf32, #tpu.memory_space<hbm>> -> memref<1x630x128xf32, #tpu.memory_space<hbm>>
      %dma_wait3A_42 = tpu.memref_squeeze %dma_wait3A_41 : memref<1x630x128xf32, #tpu.memory_space<hbm>> -> memref<630x128xf32, #tpu.memory_space<hbm>>
      %dma_wait3A_43 = arith.constant 0 : i32
      %dma_wait3A_44 = tpu.memref_slice %arg10[%mul3A_2, %dma_wait3A_43] : memref<10080x128xf32, #tpu.memory_space<vmem_shared>> -> memref<630x128xf32, #tpu.memory_space<vmem_shared>>
      tpu.wait_dma2 semaphore(%run_scoped3A : memref<!tpu.dma_semaphore, #tpu.memory_space<semaphore_mem>>) src(%dma_wait3A_44 : memref<630x128xf32, #tpu.memory_space<vmem_shared>>) dst(%dma_wait3A_42 : memref<630x128xf32, #tpu.memory_space<hbm>>)
      tpu.yield
    }) : () -> ()
    return
  }
}

#map = affine_map<(d0, d1) -> (0)>
#map1 = affine_map<(d0, d1) -> (0, 0)>
#map2 = affine_map<(d0, d1) -> (0, 0, 0)>
module attributes {stable_mosaic.version = 14 : i64} {
  func.func @_msg(%arg0: i32, %arg1: i32, %arg2: memref<322560xi32, #tpu.memory_space<hbm>>, %arg3: memref<2880x112xi32, #tpu.memory_space<hbm>>, %arg4: memref<10080x128xf32, #tpu.memory_space<hbm>>, %arg5: memref<2x10080x128xf32, #tpu.memory_space<hbm>>, %arg6: memref<10080xi32, #tpu.memory_space<vmem>>, %arg7: memref<90x112xi32, #tpu.memory_space<vmem>>, %arg8: memref<112x128xf32, #tpu.memory_space<vmem>>, %arg9: memref<112x128xf32, #tpu.memory_space<vmem>>, %arg10: memref<10080x128xf32, #tpu.memory_space<vmem_shared>>, %arg11: memref<!tpu.dma_semaphore, #tpu.memory_space<semaphore_mem>>, %arg12: memref<!tpu.dma_semaphore, #tpu.memory_space<semaphore_mem>>, %arg13: memref<!tpu.dma_semaphore, #tpu.memory_space<semaphore_mem>>, %arg14: memref<!tpu.dma_semaphore, #tpu.memory_space<semaphore_mem>>) attributes {dimension_semantics = [#tpu.dimension_semantics<core_parallel>, #tpu.dimension_semantics<subcore_parallel>], iteration_bounds = array<i64: 2, 16>, scalar_prefetch = 0 : i64, scratch_operands = 9 : i64, tpu.core_type = #tpu.core_type<sc_vector_subcore>, window_params = [{transform_indices = #map}, {transform_indices = #map1}, {transform_indices = #map1}, {transform_indices = #map2}]} {
    %mul3A = arith.constant 16 : i32
    %mul3A_0 = arith.muli %arg0, %mul3A : i32
    %add3A = arith.addi %mul3A_0, %arg1 : i32
    %mul3A_1 = arith.constant 630 : i32
    %mul3A_2 = arith.muli %arg1, %mul3A_1 : i32
    %mul3A_3 = arith.constant 10080 : i32
    %mul3A_4 = arith.muli %add3A, %mul3A_3 : i32
    "tpu.region"() ({
      %run_scoped3A = tpu.sem_alloc : memref<!tpu.dma_semaphore, #tpu.memory_space<semaphore_mem>>
      %dma_start3A_35 = tpu.memref_slice %arg2[%mul3A_4] : memref<322560xi32, #tpu.memory_space<hbm>> -> memref<10080xi32, #tpu.memory_space<hbm>>
      %dma_start3A_36 = tpu.memref_slice %arg2[%mul3A_4] : memref<322560xi32, #tpu.memory_space<hbm>> -> memref<10080xi32, #tpu.memory_space<hbm>>
      tpu.enqueue_dma source(%dma_start3A_36 : memref<10080xi32, #tpu.memory_space<hbm>>) target(%arg6 : memref<10080xi32, #tpu.memory_space<vmem>>) target_semaphore(%run_scoped3A : memref<!tpu.dma_semaphore, #tpu.memory_space<semaphore_mem>>)
      %dma_wait3A_37 = tpu.memref_slice %arg2[%mul3A_4] : memref<322560xi32, #tpu.memory_space<hbm>> -> memref<10080xi32, #tpu.memory_space<hbm>>
      %dma_wait3A_38 = tpu.memref_slice %arg2[%mul3A_4] : memref<322560xi32, #tpu.memory_space<hbm>> -> memref<10080xi32, #tpu.memory_space<hbm>>
      tpu.wait_dma2 semaphore(%run_scoped3A : memref<!tpu.dma_semaphore, #tpu.memory_space<semaphore_mem>>) src(%dma_wait3A_38 : memref<10080xi32, #tpu.memory_space<hbm>>) dst(%arg6 : memref<10080xi32, #tpu.memory_space<vmem>>)
      tpu.yield
    }) : () -> ()
    %mul3A_5 = arith.constant 90 : i32
    %mul3A_6 = arith.muli %add3A, %mul3A_5 : i32
    "tpu.region"() ({
      %run_scoped3A = tpu.sem_alloc : memref<!tpu.dma_semaphore, #tpu.memory_space<semaphore_mem>>
      %dma_start3A_35 = arith.constant 0 : i32
      %dma_start3A_36 = tpu.memref_slice %arg3[%mul3A_6, %dma_start3A_35] : memref<2880x112xi32, #tpu.memory_space<hbm>> -> memref<90x112xi32, #tpu.memory_space<hbm>>
      %dma_start3A_37 = arith.constant 0 : i32
      %dma_start3A_38 = tpu.memref_slice %arg3[%mul3A_6, %dma_start3A_37] : memref<2880x112xi32, #tpu.memory_space<hbm>> -> memref<90x112xi32, #tpu.memory_space<hbm>>
      tpu.enqueue_dma source(%dma_start3A_38 : memref<90x112xi32, #tpu.memory_space<hbm>>) target(%arg7 : memref<90x112xi32, #tpu.memory_space<vmem>>) target_semaphore(%run_scoped3A : memref<!tpu.dma_semaphore, #tpu.memory_space<semaphore_mem>>)
      %dma_wait3A_39 = arith.constant 0 : i32
      %dma_wait3A_40 = tpu.memref_slice %arg3[%mul3A_6, %dma_wait3A_39] : memref<2880x112xi32, #tpu.memory_space<hbm>> -> memref<90x112xi32, #tpu.memory_space<hbm>>
      %dma_wait3A_41 = arith.constant 0 : i32
      %dma_wait3A_42 = tpu.memref_slice %arg3[%mul3A_6, %dma_wait3A_41] : memref<2880x112xi32, #tpu.memory_space<hbm>> -> memref<90x112xi32, #tpu.memory_space<hbm>>
      tpu.wait_dma2 semaphore(%run_scoped3A : memref<!tpu.dma_semaphore, #tpu.memory_space<semaphore_mem>>) src(%dma_wait3A_42 : memref<90x112xi32, #tpu.memory_space<hbm>>) dst(%arg7 : memref<90x112xi32, #tpu.memory_space<vmem>>)
      tpu.yield
    }) : () -> ()
    "tpu.region"() ({
      %run_scoped3A = tpu.sem_alloc : memref<!tpu.dma_semaphore, #tpu.memory_space<semaphore_mem>>
      %dma_start3A_35 = arith.constant 0 : i32
      %dma_start3A_36 = tpu.memref_slice %arg10[%mul3A_2, %dma_start3A_35] : memref<10080x128xf32, #tpu.memory_space<vmem_shared>> -> memref<630x128xf32, #tpu.memory_space<vmem_shared>>
      %dma_start3A_37 = arith.constant 0 : i32
      %dma_start3A_38 = tpu.memref_slice %arg4[%mul3A_2, %dma_start3A_37] : memref<10080x128xf32, #tpu.memory_space<hbm>> -> memref<630x128xf32, #tpu.memory_space<hbm>>
      tpu.enqueue_dma source(%dma_start3A_38 : memref<630x128xf32, #tpu.memory_space<hbm>>) target(%dma_start3A_36 : memref<630x128xf32, #tpu.memory_space<vmem_shared>>) target_semaphore(%run_scoped3A : memref<!tpu.dma_semaphore, #tpu.memory_space<semaphore_mem>>)
      %dma_wait3A_39 = arith.constant 0 : i32
      %dma_wait3A_40 = tpu.memref_slice %arg10[%mul3A_2, %dma_wait3A_39] : memref<10080x128xf32, #tpu.memory_space<vmem_shared>> -> memref<630x128xf32, #tpu.memory_space<vmem_shared>>
      %dma_wait3A_41 = arith.constant 0 : i32
      %dma_wait3A_42 = tpu.memref_slice %arg4[%mul3A_2, %dma_wait3A_41] : memref<10080x128xf32, #tpu.memory_space<hbm>> -> memref<630x128xf32, #tpu.memory_space<hbm>>
      tpu.wait_dma2 semaphore(%run_scoped3A : memref<!tpu.dma_semaphore, #tpu.memory_space<semaphore_mem>>) src(%dma_wait3A_42 : memref<630x128xf32, #tpu.memory_space<hbm>>) dst(%dma_wait3A_40 : memref<630x128xf32, #tpu.memory_space<vmem_shared>>)
      tpu.yield
    }) : () -> ()
    %barrier3A = arith.constant 0 : index
    tpu.barrier barrier_id(%barrier3A)
    %dma_start3A = arith.constant 0 : i32
    %dma_start3A_7 = tpu.memref_slice %arg6[%dma_start3A] : memref<10080xi32, #tpu.memory_space<vmem>> -> memref<112xi32, #tpu.memory_space<vmem>>
    %dma_start3A_8 = arith.constant 0 : i32
    %dma_start3A_9 = arith.constant 0 : i32
    %dma_start3A_10 = tpu.memref_slice %arg4[%dma_start3A_8, %dma_start3A_9] : memref<10080x128xf32, #tpu.memory_space<hbm>> -> memref<10080x128xf32, #tpu.memory_space<hbm>>
    tpu.enqueue_indirect_dma source(%dma_start3A_10 : memref<10080x128xf32, #tpu.memory_space<hbm>>) target(%arg8 : memref<112x128xf32, #tpu.memory_space<vmem>>) offsets(%dma_start3A_7 : memref<112xi32, #tpu.memory_space<vmem>>) semaphore(%arg11 : memref<!tpu.dma_semaphore, #tpu.memory_space<semaphore_mem>>)
    %dma_start3A_11 = arith.constant 112 : i32
    %dma_start3A_12 = tpu.memref_slice %arg6[%dma_start3A_11] : memref<10080xi32, #tpu.memory_space<vmem>> -> memref<112xi32, #tpu.memory_space<vmem>>
    %dma_start3A_13 = arith.constant 0 : i32
    %dma_start3A_14 = arith.constant 0 : i32
    %dma_start3A_15 = tpu.memref_slice %arg4[%dma_start3A_13, %dma_start3A_14] : memref<10080x128xf32, #tpu.memory_space<hbm>> -> memref<10080x128xf32, #tpu.memory_space<hbm>>
    tpu.enqueue_indirect_dma source(%dma_start3A_15 : memref<10080x128xf32, #tpu.memory_space<hbm>>) target(%arg9 : memref<112x128xf32, #tpu.memory_space<vmem>>) offsets(%dma_start3A_12 : memref<112xi32, #tpu.memory_space<vmem>>) semaphore(%arg12 : memref<!tpu.dma_semaphore, #tpu.memory_space<semaphore_mem>>)
    %scan3A = arith.constant 0 : i32
    %scan3A_16 = arith.constant 0 : i32
    %scan3A_17 = arith.constant 45 : i32
    %scan3A_18 = arith.addi %scan3A_16, %scan3A_17 : i32
    %scan3A_19 = arith.constant 1 : i32
    scf.for %scan3A_35 = %scan3A_16 to %scan3A_18 step %scan3A_19  : i32 {
      %mul3A_36 = arith.constant 2 : i32
      %mul3A_37 = arith.muli %scan3A_35, %mul3A_36 : i32
      %mul3A_38 = arith.constant 112 : i32
      %mul3A_39 = arith.muli %mul3A_37, %mul3A_38 : i32
      %dma_wait3A_40 = tpu.memref_slice %arg6[%mul3A_39] : memref<10080xi32, #tpu.memory_space<vmem>> -> memref<112xi32, #tpu.memory_space<vmem>>
      %dma_wait3A_41 = arith.constant 0 : i32
      %dma_wait3A_42 = arith.constant 0 : i32
      %dma_wait3A_43 = tpu.memref_slice %arg4[%dma_wait3A_41, %dma_wait3A_42] : memref<10080x128xf32, #tpu.memory_space<hbm>> -> memref<10080x128xf32, #tpu.memory_space<hbm>>
      tpu.wait_indirect_dma semaphore(%arg11 : memref<!tpu.dma_semaphore, #tpu.memory_space<semaphore_mem>>) src(%dma_wait3A_43 : memref<10080x128xf32, #tpu.memory_space<hbm>>) dst(%arg8 : memref<112x128xf32, #tpu.memory_space<vmem>>)
      %dma_start3A_44 = arith.constant 0 : i32
      %dma_start3A_45 = tpu.memref_slice %arg7[%mul3A_37, %dma_start3A_44] : memref<90x112xi32, #tpu.memory_space<vmem>> -> memref<1x112xi32, #tpu.memory_space<vmem>>
      %dma_start3A_46 = tpu.memref_squeeze %dma_start3A_45 : memref<1x112xi32, #tpu.memory_space<vmem>> -> memref<112xi32, #tpu.memory_space<vmem>>
      %dma_start3A_47 = arith.constant 0 : i32
      %dma_start3A_48 = arith.constant 0 : i32
      %dma_start3A_49 = tpu.memref_slice %arg10[%dma_start3A_47, %dma_start3A_48] : memref<10080x128xf32, #tpu.memory_space<vmem_shared>> -> memref<10080x128xf32, #tpu.memory_space<vmem_shared>>
      tpu.enqueue_indirect_dma source(%arg8 : memref<112x128xf32, #tpu.memory_space<vmem>>) target(%dma_start3A_49 : memref<10080x128xf32, #tpu.memory_space<vmem_shared>>) offsets(%dma_start3A_46 : memref<112xi32, #tpu.memory_space<vmem>>) semaphore(%arg13 : memref<!tpu.dma_semaphore, #tpu.memory_space<semaphore_mem>>) {add = true}
      %add3A_50 = arith.constant 2 : i32
      %add3A_51 = arith.addi %mul3A_37, %add3A_50 : i32
      %lt3A = arith.constant 90 : i32
      %lt3A_52 = arith.cmpi slt, %add3A_51, %lt3A : i32
      %convert_element_type3A = arith.extui %lt3A_52 : i1 to i32
      %cond3A = arith.constant 0 : i32
      %cond3A_53 = arith.cmpi ne, %convert_element_type3A, %cond3A : i32
      scf.if %cond3A_53 {
        %dma_wait3A_77 = arith.constant 0 : i32
        %dma_wait3A_78 = tpu.memref_slice %arg7[%mul3A_37, %dma_wait3A_77] : memref<90x112xi32, #tpu.memory_space<vmem>> -> memref<1x112xi32, #tpu.memory_space<vmem>>
        %dma_wait3A_79 = tpu.memref_squeeze %dma_wait3A_78 : memref<1x112xi32, #tpu.memory_space<vmem>> -> memref<112xi32, #tpu.memory_space<vmem>>
        %dma_wait3A_80 = arith.constant 0 : i32
        %dma_wait3A_81 = arith.constant 0 : i32
        %dma_wait3A_82 = tpu.memref_slice %arg10[%dma_wait3A_80, %dma_wait3A_81] : memref<10080x128xf32, #tpu.memory_space<vmem_shared>> -> memref<10080x128xf32, #tpu.memory_space<vmem_shared>>
        tpu.wait_indirect_dma semaphore(%arg13 : memref<!tpu.dma_semaphore, #tpu.memory_space<semaphore_mem>>) src(%arg8 : memref<112x128xf32, #tpu.memory_space<vmem>>) dst(%dma_wait3A_82 : memref<10080x128xf32, #tpu.memory_space<vmem_shared>>)
        %add3A_83 = arith.constant 2 : i32
        %add3A_84 = arith.addi %mul3A_37, %add3A_83 : i32
        %mul3A_85 = arith.constant 112 : i32
        %mul3A_86 = arith.muli %add3A_84, %mul3A_85 : i32
        %dma_start3A_87 = tpu.memref_slice %arg6[%mul3A_86] : memref<10080xi32, #tpu.memory_space<vmem>> -> memref<112xi32, #tpu.memory_space<vmem>>
        %dma_start3A_88 = arith.constant 0 : i32
        %dma_start3A_89 = arith.constant 0 : i32
        %dma_start3A_90 = tpu.memref_slice %arg4[%dma_start3A_88, %dma_start3A_89] : memref<10080x128xf32, #tpu.memory_space<hbm>> -> memref<10080x128xf32, #tpu.memory_space<hbm>>
        tpu.enqueue_indirect_dma source(%dma_start3A_90 : memref<10080x128xf32, #tpu.memory_space<hbm>>) target(%arg8 : memref<112x128xf32, #tpu.memory_space<vmem>>) offsets(%dma_start3A_87 : memref<112xi32, #tpu.memory_space<vmem>>) semaphore(%arg11 : memref<!tpu.dma_semaphore, #tpu.memory_space<semaphore_mem>>)
      } else {
      }
      %mul3A_54 = arith.constant 2 : i32
      %mul3A_55 = arith.muli %scan3A_35, %mul3A_54 : i32
      %add3A_56 = arith.constant 1 : i32
      %add3A_57 = arith.addi %mul3A_55, %add3A_56 : i32
      %mul3A_58 = arith.constant 112 : i32
      %mul3A_59 = arith.muli %add3A_57, %mul3A_58 : i32
      %dma_wait3A_60 = tpu.memref_slice %arg6[%mul3A_59] : memref<10080xi32, #tpu.memory_space<vmem>> -> memref<112xi32, #tpu.memory_space<vmem>>
      %dma_wait3A_61 = arith.constant 0 : i32
      %dma_wait3A_62 = arith.constant 0 : i32
      %dma_wait3A_63 = tpu.memref_slice %arg4[%dma_wait3A_61, %dma_wait3A_62] : memref<10080x128xf32, #tpu.memory_space<hbm>> -> memref<10080x128xf32, #tpu.memory_space<hbm>>
      tpu.wait_indirect_dma semaphore(%arg12 : memref<!tpu.dma_semaphore, #tpu.memory_space<semaphore_mem>>) src(%dma_wait3A_63 : memref<10080x128xf32, #tpu.memory_space<hbm>>) dst(%arg9 : memref<112x128xf32, #tpu.memory_space<vmem>>)
      %dma_start3A_64 = arith.constant 0 : i32
      %dma_start3A_65 = tpu.memref_slice %arg7[%add3A_57, %dma_start3A_64] : memref<90x112xi32, #tpu.memory_space<vmem>> -> memref<1x112xi32, #tpu.memory_space<vmem>>
      %dma_start3A_66 = tpu.memref_squeeze %dma_start3A_65 : memref<1x112xi32, #tpu.memory_space<vmem>> -> memref<112xi32, #tpu.memory_space<vmem>>
      %dma_start3A_67 = arith.constant 0 : i32
      %dma_start3A_68 = arith.constant 0 : i32
      %dma_start3A_69 = tpu.memref_slice %arg10[%dma_start3A_67, %dma_start3A_68] : memref<10080x128xf32, #tpu.memory_space<vmem_shared>> -> memref<10080x128xf32, #tpu.memory_space<vmem_shared>>
      tpu.enqueue_indirect_dma source(%arg9 : memref<112x128xf32, #tpu.memory_space<vmem>>) target(%dma_start3A_69 : memref<10080x128xf32, #tpu.memory_space<vmem_shared>>) offsets(%dma_start3A_66 : memref<112xi32, #tpu.memory_space<vmem>>) semaphore(%arg14 : memref<!tpu.dma_semaphore, #tpu.memory_space<semaphore_mem>>) {add = true}
      %add3A_70 = arith.constant 2 : i32
      %add3A_71 = arith.addi %add3A_57, %add3A_70 : i32
      %lt3A_72 = arith.constant 90 : i32
      %lt3A_73 = arith.cmpi slt, %add3A_71, %lt3A_72 : i32
      %convert_element_type3A_74 = arith.extui %lt3A_73 : i1 to i32
      %cond3A_75 = arith.constant 0 : i32
      %cond3A_76 = arith.cmpi ne, %convert_element_type3A_74, %cond3A_75 : i32
      scf.if %cond3A_76 {
        %dma_wait3A_77 = arith.constant 0 : i32
        %dma_wait3A_78 = tpu.memref_slice %arg7[%add3A_57, %dma_wait3A_77] : memref<90x112xi32, #tpu.memory_space<vmem>> -> memref<1x112xi32, #tpu.memory_space<vmem>>
        %dma_wait3A_79 = tpu.memref_squeeze %dma_wait3A_78 : memref<1x112xi32, #tpu.memory_space<vmem>> -> memref<112xi32, #tpu.memory_space<vmem>>
        %dma_wait3A_80 = arith.constant 0 : i32
        %dma_wait3A_81 = arith.constant 0 : i32
        %dma_wait3A_82 = tpu.memref_slice %arg10[%dma_wait3A_80, %dma_wait3A_81] : memref<10080x128xf32, #tpu.memory_space<vmem_shared>> -> memref<10080x128xf32, #tpu.memory_space<vmem_shared>>
        tpu.wait_indirect_dma semaphore(%arg14 : memref<!tpu.dma_semaphore, #tpu.memory_space<semaphore_mem>>) src(%arg9 : memref<112x128xf32, #tpu.memory_space<vmem>>) dst(%dma_wait3A_82 : memref<10080x128xf32, #tpu.memory_space<vmem_shared>>)
        %add3A_83 = arith.constant 2 : i32
        %add3A_84 = arith.addi %add3A_57, %add3A_83 : i32
        %mul3A_85 = arith.constant 112 : i32
        %mul3A_86 = arith.muli %add3A_84, %mul3A_85 : i32
        %dma_start3A_87 = tpu.memref_slice %arg6[%mul3A_86] : memref<10080xi32, #tpu.memory_space<vmem>> -> memref<112xi32, #tpu.memory_space<vmem>>
        %dma_start3A_88 = arith.constant 0 : i32
        %dma_start3A_89 = arith.constant 0 : i32
        %dma_start3A_90 = tpu.memref_slice %arg4[%dma_start3A_88, %dma_start3A_89] : memref<10080x128xf32, #tpu.memory_space<hbm>> -> memref<10080x128xf32, #tpu.memory_space<hbm>>
        tpu.enqueue_indirect_dma source(%dma_start3A_90 : memref<10080x128xf32, #tpu.memory_space<hbm>>) target(%arg9 : memref<112x128xf32, #tpu.memory_space<vmem>>) offsets(%dma_start3A_87 : memref<112xi32, #tpu.memory_space<vmem>>) semaphore(%arg12 : memref<!tpu.dma_semaphore, #tpu.memory_space<semaphore_mem>>)
      } else {
      }
    }
    %scan3A_20 = arith.constant 45 : i32
    %dma_wait3A = arith.constant 88 : i32
    %dma_wait3A_21 = arith.constant 0 : i32
    %dma_wait3A_22 = tpu.memref_slice %arg7[%dma_wait3A, %dma_wait3A_21] : memref<90x112xi32, #tpu.memory_space<vmem>> -> memref<1x112xi32, #tpu.memory_space<vmem>>
    %dma_wait3A_23 = tpu.memref_squeeze %dma_wait3A_22 : memref<1x112xi32, #tpu.memory_space<vmem>> -> memref<112xi32, #tpu.memory_space<vmem>>
    %dma_wait3A_24 = arith.constant 0 : i32
    %dma_wait3A_25 = arith.constant 0 : i32
    %dma_wait3A_26 = tpu.memref_slice %arg10[%dma_wait3A_24, %dma_wait3A_25] : memref<10080x128xf32, #tpu.memory_space<vmem_shared>> -> memref<10080x128xf32, #tpu.memory_space<vmem_shared>>
    tpu.wait_indirect_dma semaphore(%arg13 : memref<!tpu.dma_semaphore, #tpu.memory_space<semaphore_mem>>) src(%arg8 : memref<112x128xf32, #tpu.memory_space<vmem>>) dst(%dma_wait3A_26 : memref<10080x128xf32, #tpu.memory_space<vmem_shared>>)
    %dma_wait3A_27 = arith.constant 89 : i32
    %dma_wait3A_28 = arith.constant 0 : i32
    %dma_wait3A_29 = tpu.memref_slice %arg7[%dma_wait3A_27, %dma_wait3A_28] : memref<90x112xi32, #tpu.memory_space<vmem>> -> memref<1x112xi32, #tpu.memory_space<vmem>>
    %dma_wait3A_30 = tpu.memref_squeeze %dma_wait3A_29 : memref<1x112xi32, #tpu.memory_space<vmem>> -> memref<112xi32, #tpu.memory_space<vmem>>
    %dma_wait3A_31 = arith.constant 0 : i32
    %dma_wait3A_32 = arith.constant 0 : i32
    %dma_wait3A_33 = tpu.memref_slice %arg10[%dma_wait3A_31, %dma_wait3A_32] : memref<10080x128xf32, #tpu.memory_space<vmem_shared>> -> memref<10080x128xf32, #tpu.memory_space<vmem_shared>>
    tpu.wait_indirect_dma semaphore(%arg14 : memref<!tpu.dma_semaphore, #tpu.memory_space<semaphore_mem>>) src(%arg9 : memref<112x128xf32, #tpu.memory_space<vmem>>) dst(%dma_wait3A_33 : memref<10080x128xf32, #tpu.memory_space<vmem_shared>>)
    %barrier3A_34 = arith.constant 0 : index
    tpu.barrier barrier_id(%barrier3A_34)
    "tpu.region"() ({
      %run_scoped3A = tpu.sem_alloc : memref<!tpu.dma_semaphore, #tpu.memory_space<semaphore_mem>>
      %dma_start3A_35 = arith.constant 0 : i32
      %dma_start3A_36 = tpu.memref_slice %arg5[%arg0, %mul3A_2, %dma_start3A_35] : memref<2x10080x128xf32, #tpu.memory_space<hbm>> -> memref<1x630x128xf32, #tpu.memory_space<hbm>>
      %dma_start3A_37 = tpu.memref_squeeze %dma_start3A_36 : memref<1x630x128xf32, #tpu.memory_space<hbm>> -> memref<630x128xf32, #tpu.memory_space<hbm>>
      %dma_start3A_38 = arith.constant 0 : i32
      %dma_start3A_39 = tpu.memref_slice %arg10[%mul3A_2, %dma_start3A_38] : memref<10080x128xf32, #tpu.memory_space<vmem_shared>> -> memref<630x128xf32, #tpu.memory_space<vmem_shared>>
      tpu.enqueue_dma source(%dma_start3A_39 : memref<630x128xf32, #tpu.memory_space<vmem_shared>>) target(%dma_start3A_37 : memref<630x128xf32, #tpu.memory_space<hbm>>) target_semaphore(%run_scoped3A : memref<!tpu.dma_semaphore, #tpu.memory_space<semaphore_mem>>)
      %dma_wait3A_40 = arith.constant 0 : i32
      %dma_wait3A_41 = tpu.memref_slice %arg5[%arg0, %mul3A_2, %dma_wait3A_40] : memref<2x10080x128xf32, #tpu.memory_space<hbm>> -> memref<1x630x128xf32, #tpu.memory_space<hbm>>
      %dma_wait3A_42 = tpu.memref_squeeze %dma_wait3A_41 : memref<1x630x128xf32, #tpu.memory_space<hbm>> -> memref<630x128xf32, #tpu.memory_space<hbm>>
      %dma_wait3A_43 = arith.constant 0 : i32
      %dma_wait3A_44 = tpu.memref_slice %arg10[%mul3A_2, %dma_wait3A_43] : memref<10080x128xf32, #tpu.memory_space<vmem_shared>> -> memref<630x128xf32, #tpu.memory_space<vmem_shared>>
      tpu.wait_dma2 semaphore(%run_scoped3A : memref<!tpu.dma_semaphore, #tpu.memory_space<semaphore_mem>>) src(%dma_wait3A_44 : memref<630x128xf32, #tpu.memory_space<vmem_shared>>) dst(%dma_wait3A_42 : memref<630x128xf32, #tpu.memory_space<hbm>>)
      tpu.yield
    }) : () -> ()
    return
  }
}

module attributes {stable_mosaic.version = 14 : i64} {
  func.func @_t0_body(%arg0: memref<10080x128xf32, #tpu.memory_space<vmem>>, %arg1: memref<128x128xf32, #tpu.memory_space<vmem>>, %arg2: memref<10080x1xf32, #tpu.memory_space<vmem>>, %arg3: memref<10080x128xf32, #tpu.memory_space<vmem>>) attributes {dimension_semantics = [], scalar_prefetch = 0 : i64, scratch_operands = 0 : i64, tpu.core_type = #tpu.core_type<tc>} {
    %get3A = arith.constant 0 : index
    %get3A_0 = arith.constant 0 : index
    %get3A_1 = vector.load %arg0[%get3A, %get3A_0] : memref<10080x128xf32, #tpu.memory_space<vmem>>, vector<10080x128xf32>
    %get3A_2 = arith.constant 0 : index
    %get3A_3 = arith.constant 0 : index
    %get3A_4 = vector.load %arg1[%get3A_2, %get3A_3] : memref<128x128xf32, #tpu.memory_space<vmem>>, vector<128x128xf32>
    %convert_element_type3A = arith.truncf %get3A_1 : vector<10080x128xf32> to vector<10080x128xbf16>
    %convert_element_type3A_5 = arith.truncf %get3A_4 : vector<128x128xf32> to vector<128x128xbf16>
    %dot_general3A = arith.constant dense<0.000000e+00> : vector<10080x128xf32>
    %dot_general3A_6 = tpu.matmul %convert_element_type3A, %convert_element_type3A_5, %dot_general3A {dimension_numbers = #tpu.dot_dimension_numbers<[1], [0], [0], [1], [0, 0, 1, 1], [], []>, transpose_lhs_hint = false} : vector<10080x128xbf16>, vector<128x128xbf16>, vector<10080x128xf32> -> vector<10080x128xf32>
    %get3A_7 = arith.constant 0 : index
    %get3A_8 = arith.constant 0 : index
    %get3A_9 = vector.load %arg2[%get3A_7, %get3A_8] : memref<10080x1xf32, #tpu.memory_space<vmem>>, vector<10080x1xf32>
    %mul3A = vector.broadcast %get3A_9 : vector<10080x1xf32> to vector<10080x128xf32>
    %mul3A_10 = arith.mulf %dot_general3A_6, %mul3A : vector<10080x128xf32>
    %swap3A = arith.constant 0 : index
    %swap3A_11 = arith.constant 0 : index
    %swap3A_12 = vector.load %arg3[%swap3A, %swap3A_11] : memref<10080x128xf32, #tpu.memory_space<vmem>>, vector<10080x128xf32>
    tpu.vector_store %arg3[%swap3A, %swap3A_11], %mul3A_10 {strides = array<i32>} : memref<10080x128xf32, #tpu.memory_space<vmem>>, vector<10080x128xf32>,
    return
  }
}

module attributes {stable_mosaic.version = 14 : i64} {
  func.func @_tmid_body(%arg0: memref<10080x128xf32, #tpu.memory_space<vmem>>, %arg1: memref<10080x128xf32, #tpu.memory_space<vmem>>, %arg2: memref<10080x128xf32, #tpu.memory_space<vmem>>, %arg3: memref<10080x1xf32, #tpu.memory_space<vmem>>, %arg4: memref<1x128xf32, #tpu.memory_space<vmem>>, %arg5: memref<1x128xf32, #tpu.memory_space<vmem>>, %arg6: memref<1x128xf32, #tpu.memory_space<vmem>>, %arg7: memref<128x128xf32, #tpu.memory_space<vmem>>, %arg8: memref<10080x128xf32, #tpu.memory_space<vmem>>) attributes {dimension_semantics = [], scalar_prefetch = 0 : i64, scratch_operands = 0 : i64, tpu.core_type = #tpu.core_type<tc>} {
    %get3A = arith.constant 0 : index
    %get3A_0 = arith.constant 0 : index
    %get3A_1 = vector.load %arg0[%get3A, %get3A_0] : memref<10080x128xf32, #tpu.memory_space<vmem>>, vector<10080x128xf32>
    %get3A_2 = arith.constant 0 : index
    %get3A_3 = arith.constant 0 : index
    %get3A_4 = vector.load %arg1[%get3A_2, %get3A_3] : memref<10080x128xf32, #tpu.memory_space<vmem>>, vector<10080x128xf32>
    %get3A_5 = arith.constant 0 : index
    %get3A_6 = arith.constant 0 : index
    %get3A_7 = vector.load %arg2[%get3A_5, %get3A_6] : memref<10080x128xf32, #tpu.memory_space<vmem>>, vector<10080x128xf32>
    %get3A_8 = arith.constant 0 : index
    %get3A_9 = arith.constant 0 : index
    %get3A_10 = vector.load %arg3[%get3A_8, %get3A_9] : memref<10080x1xf32, #tpu.memory_space<vmem>>, vector<10080x1xf32>
    %get3A_11 = arith.constant 0 : index
    %get3A_12 = arith.constant 0 : index
    %get3A_13 = vector.load %arg4[%get3A_11, %get3A_12] : memref<1x128xf32, #tpu.memory_space<vmem>>, vector<1x128xf32>
    %get3A_14 = arith.constant 0 : index
    %get3A_15 = arith.constant 0 : index
    %get3A_16 = vector.load %arg5[%get3A_14, %get3A_15] : memref<1x128xf32, #tpu.memory_space<vmem>>, vector<1x128xf32>
    %get3A_17 = arith.constant 0 : index
    %get3A_18 = arith.constant 0 : index
    %get3A_19 = vector.load %arg6[%get3A_17, %get3A_18] : memref<1x128xf32, #tpu.memory_space<vmem>>, vector<1x128xf32>
    %add3A = arith.addf %get3A_1, %get3A_4 : vector<10080x128xf32>
    %sub3A = arith.subf %add3A, %get3A_7 : vector<10080x128xf32>
    %mul3A = vector.broadcast %get3A_10 : vector<10080x1xf32> to vector<10080x128xf32>
    %mul3A_20 = arith.mulf %sub3A, %mul3A : vector<10080x128xf32>
    %add3A_21 = vector.broadcast %get3A_13 : vector<1x128xf32> to vector<10080x128xf32>
    %add3A_22 = arith.addf %mul3A_20, %add3A_21 : vector<10080x128xf32>
    %reduce_sum3A = arith.constant dense<0.000000e+00> : vector<128xf32>
    %reduce_sum3A_23 = vector.multi_reduction <add>, %add3A_22, %reduce_sum3A [0] : vector<10080x128xf32> to vector<128xf32>
    %broadcast_in_dim3A = vector.shape_cast %reduce_sum3A_23 : vector<128xf32> to vector<1x128xf32>
    %div3A = arith.constant 1.008000e+04 : f32
    %div3A_24 = vector.broadcast %div3A : f32 to vector<1x128xf32>
    %div3A_25 = arith.divf %broadcast_in_dim3A, %div3A_24 : vector<1x128xf32>
    %sub3A_26 = vector.broadcast %div3A_25 : vector<1x128xf32> to vector<10080x128xf32>
    %sub3A_27 = arith.subf %add3A_22, %sub3A_26 : vector<10080x128xf32>
    %mul3A_28 = arith.mulf %sub3A_27, %sub3A_27 : vector<10080x128xf32>
    %reduce_sum3A_29 = arith.constant dense<0.000000e+00> : vector<128xf32>
    %reduce_sum3A_30 = vector.multi_reduction <add>, %mul3A_28, %reduce_sum3A_29 [0] : vector<10080x128xf32> to vector<128xf32>
    %broadcast_in_dim3A_31 = vector.shape_cast %reduce_sum3A_30 : vector<128xf32> to vector<1x128xf32>
    %div3A_32 = arith.constant 1.008000e+04 : f32
    %div3A_33 = vector.broadcast %div3A_32 : f32 to vector<1x128xf32>
    %div3A_34 = arith.divf %broadcast_in_dim3A_31, %div3A_33 : vector<1x128xf32>
    %mul3A_35 = vector.broadcast %get3A_16 : vector<1x128xf32> to vector<10080x128xf32>
    %mul3A_36 = arith.mulf %mul3A_35, %sub3A_27 : vector<10080x128xf32>
    %add3A_37 = arith.constant 9.99999974E-6 : f32
    %add3A_38 = vector.broadcast %add3A_37 : f32 to vector<1x128xf32>
    %add3A_39 = arith.addf %div3A_34, %add3A_38 : vector<1x128xf32>
    %rsqrt3A = math.rsqrt %add3A_39 : vector<1x128xf32>
    %mul3A_40 = vector.broadcast %rsqrt3A : vector<1x128xf32> to vector<10080x128xf32>
    %mul3A_41 = arith.mulf %mul3A_36, %mul3A_40 : vector<10080x128xf32>
    %add3A_42 = vector.broadcast %get3A_19 : vector<1x128xf32> to vector<10080x128xf32>
    %add3A_43 = arith.addf %mul3A_41, %add3A_42 : vector<10080x128xf32>
    %max3A = arith.constant 0.000000e+00 : f32
    %max3A_44 = vector.broadcast %max3A : f32 to vector<10080x128xf32>
    %max3A_45 = arith.maximumf %add3A_43, %max3A_44 : vector<10080x128xf32>
    %get3A_46 = arith.constant 0 : index
    %get3A_47 = arith.constant 0 : index
    %get3A_48 = vector.load %arg7[%get3A_46, %get3A_47] : memref<128x128xf32, #tpu.memory_space<vmem>>, vector<128x128xf32>
    %convert_element_type3A = arith.truncf %max3A_45 : vector<10080x128xf32> to vector<10080x128xbf16>
    %convert_element_type3A_49 = arith.truncf %get3A_48 : vector<128x128xf32> to vector<128x128xbf16>
    %dot_general3A = arith.constant dense<0.000000e+00> : vector<10080x128xf32>
    %dot_general3A_50 = tpu.matmul %convert_element_type3A, %convert_element_type3A_49, %dot_general3A {dimension_numbers = #tpu.dot_dimension_numbers<[1], [0], [0], [1], [0, 0, 1, 1], [], []>, transpose_lhs_hint = false} : vector<10080x128xbf16>, vector<128x128xbf16>, vector<10080x128xf32> -> vector<10080x128xf32>
    %get3A_51 = arith.constant 0 : index
    %get3A_52 = arith.constant 0 : index
    %get3A_53 = vector.load %arg3[%get3A_51, %get3A_52] : memref<10080x1xf32, #tpu.memory_space<vmem>>, vector<10080x1xf32>
    %mul3A_54 = vector.broadcast %get3A_53 : vector<10080x1xf32> to vector<10080x128xf32>
    %mul3A_55 = arith.mulf %dot_general3A_50, %mul3A_54 : vector<10080x128xf32>
    %swap3A = arith.constant 0 : index
    %swap3A_56 = arith.constant 0 : index
    %swap3A_57 = vector.load %arg8[%swap3A, %swap3A_56] : memref<10080x128xf32, #tpu.memory_space<vmem>>, vector<10080x128xf32>
    tpu.vector_store %arg8[%swap3A, %swap3A_56], %mul3A_55 {strides = array<i32>} : memref<10080x128xf32, #tpu.memory_space<vmem>>, vector<10080x128xf32>,
    return
  }
}

module attributes {stable_mosaic.version = 14 : i64} {
  func.func @_tlast_body(%arg0: memref<10080x128xf32, #tpu.memory_space<vmem>>, %arg1: memref<10080x128xf32, #tpu.memory_space<vmem>>, %arg2: memref<10080x128xf32, #tpu.memory_space<vmem>>, %arg3: memref<10080x1xf32, #tpu.memory_space<vmem>>, %arg4: memref<1x128xf32, #tpu.memory_space<vmem>>, %arg5: memref<1x128xf32, #tpu.memory_space<vmem>>, %arg6: memref<1x128xf32, #tpu.memory_space<vmem>>, %arg7: memref<10080x128xf32, #tpu.memory_space<vmem>>) attributes {dimension_semantics = [], scalar_prefetch = 0 : i64, scratch_operands = 0 : i64, tpu.core_type = #tpu.core_type<tc>} {
    %get3A = arith.constant 0 : index
    %get3A_0 = arith.constant 0 : index
    %get3A_1 = vector.load %arg0[%get3A, %get3A_0] : memref<10080x128xf32, #tpu.memory_space<vmem>>, vector<10080x128xf32>
    %get3A_2 = arith.constant 0 : index
    %get3A_3 = arith.constant 0 : index
    %get3A_4 = vector.load %arg1[%get3A_2, %get3A_3] : memref<10080x128xf32, #tpu.memory_space<vmem>>, vector<10080x128xf32>
    %get3A_5 = arith.constant 0 : index
    %get3A_6 = arith.constant 0 : index
    %get3A_7 = vector.load %arg2[%get3A_5, %get3A_6] : memref<10080x128xf32, #tpu.memory_space<vmem>>, vector<10080x128xf32>
    %get3A_8 = arith.constant 0 : index
    %get3A_9 = arith.constant 0 : index
    %get3A_10 = vector.load %arg3[%get3A_8, %get3A_9] : memref<10080x1xf32, #tpu.memory_space<vmem>>, vector<10080x1xf32>
    %get3A_11 = arith.constant 0 : index
    %get3A_12 = arith.constant 0 : index
    %get3A_13 = vector.load %arg4[%get3A_11, %get3A_12] : memref<1x128xf32, #tpu.memory_space<vmem>>, vector<1x128xf32>
    %get3A_14 = arith.constant 0 : index
    %get3A_15 = arith.constant 0 : index
    %get3A_16 = vector.load %arg5[%get3A_14, %get3A_15] : memref<1x128xf32, #tpu.memory_space<vmem>>, vector<1x128xf32>
    %get3A_17 = arith.constant 0 : index
    %get3A_18 = arith.constant 0 : index
    %get3A_19 = vector.load %arg6[%get3A_17, %get3A_18] : memref<1x128xf32, #tpu.memory_space<vmem>>, vector<1x128xf32>
    %add3A = arith.addf %get3A_1, %get3A_4 : vector<10080x128xf32>
    %sub3A = arith.subf %add3A, %get3A_7 : vector<10080x128xf32>
    %mul3A = vector.broadcast %get3A_10 : vector<10080x1xf32> to vector<10080x128xf32>
    %mul3A_20 = arith.mulf %sub3A, %mul3A : vector<10080x128xf32>
    %add3A_21 = vector.broadcast %get3A_13 : vector<1x128xf32> to vector<10080x128xf32>
    %add3A_22 = arith.addf %mul3A_20, %add3A_21 : vector<10080x128xf32>
    %reduce_sum3A = arith.constant dense<0.000000e+00> : vector<128xf32>
    %reduce_sum3A_23 = vector.multi_reduction <add>, %add3A_22, %reduce_sum3A [0] : vector<10080x128xf32> to vector<128xf32>
    %broadcast_in_dim3A = vector.shape_cast %reduce_sum3A_23 : vector<128xf32> to vector<1x128xf32>
    %div3A = arith.constant 1.008000e+04 : f32
    %div3A_24 = vector.broadcast %div3A : f32 to vector<1x128xf32>
    %div3A_25 = arith.divf %broadcast_in_dim3A, %div3A_24 : vector<1x128xf32>
    %sub3A_26 = vector.broadcast %div3A_25 : vector<1x128xf32> to vector<10080x128xf32>
    %sub3A_27 = arith.subf %add3A_22, %sub3A_26 : vector<10080x128xf32>
    %mul3A_28 = arith.mulf %sub3A_27, %sub3A_27 : vector<10080x128xf32>
    %reduce_sum3A_29 = arith.constant dense<0.000000e+00> : vector<128xf32>
    %reduce_sum3A_30 = vector.multi_reduction <add>, %mul3A_28, %reduce_sum3A_29 [0] : vector<10080x128xf32> to vector<128xf32>
    %broadcast_in_dim3A_31 = vector.shape_cast %reduce_sum3A_30 : vector<128xf32> to vector<1x128xf32>
    %div3A_32 = arith.constant 1.008000e+04 : f32
    %div3A_33 = vector.broadcast %div3A_32 : f32 to vector<1x128xf32>
    %div3A_34 = arith.divf %broadcast_in_dim3A_31, %div3A_33 : vector<1x128xf32>
    %mul3A_35 = vector.broadcast %get3A_16 : vector<1x128xf32> to vector<10080x128xf32>
    %mul3A_36 = arith.mulf %mul3A_35, %sub3A_27 : vector<10080x128xf32>
    %add3A_37 = arith.constant 9.99999974E-6 : f32
    %add3A_38 = vector.broadcast %add3A_37 : f32 to vector<1x128xf32>
    %add3A_39 = arith.addf %div3A_34, %add3A_38 : vector<1x128xf32>
    %rsqrt3A = math.rsqrt %add3A_39 : vector<1x128xf32>
    %mul3A_40 = vector.broadcast %rsqrt3A : vector<1x128xf32> to vector<10080x128xf32>
    %mul3A_41 = arith.mulf %mul3A_36, %mul3A_40 : vector<10080x128xf32>
    %add3A_42 = vector.broadcast %get3A_19 : vector<1x128xf32> to vector<10080x128xf32>
    %add3A_43 = arith.addf %mul3A_41, %add3A_42 : vector<10080x128xf32>
    %max3A = arith.constant 0.000000e+00 : f32
    %max3A_44 = vector.broadcast %max3A : f32 to vector<10080x128xf32>
    %max3A_45 = arith.maximumf %add3A_43, %max3A_44 : vector<10080x128xf32>
    %swap3A = arith.constant 0 : index
    %swap3A_46 = arith.constant 0 : index
    %swap3A_47 = vector.load %arg7[%swap3A, %swap3A_46] : memref<10080x128xf32, #tpu.memory_space<vmem>>, vector<10080x128xf32>
    tpu.vector_store %arg7[%swap3A, %swap3A_46], %max3A_45 {strides = array<i32>} : memref<10080x128xf32, #tpu.memory_space<vmem>>, vector<10080x128xf32>,
    return
  }
}

module attributes {stable_mosaic.version = 14 : i64} {
  func.func @_body(%arg0: i32, %arg1: memref<28x9216xf32, #tpu.memory_space<vmem>>, %arg2: memref<128x84xf32, #tpu.memory_space<vmem>>, %arg3: memref<128x1xf32, #tpu.memory_space<vmem>>, %arg4: memref<128x9216xf32, #tpu.memory_space<vmem>>, %arg5: memref<128x1xf32, #tpu.memory_space<vmem>>, %arg6: memref<128x1xf32, #tpu.memory_space<vmem>>) attributes {dimension_semantics = [#tpu.dimension_semantics<arbitrary>], iteration_bounds = array<i64: 5>, scalar_prefetch = 0 : i64, scratch_operands = 0 : i64, tpu.core_type = #tpu.core_type<tc>, window_params = [{transform_indices = @transform_0, window_bounds = array<i64: 28, 9216>}, {pipeline_mode = #tpu.pipeline_mode<synchronous>, transform_indices = @transform_1, window_bounds = array<i64: 128, 84>}, {pipeline_mode = #tpu.pipeline_mode<synchronous>, transform_indices = @transform_2, window_bounds = array<i64: 128, 1>}, {transform_indices = @transform_3, window_bounds = array<i64: 128, 9216>}, {pipeline_mode = #tpu.pipeline_mode<synchronous>, transform_indices = @transform_4, window_bounds = array<i64: 128, 1>}, {pipeline_mode = #tpu.pipeline_mode<synchronous>, transform_indices = @transform_5, window_bounds = array<i64: 128, 1>}]} {
    %get3A = arith.constant 0 : index
    %get3A_0 = arith.constant 0 : index
    %get3A_1 = vector.load %arg1[%get3A, %get3A_0] : memref<28x9216xf32, #tpu.memory_space<vmem>>, vector<28x9216xf32>
    %get3A_2 = arith.constant 0 : index
    %get3A_3 = arith.constant 0 : index
    %get3A_4 = vector.load %arg2[%get3A_2, %get3A_3] : memref<128x84xf32, #tpu.memory_space<vmem>>, vector<128x84xf32>
    %broadcast_in_dim3A = arith.constant 0.000000e+00 : f32
    %broadcast_in_dim3A_5 = vector.broadcast %broadcast_in_dim3A : f32 to vector<28x2xf32>
    %slice3A = vector.extract_strided_slice %get3A_1 {offsets = [0, 0], sizes = [28, 9214], strides = [1, 1]} : vector<28x9216xf32> to vector<28x9214xf32>
    %concatenate3A = tpu.concatenate %broadcast_in_dim3A_5, %slice3A in 1 : vector<28x2xf32>, vector<28x9214xf32> -> vector<28x9216xf32>
    %iota3A = tpu.iota {dimensions = array<i32: 1>} : vector<1x9216xi32>
    %jit3A = arith.constant 128 : i32
    %eq3A = arith.constant 0 : i32
    %eq3A_6 = arith.cmpi eq, %jit3A, %eq3A : i32
    %jit3A_7 = arith.constant 1 : i32
    %select_n3A = arith.select %eq3A_6, %jit3A_7, %jit3A : i32
    %rem3A = vector.broadcast %select_n3A : i32 to vector<1x9216xi32>
    %rem3A_8 = arith.remsi %iota3A, %rem3A : vector<1x9216xi32>
    %ne3A = arith.constant 0 : i32
    %ne3A_9 = vector.broadcast %ne3A : i32 to vector<1x9216xi32>
    %ne3A_10 = arith.cmpi ne, %rem3A_8, %ne3A_9 : vector<1x9216xi32>
    %lt3A = arith.constant 0 : i32
    %lt3A_11 = vector.broadcast %lt3A : i32 to vector<1x9216xi32>
    %lt3A_12 = arith.cmpi slt, %rem3A_8, %lt3A_11 : vector<1x9216xi32>
    %lt3A_13 = arith.constant 0 : i32
    %lt3A_14 = arith.cmpi slt, %select_n3A, %lt3A_13 : i32
    %ne3A_15 = vector.broadcast %lt3A_14 : i1 to vector<1x9216xi1>
    %ne3A_16 = vector.broadcast %ne3A_15 : vector<1x9216xi1> to vector<1x9216xi1>
    %ne3A_17 = arith.xori %lt3A_12, %ne3A_16 : vector<1x9216xi1>
    %and3A = arith.andi %ne3A_17, %ne3A_10 : vector<1x9216xi1>
    %add3A = vector.broadcast %select_n3A : i32 to vector<1x9216xi32>
    %add3A_18 = arith.addi %rem3A_8, %add3A : vector<1x9216xi32>
    %select_n3A_19 = arith.select %and3A, %add3A_18, %rem3A_8 : vector<1x9216xi1>, vector<1x9216xi32>
    %ge3A = arith.constant 2 : i32
    %ge3A_20 = vector.broadcast %ge3A : i32 to vector<1x9216xi32>
    %ge3A_21 = arith.cmpi sge, %select_n3A_19, %ge3A_20 : vector<1x9216xi32>
    %convert_element_type3A = arith.extui %ge3A_21 : vector<1x9216xi1> to vector<1x9216xi32>
    %convert_element_type3A_22 = arith.sitofp %convert_element_type3A : vector<1x9216xi32> to vector<1x9216xf32>
    %mul3A = vector.broadcast %convert_element_type3A_22 : vector<1x9216xf32> to vector<28x9216xf32>
    %mul3A_23 = arith.mulf %concatenate3A, %mul3A : vector<28x9216xf32>
    %broadcast_in_dim3A_24 = arith.constant 0.000000e+00 : f32
    %broadcast_in_dim3A_25 = vector.broadcast %broadcast_in_dim3A_24 : f32 to vector<28x1xf32>
    %slice3A_26 = vector.extract_strided_slice %get3A_1 {offsets = [0, 0], sizes = [28, 9215], strides = [1, 1]} : vector<28x9216xf32> to vector<28x9215xf32>
    %concatenate3A_27 = tpu.concatenate %broadcast_in_dim3A_25, %slice3A_26 in 1 : vector<28x1xf32>, vector<28x9215xf32> -> vector<28x9216xf32>
    %iota3A_28 = tpu.iota {dimensions = array<i32: 1>} : vector<1x9216xi32>
    %jit3A_29 = arith.constant 128 : i32
    %eq3A_30 = arith.constant 0 : i32
    %eq3A_31 = arith.cmpi eq, %jit3A_29, %eq3A_30 : i32
    %jit3A_32 = arith.constant 1 : i32
    %select_n3A_33 = arith.select %eq3A_31, %jit3A_32, %jit3A_29 : i32
    %rem3A_34 = vector.broadcast %select_n3A_33 : i32 to vector<1x9216xi32>
    %rem3A_35 = arith.remsi %iota3A_28, %rem3A_34 : vector<1x9216xi32>
    %ne3A_36 = arith.constant 0 : i32
    %ne3A_37 = vector.broadcast %ne3A_36 : i32 to vector<1x9216xi32>
    %ne3A_38 = arith.cmpi ne, %rem3A_35, %ne3A_37 : vector<1x9216xi32>
    %lt3A_39 = arith.constant 0 : i32
    %lt3A_40 = vector.broadcast %lt3A_39 : i32 to vector<1x9216xi32>
    %lt3A_41 = arith.cmpi slt, %rem3A_35, %lt3A_40 : vector<1x9216xi32>
    %lt3A_42 = arith.constant 0 : i32
    %lt3A_43 = arith.cmpi slt, %select_n3A_33, %lt3A_42 : i32
    %ne3A_44 = vector.broadcast %lt3A_43 : i1 to vector<1x9216xi1>
    %ne3A_45 = vector.broadcast %ne3A_44 : vector<1x9216xi1> to vector<1x9216xi1>
    %ne3A_46 = arith.xori %lt3A_41, %ne3A_45 : vector<1x9216xi1>
    %and3A_47 = arith.andi %ne3A_46, %ne3A_38 : vector<1x9216xi1>
    %add3A_48 = vector.broadcast %select_n3A_33 : i32 to vector<1x9216xi32>
    %add3A_49 = arith.addi %rem3A_35, %add3A_48 : vector<1x9216xi32>
    %select_n3A_50 = arith.select %and3A_47, %add3A_49, %rem3A_35 : vector<1x9216xi1>, vector<1x9216xi32>
    %ge3A_51 = arith.constant 1 : i32
    %ge3A_52 = vector.broadcast %ge3A_51 : i32 to vector<1x9216xi32>
    %ge3A_53 = arith.cmpi sge, %select_n3A_50, %ge3A_52 : vector<1x9216xi32>
    %convert_element_type3A_54 = arith.extui %ge3A_53 : vector<1x9216xi1> to vector<1x9216xi32>
    %convert_element_type3A_55 = arith.sitofp %convert_element_type3A_54 : vector<1x9216xi32> to vector<1x9216xf32>
    %mul3A_56 = vector.broadcast %convert_element_type3A_55 : vector<1x9216xf32> to vector<28x9216xf32>
    %mul3A_57 = arith.mulf %concatenate3A_27, %mul3A_56 : vector<28x9216xf32>
    %concatenate3A_58 = tpu.concatenate %mul3A_23, %mul3A_57, %get3A_1 in 0 : vector<28x9216xf32>, vector<28x9216xf32>, vector<28x9216xf32> -> vector<84x9216xf32>
    %dot_general3A = arith.constant dense<0.000000e+00> : vector<128x9216xf32>
    %dot_general3A_59 = tpu.matmul %get3A_4, %concatenate3A_58, %dot_general3A {dimension_numbers = #tpu.dot_dimension_numbers<[1], [0], [0], [1], [0, 0, 1, 1], [], []>, transpose_lhs_hint = false} : vector<128x84xf32>, vector<84x9216xf32>, vector<128x9216xf32> -> vector<128x9216xf32>
    %get3A_60 = arith.constant 0 : index
    %get3A_61 = arith.constant 0 : index
    %get3A_62 = vector.load %arg3[%get3A_60, %get3A_61] : memref<128x1xf32, #tpu.memory_space<vmem>>, vector<128x1xf32>
    %add3A_63 = vector.broadcast %get3A_62 : vector<128x1xf32> to vector<128x9216xf32>
    %add3A_64 = arith.addf %dot_general3A_59, %add3A_63 : vector<128x9216xf32>
    %swap3A = arith.constant 0 : index
    %swap3A_65 = arith.constant 0 : index
    %swap3A_66 = vector.load %arg4[%swap3A, %swap3A_65] : memref<128x9216xf32, #tpu.memory_space<vmem>>, vector<128x9216xf32>
    tpu.vector_store %arg4[%swap3A, %swap3A_65], %add3A_64 {strides = array<i32>} : memref<128x9216xf32, #tpu.memory_space<vmem>>, vector<128x9216xf32>,
    %eq3A_67 = arith.constant 0 : i32
    %eq3A_68 = arith.cmpi eq, %arg0, %eq3A_67 : i32
    %convert_element_type3A_69 = arith.extui %eq3A_68 : i1 to i32
    %cond3A = arith.constant 0 : i32
    %cond3A_70 = arith.cmpi ne, %convert_element_type3A_69, %cond3A : i32
    scf.if %cond3A_70 {
      %broadcast_in_dim3A_91 = arith.constant 0.000000e+00 : f32
      %broadcast_in_dim3A_92 = vector.broadcast %broadcast_in_dim3A_91 : f32 to vector<128x1xf32>
      %swap3A_93 = arith.constant 0 : index
      %swap3A_94 = arith.constant 0 : index
      %swap3A_95 = vector.load %arg5[%swap3A_93, %swap3A_94] : memref<128x1xf32, #tpu.memory_space<vmem>>, vector<128x1xf32>
      tpu.vector_store %arg5[%swap3A_93, %swap3A_94], %broadcast_in_dim3A_92 {strides = array<i32>} : memref<128x1xf32, #tpu.memory_space<vmem>>, vector<128x1xf32>,
      %broadcast_in_dim3A_96 = arith.constant 0.000000e+00 : f32
      %broadcast_in_dim3A_97 = vector.broadcast %broadcast_in_dim3A_96 : f32 to vector<128x1xf32>
      %swap3A_98 = arith.constant 0 : index
      %swap3A_99 = arith.constant 0 : index
      %swap3A_100 = vector.load %arg6[%swap3A_98, %swap3A_99] : memref<128x1xf32, #tpu.memory_space<vmem>>, vector<128x1xf32>
      tpu.vector_store %arg6[%swap3A_98, %swap3A_99], %broadcast_in_dim3A_97 {strides = array<i32>} : memref<128x1xf32, #tpu.memory_space<vmem>>, vector<128x1xf32>,
    } else {
    }
    %get3A_71 = arith.constant 0 : index
    %get3A_72 = arith.constant 0 : index
    %get3A_73 = vector.load %arg5[%get3A_71, %get3A_72] : memref<128x1xf32, #tpu.memory_space<vmem>>, vector<128x1xf32>
    %reduce_sum3A = arith.constant dense<0.000000e+00> : vector<128xf32>
    %reduce_sum3A_74 = vector.multi_reduction <add>, %add3A_64, %reduce_sum3A [1] : vector<128x9216xf32> to vector<128xf32>
    %broadcast_in_dim3A_75 = vector.shape_cast %reduce_sum3A_74 : vector<128xf32> to vector<128x1xf32>
    %add3A_76 = arith.addf %get3A_73, %broadcast_in_dim3A_75 : vector<128x1xf32>
    %swap3A_77 = arith.constant 0 : index
    %swap3A_78 = arith.constant 0 : index
    %swap3A_79 = vector.load %arg5[%swap3A_77, %swap3A_78] : memref<128x1xf32, #tpu.memory_space<vmem>>, vector<128x1xf32>
    tpu.vector_store %arg5[%swap3A_77, %swap3A_78], %add3A_76 {strides = array<i32>} : memref<128x1xf32, #tpu.memory_space<vmem>>, vector<128x1xf32>,
    %get3A_80 = arith.constant 0 : index
    %get3A_81 = arith.constant 0 : index
    %get3A_82 = vector.load %arg6[%get3A_80, %get3A_81] : memref<128x1xf32, #tpu.memory_space<vmem>>, vector<128x1xf32>
    %mul3A_83 = arith.mulf %add3A_64, %add3A_64 : vector<128x9216xf32>
    %reduce_sum3A_84 = arith.constant dense<0.000000e+00> : vector<128xf32>
    %reduce_sum3A_85 = vector.multi_reduction <add>, %mul3A_83, %reduce_sum3A_84 [1] : vector<128x9216xf32> to vector<128xf32>
    %broadcast_in_dim3A_86 = vector.shape_cast %reduce_sum3A_85 : vector<128xf32> to vector<128x1xf32>
    %add3A_87 = arith.addf %get3A_82, %broadcast_in_dim3A_86 : vector<128x1xf32>
    %swap3A_88 = arith.constant 0 : index
    %swap3A_89 = arith.constant 0 : index
    %swap3A_90 = vector.load %arg6[%swap3A_88, %swap3A_89] : memref<128x1xf32, #tpu.memory_space<vmem>>, vector<128x1xf32>
    tpu.vector_store %arg6[%swap3A_88, %swap3A_89], %add3A_87 {strides = array<i32>} : memref<128x1xf32, #tpu.memory_space<vmem>>, vector<128x1xf32>,
    return
  }
  func.func @transform_0(%arg0: i32) -> (i32, i32) {
    %c0_i32 = arith.constant 0 : i32
    %c0_i32_0 = arith.constant 0 : i32
    return %c0_i32, %arg0 : i32, i32
  }
  func.func @transform_1(%arg0: i32) -> (i32, i32) {
    %c0_i32 = arith.constant 0 : i32
    %c0_i32_0 = arith.constant 0 : i32
    %c0_i32_1 = arith.constant 0 : i32
    return %c0_i32, %c0_i32_0 : i32, i32
  }
  func.func @transform_2(%arg0: i32) -> (i32, i32) {
    %c0_i32 = arith.constant 0 : i32
    %c0_i32_0 = arith.constant 0 : i32
    %c0_i32_1 = arith.constant 0 : i32
    return %c0_i32, %c0_i32_0 : i32, i32
  }
  func.func @transform_3(%arg0: i32) -> (i32, i32) {
    %c0_i32 = arith.constant 0 : i32
    %c0_i32_0 = arith.constant 0 : i32
    return %c0_i32, %arg0 : i32, i32
  }
  func.func @transform_4(%arg0: i32) -> (i32, i32) {
    %c0_i32 = arith.constant 0 : i32
    %c0_i32_0 = arith.constant 0 : i32
    %c0_i32_1 = arith.constant 0 : i32
    return %c0_i32, %c0_i32_0 : i32, i32
  }
  func.func @transform_5(%arg0: i32) -> (i32, i32) {
    %c0_i32 = arith.constant 0 : i32
    %c0_i32_0 = arith.constant 0 : i32
    %c0_i32_1 = arith.constant 0 : i32
    return %c0_i32, %c0_i32_0 : i32, i32
  }
}

module attributes {stable_mosaic.version = 14 : i64} {
  func.func @_body(%arg0: i32, %arg1: memref<128x9216xf32, #tpu.memory_space<vmem>>, %arg2: memref<128x1xf32, #tpu.memory_space<vmem>>, %arg3: memref<128x1xf32, #tpu.memory_space<vmem>>, %arg4: memref<128x1xf32, #tpu.memory_space<vmem>>, %arg5: memref<128x1xf32, #tpu.memory_space<vmem>>, %arg6: memref<128x384xf32, #tpu.memory_space<vmem>>, %arg7: memref<128x1xf32, #tpu.memory_space<vmem>>, %arg8: memref<128x9216xf32, #tpu.memory_space<vmem>>, %arg9: memref<128x1xf32, #tpu.memory_space<vmem>>, %arg10: memref<128x1xf32, #tpu.memory_space<vmem>>) attributes {dimension_semantics = [#tpu.dimension_semantics<arbitrary>], iteration_bounds = array<i64: 5>, scalar_prefetch = 0 : i64, scratch_operands = 0 : i64, tpu.core_type = #tpu.core_type<tc>, window_params = [{transform_indices = @transform_0, window_bounds = array<i64: 128, 9216>}, {pipeline_mode = #tpu.pipeline_mode<synchronous>, transform_indices = @transform_1, window_bounds = array<i64: 128, 1>}, {pipeline_mode = #tpu.pipeline_mode<synchronous>, transform_indices = @transform_2, window_bounds = array<i64: 128, 1>}, {pipeline_mode = #tpu.pipeline_mode<synchronous>, transform_indices = @transform_3, window_bounds = array<i64: 128, 1>}, {pipeline_mode = #tpu.pipeline_mode<synchronous>, transform_indices = @transform_4, window_bounds = array<i64: 128, 1>}, {pipeline_mode = #tpu.pipeline_mode<synchronous>, transform_indices = @transform_5, window_bounds = array<i64: 128, 384>}, {pipeline_mode = #tpu.pipeline_mode<synchronous>, transform_indices = @transform_6, window_bounds = array<i64: 128, 1>}, {transform_indices = @transform_7, window_bounds = array<i64: 128, 9216>}, {pipeline_mode = #tpu.pipeline_mode<synchronous>, transform_indices = @transform_8, window_bounds = array<i64: 128, 1>}, {pipeline_mode = #tpu.pipeline_mode<synchronous>, transform_indices = @transform_9, window_bounds = array<i64: 128, 1>}]} {
    %get3A = arith.constant 0 : index
    %get3A_0 = arith.constant 0 : index
    %get3A_1 = vector.load %arg1[%get3A, %get3A_0] : memref<128x9216xf32, #tpu.memory_space<vmem>>, vector<128x9216xf32>
    %get3A_2 = arith.constant 0 : index
    %get3A_3 = arith.constant 0 : index
    %get3A_4 = vector.load %arg2[%get3A_2, %get3A_3] : memref<128x1xf32, #tpu.memory_space<vmem>>, vector<128x1xf32>
    %get3A_5 = arith.constant 0 : index
    %get3A_6 = arith.constant 0 : index
    %get3A_7 = vector.load %arg3[%get3A_5, %get3A_6] : memref<128x1xf32, #tpu.memory_space<vmem>>, vector<128x1xf32>
    %get3A_8 = arith.constant 0 : index
    %get3A_9 = arith.constant 0 : index
    %get3A_10 = vector.load %arg4[%get3A_8, %get3A_9] : memref<128x1xf32, #tpu.memory_space<vmem>>, vector<128x1xf32>
    %get3A_11 = arith.constant 0 : index
    %get3A_12 = arith.constant 0 : index
    %get3A_13 = vector.load %arg5[%get3A_11, %get3A_12] : memref<128x1xf32, #tpu.memory_space<vmem>>, vector<128x1xf32>
    %mul3A = arith.constant 2.17013894E-5 : f32
    %mul3A_14 = vector.broadcast %mul3A : f32 to vector<128x1xf32>
    %mul3A_15 = arith.mulf %get3A_4, %mul3A_14 : vector<128x1xf32>
    %mul3A_16 = arith.constant 2.17013894E-5 : f32
    %mul3A_17 = vector.broadcast %mul3A_16 : f32 to vector<128x1xf32>
    %mul3A_18 = arith.mulf %get3A_7, %mul3A_17 : vector<128x1xf32>
    %mul3A_19 = arith.mulf %mul3A_15, %mul3A_15 : vector<128x1xf32>
    %sub3A = arith.subf %mul3A_18, %mul3A_19 : vector<128x1xf32>
    %sub3A_20 = vector.broadcast %mul3A_15 : vector<128x1xf32> to vector<128x9216xf32>
    %sub3A_21 = arith.subf %get3A_1, %sub3A_20 : vector<128x9216xf32>
    %mul3A_22 = vector.broadcast %get3A_10 : vector<128x1xf32> to vector<128x9216xf32>
    %mul3A_23 = arith.mulf %mul3A_22, %sub3A_21 : vector<128x9216xf32>
    %add3A = arith.constant 9.99999974E-6 : f32
    %add3A_24 = vector.broadcast %add3A : f32 to vector<128x1xf32>
    %add3A_25 = arith.addf %sub3A, %add3A_24 : vector<128x1xf32>
    %rsqrt3A = math.rsqrt %add3A_25 : vector<128x1xf32>
    %mul3A_26 = vector.broadcast %rsqrt3A : vector<128x1xf32> to vector<128x9216xf32>
    %mul3A_27 = arith.mulf %mul3A_23, %mul3A_26 : vector<128x9216xf32>
    %add3A_28 = vector.broadcast %get3A_13 : vector<128x1xf32> to vector<128x9216xf32>
    %add3A_29 = arith.addf %mul3A_27, %add3A_28 : vector<128x9216xf32>
    %max3A = arith.constant 0.000000e+00 : f32
    %max3A_30 = vector.broadcast %max3A : f32 to vector<128x9216xf32>
    %max3A_31 = arith.maximumf %add3A_29, %max3A_30 : vector<128x9216xf32>
    %get3A_32 = arith.constant 0 : index
    %get3A_33 = arith.constant 0 : index
    %get3A_34 = vector.load %arg6[%get3A_32, %get3A_33] : memref<128x384xf32, #tpu.memory_space<vmem>>, vector<128x384xf32>
    %broadcast_in_dim3A = arith.constant 0.000000e+00 : f32
    %broadcast_in_dim3A_35 = vector.broadcast %broadcast_in_dim3A : f32 to vector<128x2xf32>
    %slice3A = vector.extract_strided_slice %max3A_31 {offsets = [0, 0], sizes = [128, 9214], strides = [1, 1]} : vector<128x9216xf32> to vector<128x9214xf32>
    %concatenate3A = tpu.concatenate %broadcast_in_dim3A_35, %slice3A in 1 : vector<128x2xf32>, vector<128x9214xf32> -> vector<128x9216xf32>
    %iota3A = tpu.iota {dimensions = array<i32: 1>} : vector<1x9216xi32>
    %jit3A = arith.constant 128 : i32
    %eq3A = arith.constant 0 : i32
    %eq3A_36 = arith.cmpi eq, %jit3A, %eq3A : i32
    %jit3A_37 = arith.constant 1 : i32
    %select_n3A = arith.select %eq3A_36, %jit3A_37, %jit3A : i32
    %rem3A = vector.broadcast %select_n3A : i32 to vector<1x9216xi32>
    %rem3A_38 = arith.remsi %iota3A, %rem3A : vector<1x9216xi32>
    %ne3A = arith.constant 0 : i32
    %ne3A_39 = vector.broadcast %ne3A : i32 to vector<1x9216xi32>
    %ne3A_40 = arith.cmpi ne, %rem3A_38, %ne3A_39 : vector<1x9216xi32>
    %lt3A = arith.constant 0 : i32
    %lt3A_41 = vector.broadcast %lt3A : i32 to vector<1x9216xi32>
    %lt3A_42 = arith.cmpi slt, %rem3A_38, %lt3A_41 : vector<1x9216xi32>
    %lt3A_43 = arith.constant 0 : i32
    %lt3A_44 = arith.cmpi slt, %select_n3A, %lt3A_43 : i32
    %ne3A_45 = vector.broadcast %lt3A_44 : i1 to vector<1x9216xi1>
    %ne3A_46 = vector.broadcast %ne3A_45 : vector<1x9216xi1> to vector<1x9216xi1>
    %ne3A_47 = arith.xori %lt3A_42, %ne3A_46 : vector<1x9216xi1>
    %and3A = arith.andi %ne3A_47, %ne3A_40 : vector<1x9216xi1>
    %add3A_48 = vector.broadcast %select_n3A : i32 to vector<1x9216xi32>
    %add3A_49 = arith.addi %rem3A_38, %add3A_48 : vector<1x9216xi32>
    %select_n3A_50 = arith.select %and3A, %add3A_49, %rem3A_38 : vector<1x9216xi1>, vector<1x9216xi32>
    %ge3A = arith.constant 2 : i32
    %ge3A_51 = vector.broadcast %ge3A : i32 to vector<1x9216xi32>
    %ge3A_52 = arith.cmpi sge, %select_n3A_50, %ge3A_51 : vector<1x9216xi32>
    %convert_element_type3A = arith.extui %ge3A_52 : vector<1x9216xi1> to vector<1x9216xi32>
    %convert_element_type3A_53 = arith.sitofp %convert_element_type3A : vector<1x9216xi32> to vector<1x9216xf32>
    %mul3A_54 = vector.broadcast %convert_element_type3A_53 : vector<1x9216xf32> to vector<128x9216xf32>
    %mul3A_55 = arith.mulf %concatenate3A, %mul3A_54 : vector<128x9216xf32>
    %broadcast_in_dim3A_56 = arith.constant 0.000000e+00 : f32
    %broadcast_in_dim3A_57 = vector.broadcast %broadcast_in_dim3A_56 : f32 to vector<128x1xf32>
    %slice3A_58 = vector.extract_strided_slice %max3A_31 {offsets = [0, 0], sizes = [128, 9215], strides = [1, 1]} : vector<128x9216xf32> to vector<128x9215xf32>
    %concatenate3A_59 = tpu.concatenate %broadcast_in_dim3A_57, %slice3A_58 in 1 : vector<128x1xf32>, vector<128x9215xf32> -> vector<128x9216xf32>
    %iota3A_60 = tpu.iota {dimensions = array<i32: 1>} : vector<1x9216xi32>
    %jit3A_61 = arith.constant 128 : i32
    %eq3A_62 = arith.constant 0 : i32
    %eq3A_63 = arith.cmpi eq, %jit3A_61, %eq3A_62 : i32
    %jit3A_64 = arith.constant 1 : i32
    %select_n3A_65 = arith.select %eq3A_63, %jit3A_64, %jit3A_61 : i32
    %rem3A_66 = vector.broadcast %select_n3A_65 : i32 to vector<1x9216xi32>
    %rem3A_67 = arith.remsi %iota3A_60, %rem3A_66 : vector<1x9216xi32>
    %ne3A_68 = arith.constant 0 : i32
    %ne3A_69 = vector.broadcast %ne3A_68 : i32 to vector<1x9216xi32>
    %ne3A_70 = arith.cmpi ne, %rem3A_67, %ne3A_69 : vector<1x9216xi32>
    %lt3A_71 = arith.constant 0 : i32
    %lt3A_72 = vector.broadcast %lt3A_71 : i32 to vector<1x9216xi32>
    %lt3A_73 = arith.cmpi slt, %rem3A_67, %lt3A_72 : vector<1x9216xi32>
    %lt3A_74 = arith.constant 0 : i32
    %lt3A_75 = arith.cmpi slt, %select_n3A_65, %lt3A_74 : i32
    %ne3A_76 = vector.broadcast %lt3A_75 : i1 to vector<1x9216xi1>
    %ne3A_77 = vector.broadcast %ne3A_76 : vector<1x9216xi1> to vector<1x9216xi1>
    %ne3A_78 = arith.xori %lt3A_73, %ne3A_77 : vector<1x9216xi1>
    %and3A_79 = arith.andi %ne3A_78, %ne3A_70 : vector<1x9216xi1>
    %add3A_80 = vector.broadcast %select_n3A_65 : i32 to vector<1x9216xi32>
    %add3A_81 = arith.addi %rem3A_67, %add3A_80 : vector<1x9216xi32>
    %select_n3A_82 = arith.select %and3A_79, %add3A_81, %rem3A_67 : vector<1x9216xi1>, vector<1x9216xi32>
    %ge3A_83 = arith.constant 1 : i32
    %ge3A_84 = vector.broadcast %ge3A_83 : i32 to vector<1x9216xi32>
    %ge3A_85 = arith.cmpi sge, %select_n3A_82, %ge3A_84 : vector<1x9216xi32>
    %convert_element_type3A_86 = arith.extui %ge3A_85 : vector<1x9216xi1> to vector<1x9216xi32>
    %convert_element_type3A_87 = arith.sitofp %convert_element_type3A_86 : vector<1x9216xi32> to vector<1x9216xf32>
    %mul3A_88 = vector.broadcast %convert_element_type3A_87 : vector<1x9216xf32> to vector<128x9216xf32>
    %mul3A_89 = arith.mulf %concatenate3A_59, %mul3A_88 : vector<128x9216xf32>
    %concatenate3A_90 = tpu.concatenate %mul3A_55, %mul3A_89, %max3A_31 in 0 : vector<128x9216xf32>, vector<128x9216xf32>, vector<128x9216xf32> -> vector<384x9216xf32>
    %dot_general3A = arith.constant dense<0.000000e+00> : vector<128x9216xf32>
    %dot_general3A_91 = tpu.matmul %get3A_34, %concatenate3A_90, %dot_general3A {dimension_numbers = #tpu.dot_dimension_numbers<[1], [0], [0], [1], [0, 0, 1, 1], [], []>, transpose_lhs_hint = false} : vector<128x384xf32>, vector<384x9216xf32>, vector<128x9216xf32> -> vector<128x9216xf32>
    %get3A_92 = arith.constant 0 : index
    %get3A_93 = arith.constant 0 : index
    %get3A_94 = vector.load %arg7[%get3A_92, %get3A_93] : memref<128x1xf32, #tpu.memory_space<vmem>>, vector<128x1xf32>
    %add3A_95 = vector.broadcast %get3A_94 : vector<128x1xf32> to vector<128x9216xf32>
    %add3A_96 = arith.addf %dot_general3A_91, %add3A_95 : vector<128x9216xf32>
    %swap3A = arith.constant 0 : index
    %swap3A_97 = arith.constant 0 : index
    %swap3A_98 = vector.load %arg8[%swap3A, %swap3A_97] : memref<128x9216xf32, #tpu.memory_space<vmem>>, vector<128x9216xf32>
    tpu.vector_store %arg8[%swap3A, %swap3A_97], %add3A_96 {strides = array<i32>} : memref<128x9216xf32, #tpu.memory_space<vmem>>, vector<128x9216xf32>,
    %eq3A_99 = arith.constant 0 : i32
    %eq3A_100 = arith.cmpi eq, %arg0, %eq3A_99 : i32
    %convert_element_type3A_101 = arith.extui %eq3A_100 : i1 to i32
    %cond3A = arith.constant 0 : i32
    %cond3A_102 = arith.cmpi ne, %convert_element_type3A_101, %cond3A : i32
    scf.if %cond3A_102 {
      %broadcast_in_dim3A_123 = arith.constant 0.000000e+00 : f32
      %broadcast_in_dim3A_124 = vector.broadcast %broadcast_in_dim3A_123 : f32 to vector<128x1xf32>
      %swap3A_125 = arith.constant 0 : index
      %swap3A_126 = arith.constant 0 : index
      %swap3A_127 = vector.load %arg9[%swap3A_125, %swap3A_126] : memref<128x1xf32, #tpu.memory_space<vmem>>, vector<128x1xf32>
      tpu.vector_store %arg9[%swap3A_125, %swap3A_126], %broadcast_in_dim3A_124 {strides = array<i32>} : memref<128x1xf32, #tpu.memory_space<vmem>>, vector<128x1xf32>,
      %broadcast_in_dim3A_128 = arith.constant 0.000000e+00 : f32
      %broadcast_in_dim3A_129 = vector.broadcast %broadcast_in_dim3A_128 : f32 to vector<128x1xf32>
      %swap3A_130 = arith.constant 0 : index
      %swap3A_131 = arith.constant 0 : index
      %swap3A_132 = vector.load %arg10[%swap3A_130, %swap3A_131] : memref<128x1xf32, #tpu.memory_space<vmem>>, vector<128x1xf32>
      tpu.vector_store %arg10[%swap3A_130, %swap3A_131], %broadcast_in_dim3A_129 {strides = array<i32>} : memref<128x1xf32, #tpu.memory_space<vmem>>, vector<128x1xf32>,
    } else {
    }
    %get3A_103 = arith.constant 0 : index
    %get3A_104 = arith.constant 0 : index
    %get3A_105 = vector.load %arg9[%get3A_103, %get3A_104] : memref<128x1xf32, #tpu.memory_space<vmem>>, vector<128x1xf32>
    %reduce_sum3A = arith.constant dense<0.000000e+00> : vector<128xf32>
    %reduce_sum3A_106 = vector.multi_reduction <add>, %add3A_96, %reduce_sum3A [1] : vector<128x9216xf32> to vector<128xf32>
    %broadcast_in_dim3A_107 = vector.shape_cast %reduce_sum3A_106 : vector<128xf32> to vector<128x1xf32>
    %add3A_108 = arith.addf %get3A_105, %broadcast_in_dim3A_107 : vector<128x1xf32>
    %swap3A_109 = arith.constant 0 : index
    %swap3A_110 = arith.constant 0 : index
    %swap3A_111 = vector.load %arg9[%swap3A_109, %swap3A_110] : memref<128x1xf32, #tpu.memory_space<vmem>>, vector<128x1xf32>
    tpu.vector_store %arg9[%swap3A_109, %swap3A_110], %add3A_108 {strides = array<i32>} : memref<128x1xf32, #tpu.memory_space<vmem>>, vector<128x1xf32>,
    %get3A_112 = arith.constant 0 : index
    %get3A_113 = arith.constant 0 : index
    %get3A_114 = vector.load %arg10[%get3A_112, %get3A_113] : memref<128x1xf32, #tpu.memory_space<vmem>>, vector<128x1xf32>
    %mul3A_115 = arith.mulf %add3A_96, %add3A_96 : vector<128x9216xf32>
    %reduce_sum3A_116 = arith.constant dense<0.000000e+00> : vector<128xf32>
    %reduce_sum3A_117 = vector.multi_reduction <add>, %mul3A_115, %reduce_sum3A_116 [1] : vector<128x9216xf32> to vector<128xf32>
    %broadcast_in_dim3A_118 = vector.shape_cast %reduce_sum3A_117 : vector<128xf32> to vector<128x1xf32>
    %add3A_119 = arith.addf %get3A_114, %broadcast_in_dim3A_118 : vector<128x1xf32>
    %swap3A_120 = arith.constant 0 : index
    %swap3A_121 = arith.constant 0 : index
    %swap3A_122 = vector.load %arg10[%swap3A_120, %swap3A_121] : memref<128x1xf32, #tpu.memory_space<vmem>>, vector<128x1xf32>
    tpu.vector_store %arg10[%swap3A_120, %swap3A_121], %add3A_119 {strides = array<i32>} : memref<128x1xf32, #tpu.memory_space<vmem>>, vector<128x1xf32>,
    return
  }
  func.func @transform_0(%arg0: i32) -> (i32, i32) {
    %c0_i32 = arith.constant 0 : i32
    %c0_i32_0 = arith.constant 0 : i32
    return %c0_i32, %arg0 : i32, i32
  }
  func.func @transform_1(%arg0: i32) -> (i32, i32) {
    %c0_i32 = arith.constant 0 : i32
    %c0_i32_0 = arith.constant 0 : i32
    %c0_i32_1 = arith.constant 0 : i32
    return %c0_i32, %c0_i32_0 : i32, i32
  }
  func.func @transform_2(%arg0: i32) -> (i32, i32) {
    %c0_i32 = arith.constant 0 : i32
    %c0_i32_0 = arith.constant 0 : i32
    %c0_i32_1 = arith.constant 0 : i32
    return %c0_i32, %c0_i32_0 : i32, i32
  }
  func.func @transform_3(%arg0: i32) -> (i32, i32) {
    %c0_i32 = arith.constant 0 : i32
    %c0_i32_0 = arith.constant 0 : i32
    %c0_i32_1 = arith.constant 0 : i32
    return %c0_i32, %c0_i32_0 : i32, i32
  }
  func.func @transform_4(%arg0: i32) -> (i32, i32) {
    %c0_i32 = arith.constant 0 : i32
    %c0_i32_0 = arith.constant 0 : i32
    %c0_i32_1 = arith.constant 0 : i32
    return %c0_i32, %c0_i32_0 : i32, i32
  }
  func.func @transform_5(%arg0: i32) -> (i32, i32) {
    %c0_i32 = arith.constant 0 : i32
    %c0_i32_0 = arith.constant 0 : i32
    %c0_i32_1 = arith.constant 0 : i32
    return %c0_i32, %c0_i32_0 : i32, i32
  }
  func.func @transform_6(%arg0: i32) -> (i32, i32) {
    %c0_i32 = arith.constant 0 : i32
    %c0_i32_0 = arith.constant 0 : i32
    %c0_i32_1 = arith.constant 0 : i32
    return %c0_i32, %c0_i32_0 : i32, i32
  }
  func.func @transform_7(%arg0: i32) -> (i32, i32) {
    %c0_i32 = arith.constant 0 : i32
    %c0_i32_0 = arith.constant 0 : i32
    return %c0_i32, %arg0 : i32, i32
  }
  func.func @transform_8(%arg0: i32) -> (i32, i32) {
    %c0_i32 = arith.constant 0 : i32
    %c0_i32_0 = arith.constant 0 : i32
    %c0_i32_1 = arith.constant 0 : i32
    return %c0_i32, %c0_i32_0 : i32, i32
  }
  func.func @transform_9(%arg0: i32) -> (i32, i32) {
    %c0_i32 = arith.constant 0 : i32
    %c0_i32_0 = arith.constant 0 : i32
    %c0_i32_1 = arith.constant 0 : i32
    return %c0_i32, %c0_i32_0 : i32, i32
  }
}

module attributes {stable_mosaic.version = 14 : i64} {
  func.func @_body(%arg0: i32, %arg1: memref<128x9216xf32, #tpu.memory_space<vmem>>, %arg2: memref<128x1xf32, #tpu.memory_space<vmem>>, %arg3: memref<128x1xf32, #tpu.memory_space<vmem>>, %arg4: memref<128x1xf32, #tpu.memory_space<vmem>>, %arg5: memref<128x1xf32, #tpu.memory_space<vmem>>, %arg6: memref<28x9216xf32, #tpu.memory_space<vmem>>, %arg7: memref<128x28xf32, #tpu.memory_space<vmem>>, %arg8: memref<128x1xf32, #tpu.memory_space<vmem>>, %arg9: memref<64x384xf32, #tpu.memory_space<vmem>>, %arg10: memref<64x1xf32, #tpu.memory_space<vmem>>, %arg11: memref<128x9216xf32, #tpu.memory_space<vmem>>, %arg12: memref<64x9216xf32, #tpu.memory_space<vmem>>, %arg13: memref<64x1xf32, #tpu.memory_space<vmem>>, %arg14: memref<64x1xf32, #tpu.memory_space<vmem>>) attributes {dimension_semantics = [#tpu.dimension_semantics<arbitrary>], iteration_bounds = array<i64: 5>, scalar_prefetch = 0 : i64, scratch_operands = 0 : i64, tpu.core_type = #tpu.core_type<tc>, window_params = [{transform_indices = @transform_0, window_bounds = array<i64: 128, 9216>}, {pipeline_mode = #tpu.pipeline_mode<synchronous>, transform_indices = @transform_1, window_bounds = array<i64: 128, 1>}, {pipeline_mode = #tpu.pipeline_mode<synchronous>, transform_indices = @transform_2, window_bounds = array<i64: 128, 1>}, {pipeline_mode = #tpu.pipeline_mode<synchronous>, transform_indices = @transform_3, window_bounds = array<i64: 128, 1>}, {pipeline_mode = #tpu.pipeline_mode<synchronous>, transform_indices = @transform_4, window_bounds = array<i64: 128, 1>}, {transform_indices = @transform_5, window_bounds = array<i64: 28, 9216>}, {pipeline_mode = #tpu.pipeline_mode<synchronous>, transform_indices = @transform_6, window_bounds = array<i64: 128, 28>}, {pipeline_mode = #tpu.pipeline_mode<synchronous>, transform_indices = @transform_7, window_bounds = array<i64: 128, 1>}, {pipeline_mode = #tpu.pipeline_mode<synchronous>, transform_indices = @transform_8, window_bounds = array<i64: 64, 384>}, {pipeline_mode = #tpu.pipeline_mode<synchronous>, transform_indices = @transform_9, window_bounds = array<i64: 64, 1>}, {transform_indices = @transform_10, window_bounds = array<i64: 128, 9216>}, {transform_indices = @transform_11, window_bounds = array<i64: 64, 9216>}, {pipeline_mode = #tpu.pipeline_mode<synchronous>, transform_indices = @transform_12, window_bounds = array<i64: 64, 1>}, {pipeline_mode = #tpu.pipeline_mode<synchronous>, transform_indices = @transform_13, window_bounds = array<i64: 64, 1>}]} {
    %get3A = arith.constant 0 : index
    %get3A_0 = arith.constant 0 : index
    %get3A_1 = vector.load %arg1[%get3A, %get3A_0] : memref<128x9216xf32, #tpu.memory_space<vmem>>, vector<128x9216xf32>
    %get3A_2 = arith.constant 0 : index
    %get3A_3 = arith.constant 0 : index
    %get3A_4 = vector.load %arg2[%get3A_2, %get3A_3] : memref<128x1xf32, #tpu.memory_space<vmem>>, vector<128x1xf32>
    %get3A_5 = arith.constant 0 : index
    %get3A_6 = arith.constant 0 : index
    %get3A_7 = vector.load %arg3[%get3A_5, %get3A_6] : memref<128x1xf32, #tpu.memory_space<vmem>>, vector<128x1xf32>
    %get3A_8 = arith.constant 0 : index
    %get3A_9 = arith.constant 0 : index
    %get3A_10 = vector.load %arg4[%get3A_8, %get3A_9] : memref<128x1xf32, #tpu.memory_space<vmem>>, vector<128x1xf32>
    %get3A_11 = arith.constant 0 : index
    %get3A_12 = arith.constant 0 : index
    %get3A_13 = vector.load %arg5[%get3A_11, %get3A_12] : memref<128x1xf32, #tpu.memory_space<vmem>>, vector<128x1xf32>
    %mul3A = arith.constant 2.17013894E-5 : f32
    %mul3A_14 = vector.broadcast %mul3A : f32 to vector<128x1xf32>
    %mul3A_15 = arith.mulf %get3A_4, %mul3A_14 : vector<128x1xf32>
    %mul3A_16 = arith.constant 2.17013894E-5 : f32
    %mul3A_17 = vector.broadcast %mul3A_16 : f32 to vector<128x1xf32>
    %mul3A_18 = arith.mulf %get3A_7, %mul3A_17 : vector<128x1xf32>
    %mul3A_19 = arith.mulf %mul3A_15, %mul3A_15 : vector<128x1xf32>
    %sub3A = arith.subf %mul3A_18, %mul3A_19 : vector<128x1xf32>
    %sub3A_20 = vector.broadcast %mul3A_15 : vector<128x1xf32> to vector<128x9216xf32>
    %sub3A_21 = arith.subf %get3A_1, %sub3A_20 : vector<128x9216xf32>
    %mul3A_22 = vector.broadcast %get3A_10 : vector<128x1xf32> to vector<128x9216xf32>
    %mul3A_23 = arith.mulf %mul3A_22, %sub3A_21 : vector<128x9216xf32>
    %add3A = arith.constant 9.99999974E-6 : f32
    %add3A_24 = vector.broadcast %add3A : f32 to vector<128x1xf32>
    %add3A_25 = arith.addf %sub3A, %add3A_24 : vector<128x1xf32>
    %rsqrt3A = math.rsqrt %add3A_25 : vector<128x1xf32>
    %mul3A_26 = vector.broadcast %rsqrt3A : vector<128x1xf32> to vector<128x9216xf32>
    %mul3A_27 = arith.mulf %mul3A_23, %mul3A_26 : vector<128x9216xf32>
    %add3A_28 = vector.broadcast %get3A_13 : vector<128x1xf32> to vector<128x9216xf32>
    %add3A_29 = arith.addf %mul3A_27, %add3A_28 : vector<128x9216xf32>
    %max3A = arith.constant 0.000000e+00 : f32
    %max3A_30 = vector.broadcast %max3A : f32 to vector<128x9216xf32>
    %max3A_31 = arith.maximumf %add3A_29, %max3A_30 : vector<128x9216xf32>
    %get3A_32 = arith.constant 0 : index
    %get3A_33 = arith.constant 0 : index
    %get3A_34 = vector.load %arg7[%get3A_32, %get3A_33] : memref<128x28xf32, #tpu.memory_space<vmem>>, vector<128x28xf32>
    %get3A_35 = arith.constant 0 : index
    %get3A_36 = arith.constant 0 : index
    %get3A_37 = vector.load %arg6[%get3A_35, %get3A_36] : memref<28x9216xf32, #tpu.memory_space<vmem>>, vector<28x9216xf32>
    %dot_general3A = arith.constant dense<0.000000e+00> : vector<128x9216xf32>
    %dot_general3A_38 = tpu.matmul %get3A_34, %get3A_37, %dot_general3A {dimension_numbers = #tpu.dot_dimension_numbers<[1], [0], [0], [1], [0, 0, 1, 1], [], []>, transpose_lhs_hint = false} : vector<128x28xf32>, vector<28x9216xf32>, vector<128x9216xf32> -> vector<128x9216xf32>
    %get3A_39 = arith.constant 0 : index
    %get3A_40 = arith.constant 0 : index
    %get3A_41 = vector.load %arg8[%get3A_39, %get3A_40] : memref<128x1xf32, #tpu.memory_space<vmem>>, vector<128x1xf32>
    %add3A_42 = vector.broadcast %get3A_41 : vector<128x1xf32> to vector<128x9216xf32>
    %add3A_43 = arith.addf %dot_general3A_38, %add3A_42 : vector<128x9216xf32>
    %add3A_44 = arith.addf %max3A_31, %add3A_43 : vector<128x9216xf32>
    %max3A_45 = arith.constant 0.000000e+00 : f32
    %max3A_46 = vector.broadcast %max3A_45 : f32 to vector<128x9216xf32>
    %max3A_47 = arith.maximumf %add3A_44, %max3A_46 : vector<128x9216xf32>
    %swap3A = arith.constant 0 : index
    %swap3A_48 = arith.constant 0 : index
    %swap3A_49 = vector.load %arg11[%swap3A, %swap3A_48] : memref<128x9216xf32, #tpu.memory_space<vmem>>, vector<128x9216xf32>
    tpu.vector_store %arg11[%swap3A, %swap3A_48], %max3A_47 {strides = array<i32>} : memref<128x9216xf32, #tpu.memory_space<vmem>>, vector<128x9216xf32>,
    %get3A_50 = arith.constant 0 : index
    %get3A_51 = arith.constant 0 : index
    %get3A_52 = vector.load %arg9[%get3A_50, %get3A_51] : memref<64x384xf32, #tpu.memory_space<vmem>>, vector<64x384xf32>
    %broadcast_in_dim3A = arith.constant 0.000000e+00 : f32
    %broadcast_in_dim3A_53 = vector.broadcast %broadcast_in_dim3A : f32 to vector<128x4xf32>
    %slice3A = vector.extract_strided_slice %max3A_47 {offsets = [0, 0], sizes = [128, 9212], strides = [1, 1]} : vector<128x9216xf32> to vector<128x9212xf32>
    %concatenate3A = tpu.concatenate %broadcast_in_dim3A_53, %slice3A in 1 : vector<128x4xf32>, vector<128x9212xf32> -> vector<128x9216xf32>
    %iota3A = tpu.iota {dimensions = array<i32: 1>} : vector<1x9216xi32>
    %jit3A = arith.constant 128 : i32
    %eq3A = arith.constant 0 : i32
    %eq3A_54 = arith.cmpi eq, %jit3A, %eq3A : i32
    %jit3A_55 = arith.constant 1 : i32
    %select_n3A = arith.select %eq3A_54, %jit3A_55, %jit3A : i32
    %rem3A = vector.broadcast %select_n3A : i32 to vector<1x9216xi32>
    %rem3A_56 = arith.remsi %iota3A, %rem3A : vector<1x9216xi32>
    %ne3A = arith.constant 0 : i32
    %ne3A_57 = vector.broadcast %ne3A : i32 to vector<1x9216xi32>
    %ne3A_58 = arith.cmpi ne, %rem3A_56, %ne3A_57 : vector<1x9216xi32>
    %lt3A = arith.constant 0 : i32
    %lt3A_59 = vector.broadcast %lt3A : i32 to vector<1x9216xi32>
    %lt3A_60 = arith.cmpi slt, %rem3A_56, %lt3A_59 : vector<1x9216xi32>
    %lt3A_61 = arith.constant 0 : i32
    %lt3A_62 = arith.cmpi slt, %select_n3A, %lt3A_61 : i32
    %ne3A_63 = vector.broadcast %lt3A_62 : i1 to vector<1x9216xi1>
    %ne3A_64 = vector.broadcast %ne3A_63 : vector<1x9216xi1> to vector<1x9216xi1>
    %ne3A_65 = arith.xori %lt3A_60, %ne3A_64 : vector<1x9216xi1>
    %and3A = arith.andi %ne3A_65, %ne3A_58 : vector<1x9216xi1>
    %add3A_66 = vector.broadcast %select_n3A : i32 to vector<1x9216xi32>
    %add3A_67 = arith.addi %rem3A_56, %add3A_66 : vector<1x9216xi32>
    %select_n3A_68 = arith.select %and3A, %add3A_67, %rem3A_56 : vector<1x9216xi1>, vector<1x9216xi32>
    %ge3A = arith.constant 4 : i32
    %ge3A_69 = vector.broadcast %ge3A : i32 to vector<1x9216xi32>
    %ge3A_70 = arith.cmpi sge, %select_n3A_68, %ge3A_69 : vector<1x9216xi32>
    %convert_element_type3A = arith.extui %ge3A_70 : vector<1x9216xi1> to vector<1x9216xi32>
    %convert_element_type3A_71 = arith.sitofp %convert_element_type3A : vector<1x9216xi32> to vector<1x9216xf32>
    %mul3A_72 = vector.broadcast %convert_element_type3A_71 : vector<1x9216xf32> to vector<128x9216xf32>
    %mul3A_73 = arith.mulf %concatenate3A, %mul3A_72 : vector<128x9216xf32>
    %broadcast_in_dim3A_74 = arith.constant 0.000000e+00 : f32
    %broadcast_in_dim3A_75 = vector.broadcast %broadcast_in_dim3A_74 : f32 to vector<128x2xf32>
    %slice3A_76 = vector.extract_strided_slice %max3A_47 {offsets = [0, 0], sizes = [128, 9214], strides = [1, 1]} : vector<128x9216xf32> to vector<128x9214xf32>
    %concatenate3A_77 = tpu.concatenate %broadcast_in_dim3A_75, %slice3A_76 in 1 : vector<128x2xf32>, vector<128x9214xf32> -> vector<128x9216xf32>
    %iota3A_78 = tpu.iota {dimensions = array<i32: 1>} : vector<1x9216xi32>
    %jit3A_79 = arith.constant 128 : i32
    %eq3A_80 = arith.constant 0 : i32
    %eq3A_81 = arith.cmpi eq, %jit3A_79, %eq3A_80 : i32
    %jit3A_82 = arith.constant 1 : i32
    %select_n3A_83 = arith.select %eq3A_81, %jit3A_82, %jit3A_79 : i32
    %rem3A_84 = vector.broadcast %select_n3A_83 : i32 to vector<1x9216xi32>
    %rem3A_85 = arith.remsi %iota3A_78, %rem3A_84 : vector<1x9216xi32>
    %ne3A_86 = arith.constant 0 : i32
    %ne3A_87 = vector.broadcast %ne3A_86 : i32 to vector<1x9216xi32>
    %ne3A_88 = arith.cmpi ne, %rem3A_85, %ne3A_87 : vector<1x9216xi32>
    %lt3A_89 = arith.constant 0 : i32
    %lt3A_90 = vector.broadcast %lt3A_89 : i32 to vector<1x9216xi32>
    %lt3A_91 = arith.cmpi slt, %rem3A_85, %lt3A_90 : vector<1x9216xi32>
    %lt3A_92 = arith.constant 0 : i32
    %lt3A_93 = arith.cmpi slt, %select_n3A_83, %lt3A_92 : i32
    %ne3A_94 = vector.broadcast %lt3A_93 : i1 to vector<1x9216xi1>
    %ne3A_95 = vector.broadcast %ne3A_94 : vector<1x9216xi1> to vector<1x9216xi1>
    %ne3A_96 = arith.xori %lt3A_91, %ne3A_95 : vector<1x9216xi1>
    %and3A_97 = arith.andi %ne3A_96, %ne3A_88 : vector<1x9216xi1>
    %add3A_98 = vector.broadcast %select_n3A_83 : i32 to vector<1x9216xi32>
    %add3A_99 = arith.addi %rem3A_85, %add3A_98 : vector<1x9216xi32>
    %select_n3A_100 = arith.select %and3A_97, %add3A_99, %rem3A_85 : vector<1x9216xi1>, vector<1x9216xi32>
    %ge3A_101 = arith.constant 2 : i32
    %ge3A_102 = vector.broadcast %ge3A_101 : i32 to vector<1x9216xi32>
    %ge3A_103 = arith.cmpi sge, %select_n3A_100, %ge3A_102 : vector<1x9216xi32>
    %convert_element_type3A_104 = arith.extui %ge3A_103 : vector<1x9216xi1> to vector<1x9216xi32>
    %convert_element_type3A_105 = arith.sitofp %convert_element_type3A_104 : vector<1x9216xi32> to vector<1x9216xf32>
    %mul3A_106 = vector.broadcast %convert_element_type3A_105 : vector<1x9216xf32> to vector<128x9216xf32>
    %mul3A_107 = arith.mulf %concatenate3A_77, %mul3A_106 : vector<128x9216xf32>
    %concatenate3A_108 = tpu.concatenate %mul3A_73, %mul3A_107, %max3A_47 in 0 : vector<128x9216xf32>, vector<128x9216xf32>, vector<128x9216xf32> -> vector<384x9216xf32>
    %dot_general3A_109 = arith.constant dense<0.000000e+00> : vector<64x9216xf32>
    %dot_general3A_110 = tpu.matmul %get3A_52, %concatenate3A_108, %dot_general3A_109 {dimension_numbers = #tpu.dot_dimension_numbers<[1], [0], [0], [1], [0, 0, 1, 1], [], []>, transpose_lhs_hint = false} : vector<64x384xf32>, vector<384x9216xf32>, vector<64x9216xf32> -> vector<64x9216xf32>
    %get3A_111 = arith.constant 0 : index
    %get3A_112 = arith.constant 0 : index
    %get3A_113 = vector.load %arg10[%get3A_111, %get3A_112] : memref<64x1xf32, #tpu.memory_space<vmem>>, vector<64x1xf32>
    %add3A_114 = vector.broadcast %get3A_113 : vector<64x1xf32> to vector<64x9216xf32>
    %add3A_115 = arith.addf %dot_general3A_110, %add3A_114 : vector<64x9216xf32>
    %swap3A_116 = arith.constant 0 : index
    %swap3A_117 = arith.constant 0 : index
    %swap3A_118 = vector.load %arg12[%swap3A_116, %swap3A_117] : memref<64x9216xf32, #tpu.memory_space<vmem>>, vector<64x9216xf32>
    tpu.vector_store %arg12[%swap3A_116, %swap3A_117], %add3A_115 {strides = array<i32>} : memref<64x9216xf32, #tpu.memory_space<vmem>>, vector<64x9216xf32>,
    %eq3A_119 = arith.constant 0 : i32
    %eq3A_120 = arith.cmpi eq, %arg0, %eq3A_119 : i32
    %convert_element_type3A_121 = arith.extui %eq3A_120 : i1 to i32
    %cond3A = arith.constant 0 : i32
    %cond3A_122 = arith.cmpi ne, %convert_element_type3A_121, %cond3A : i32
    scf.if %cond3A_122 {
      %broadcast_in_dim3A_143 = arith.constant 0.000000e+00 : f32
      %broadcast_in_dim3A_144 = vector.broadcast %broadcast_in_dim3A_143 : f32 to vector<64x1xf32>
      %swap3A_145 = arith.constant 0 : index
      %swap3A_146 = arith.constant 0 : index
      %swap3A_147 = vector.load %arg13[%swap3A_145, %swap3A_146] : memref<64x1xf32, #tpu.memory_space<vmem>>, vector<64x1xf32>
      tpu.vector_store %arg13[%swap3A_145, %swap3A_146], %broadcast_in_dim3A_144 {strides = array<i32>} : memref<64x1xf32, #tpu.memory_space<vmem>>, vector<64x1xf32>,
      %broadcast_in_dim3A_148 = arith.constant 0.000000e+00 : f32
      %broadcast_in_dim3A_149 = vector.broadcast %broadcast_in_dim3A_148 : f32 to vector<64x1xf32>
      %swap3A_150 = arith.constant 0 : index
      %swap3A_151 = arith.constant 0 : index
      %swap3A_152 = vector.load %arg14[%swap3A_150, %swap3A_151] : memref<64x1xf32, #tpu.memory_space<vmem>>, vector<64x1xf32>
      tpu.vector_store %arg14[%swap3A_150, %swap3A_151], %broadcast_in_dim3A_149 {strides = array<i32>} : memref<64x1xf32, #tpu.memory_space<vmem>>, vector<64x1xf32>,
    } else {
    }
    %get3A_123 = arith.constant 0 : index
    %get3A_124 = arith.constant 0 : index
    %get3A_125 = vector.load %arg13[%get3A_123, %get3A_124] : memref<64x1xf32, #tpu.memory_space<vmem>>, vector<64x1xf32>
    %reduce_sum3A = arith.constant dense<0.000000e+00> : vector<64xf32>
    %reduce_sum3A_126 = vector.multi_reduction <add>, %add3A_115, %reduce_sum3A [1] : vector<64x9216xf32> to vector<64xf32>
    %broadcast_in_dim3A_127 = vector.shape_cast %reduce_sum3A_126 : vector<64xf32> to vector<64x1xf32>
    %add3A_128 = arith.addf %get3A_125, %broadcast_in_dim3A_127 : vector<64x1xf32>
    %swap3A_129 = arith.constant 0 : index
    %swap3A_130 = arith.constant 0 : index
    %swap3A_131 = vector.load %arg13[%swap3A_129, %swap3A_130] : memref<64x1xf32, #tpu.memory_space<vmem>>, vector<64x1xf32>
    tpu.vector_store %arg13[%swap3A_129, %swap3A_130], %add3A_128 {strides = array<i32>} : memref<64x1xf32, #tpu.memory_space<vmem>>, vector<64x1xf32>,
    %get3A_132 = arith.constant 0 : index
    %get3A_133 = arith.constant 0 : index
    %get3A_134 = vector.load %arg14[%get3A_132, %get3A_133] : memref<64x1xf32, #tpu.memory_space<vmem>>, vector<64x1xf32>
    %mul3A_135 = arith.mulf %add3A_115, %add3A_115 : vector<64x9216xf32>
    %reduce_sum3A_136 = arith.constant dense<0.000000e+00> : vector<64xf32>
    %reduce_sum3A_137 = vector.multi_reduction <add>, %mul3A_135, %reduce_sum3A_136 [1] : vector<64x9216xf32> to vector<64xf32>
    %broadcast_in_dim3A_138 = vector.shape_cast %reduce_sum3A_137 : vector<64xf32> to vector<64x1xf32>
    %add3A_139 = arith.addf %get3A_134, %broadcast_in_dim3A_138 : vector<64x1xf32>
    %swap3A_140 = arith.constant 0 : index
    %swap3A_141 = arith.constant 0 : index
    %swap3A_142 = vector.load %arg14[%swap3A_140, %swap3A_141] : memref<64x1xf32, #tpu.memory_space<vmem>>, vector<64x1xf32>
    tpu.vector_store %arg14[%swap3A_140, %swap3A_141], %add3A_139 {strides = array<i32>} : memref<64x1xf32, #tpu.memory_space<vmem>>, vector<64x1xf32>,
    return
  }
  func.func @transform_0(%arg0: i32) -> (i32, i32) {
    %c0_i32 = arith.constant 0 : i32
    %c0_i32_0 = arith.constant 0 : i32
    return %c0_i32, %arg0 : i32, i32
  }
  func.func @transform_1(%arg0: i32) -> (i32, i32) {
    %c0_i32 = arith.constant 0 : i32
    %c0_i32_0 = arith.constant 0 : i32
    %c0_i32_1 = arith.constant 0 : i32
    return %c0_i32, %c0_i32_0 : i32, i32
  }
  func.func @transform_2(%arg0: i32) -> (i32, i32) {
    %c0_i32 = arith.constant 0 : i32
    %c0_i32_0 = arith.constant 0 : i32
    %c0_i32_1 = arith.constant 0 : i32
    return %c0_i32, %c0_i32_0 : i32, i32
  }
  func.func @transform_3(%arg0: i32) -> (i32, i32) {
    %c0_i32 = arith.constant 0 : i32
    %c0_i32_0 = arith.constant 0 : i32
    %c0_i32_1 = arith.constant 0 : i32
    return %c0_i32, %c0_i32_0 : i32, i32
  }
  func.func @transform_4(%arg0: i32) -> (i32, i32) {
    %c0_i32 = arith.constant 0 : i32
    %c0_i32_0 = arith.constant 0 : i32
    %c0_i32_1 = arith.constant 0 : i32
    return %c0_i32, %c0_i32_0 : i32, i32
  }
  func.func @transform_5(%arg0: i32) -> (i32, i32) {
    %c0_i32 = arith.constant 0 : i32
    %c0_i32_0 = arith.constant 0 : i32
    return %c0_i32, %arg0 : i32, i32
  }
  func.func @transform_6(%arg0: i32) -> (i32, i32) {
    %c0_i32 = arith.constant 0 : i32
    %c0_i32_0 = arith.constant 0 : i32
    %c0_i32_1 = arith.constant 0 : i32
    return %c0_i32, %c0_i32_0 : i32, i32
  }
  func.func @transform_7(%arg0: i32) -> (i32, i32) {
    %c0_i32 = arith.constant 0 : i32
    %c0_i32_0 = arith.constant 0 : i32
    %c0_i32_1 = arith.constant 0 : i32
    return %c0_i32, %c0_i32_0 : i32, i32
  }
  func.func @transform_8(%arg0: i32) -> (i32, i32) {
    %c0_i32 = arith.constant 0 : i32
    %c0_i32_0 = arith.constant 0 : i32
    %c0_i32_1 = arith.constant 0 : i32
    return %c0_i32, %c0_i32_0 : i32, i32
  }
  func.func @transform_9(%arg0: i32) -> (i32, i32) {
    %c0_i32 = arith.constant 0 : i32
    %c0_i32_0 = arith.constant 0 : i32
    %c0_i32_1 = arith.constant 0 : i32
    return %c0_i32, %c0_i32_0 : i32, i32
  }
  func.func @transform_10(%arg0: i32) -> (i32, i32) {
    %c0_i32 = arith.constant 0 : i32
    %c0_i32_0 = arith.constant 0 : i32
    return %c0_i32, %arg0 : i32, i32
  }
  func.func @transform_11(%arg0: i32) -> (i32, i32) {
    %c0_i32 = arith.constant 0 : i32
    %c0_i32_0 = arith.constant 0 : i32
    return %c0_i32, %arg0 : i32, i32
  }
  func.func @transform_12(%arg0: i32) -> (i32, i32) {
    %c0_i32 = arith.constant 0 : i32
    %c0_i32_0 = arith.constant 0 : i32
    %c0_i32_1 = arith.constant 0 : i32
    return %c0_i32, %c0_i32_0 : i32, i32
  }
  func.func @transform_13(%arg0: i32) -> (i32, i32) {
    %c0_i32 = arith.constant 0 : i32
    %c0_i32_0 = arith.constant 0 : i32
    %c0_i32_1 = arith.constant 0 : i32
    return %c0_i32, %c0_i32_0 : i32, i32
  }
}

module attributes {stable_mosaic.version = 14 : i64} {
  func.func @_body(%arg0: i32, %arg1: memref<64x9216xf32, #tpu.memory_space<vmem>>, %arg2: memref<64x1xf32, #tpu.memory_space<vmem>>, %arg3: memref<64x1xf32, #tpu.memory_space<vmem>>, %arg4: memref<64x1xf32, #tpu.memory_space<vmem>>, %arg5: memref<64x1xf32, #tpu.memory_space<vmem>>, %arg6: memref<64x192xf32, #tpu.memory_space<vmem>>, %arg7: memref<64x1xf32, #tpu.memory_space<vmem>>, %arg8: memref<64x9216xf32, #tpu.memory_space<vmem>>, %arg9: memref<64x1xf32, #tpu.memory_space<vmem>>, %arg10: memref<64x1xf32, #tpu.memory_space<vmem>>) attributes {dimension_semantics = [#tpu.dimension_semantics<arbitrary>], iteration_bounds = array<i64: 5>, scalar_prefetch = 0 : i64, scratch_operands = 0 : i64, tpu.core_type = #tpu.core_type<tc>, window_params = [{transform_indices = @transform_0, window_bounds = array<i64: 64, 9216>}, {pipeline_mode = #tpu.pipeline_mode<synchronous>, transform_indices = @transform_1, window_bounds = array<i64: 64, 1>}, {pipeline_mode = #tpu.pipeline_mode<synchronous>, transform_indices = @transform_2, window_bounds = array<i64: 64, 1>}, {pipeline_mode = #tpu.pipeline_mode<synchronous>, transform_indices = @transform_3, window_bounds = array<i64: 64, 1>}, {pipeline_mode = #tpu.pipeline_mode<synchronous>, transform_indices = @transform_4, window_bounds = array<i64: 64, 1>}, {pipeline_mode = #tpu.pipeline_mode<synchronous>, transform_indices = @transform_5, window_bounds = array<i64: 64, 192>}, {pipeline_mode = #tpu.pipeline_mode<synchronous>, transform_indices = @transform_6, window_bounds = array<i64: 64, 1>}, {transform_indices = @transform_7, window_bounds = array<i64: 64, 9216>}, {pipeline_mode = #tpu.pipeline_mode<synchronous>, transform_indices = @transform_8, window_bounds = array<i64: 64, 1>}, {pipeline_mode = #tpu.pipeline_mode<synchronous>, transform_indices = @transform_9, window_bounds = array<i64: 64, 1>}]} {
    %get3A = arith.constant 0 : index
    %get3A_0 = arith.constant 0 : index
    %get3A_1 = vector.load %arg1[%get3A, %get3A_0] : memref<64x9216xf32, #tpu.memory_space<vmem>>, vector<64x9216xf32>
    %get3A_2 = arith.constant 0 : index
    %get3A_3 = arith.constant 0 : index
    %get3A_4 = vector.load %arg2[%get3A_2, %get3A_3] : memref<64x1xf32, #tpu.memory_space<vmem>>, vector<64x1xf32>
    %get3A_5 = arith.constant 0 : index
    %get3A_6 = arith.constant 0 : index
    %get3A_7 = vector.load %arg3[%get3A_5, %get3A_6] : memref<64x1xf32, #tpu.memory_space<vmem>>, vector<64x1xf32>
    %get3A_8 = arith.constant 0 : index
    %get3A_9 = arith.constant 0 : index
    %get3A_10 = vector.load %arg4[%get3A_8, %get3A_9] : memref<64x1xf32, #tpu.memory_space<vmem>>, vector<64x1xf32>
    %get3A_11 = arith.constant 0 : index
    %get3A_12 = arith.constant 0 : index
    %get3A_13 = vector.load %arg5[%get3A_11, %get3A_12] : memref<64x1xf32, #tpu.memory_space<vmem>>, vector<64x1xf32>
    %mul3A = arith.constant 2.17013894E-5 : f32
    %mul3A_14 = vector.broadcast %mul3A : f32 to vector<64x1xf32>
    %mul3A_15 = arith.mulf %get3A_4, %mul3A_14 : vector<64x1xf32>
    %mul3A_16 = arith.constant 2.17013894E-5 : f32
    %mul3A_17 = vector.broadcast %mul3A_16 : f32 to vector<64x1xf32>
    %mul3A_18 = arith.mulf %get3A_7, %mul3A_17 : vector<64x1xf32>
    %mul3A_19 = arith.mulf %mul3A_15, %mul3A_15 : vector<64x1xf32>
    %sub3A = arith.subf %mul3A_18, %mul3A_19 : vector<64x1xf32>
    %sub3A_20 = vector.broadcast %mul3A_15 : vector<64x1xf32> to vector<64x9216xf32>
    %sub3A_21 = arith.subf %get3A_1, %sub3A_20 : vector<64x9216xf32>
    %mul3A_22 = vector.broadcast %get3A_10 : vector<64x1xf32> to vector<64x9216xf32>
    %mul3A_23 = arith.mulf %mul3A_22, %sub3A_21 : vector<64x9216xf32>
    %add3A = arith.constant 9.99999974E-6 : f32
    %add3A_24 = vector.broadcast %add3A : f32 to vector<64x1xf32>
    %add3A_25 = arith.addf %sub3A, %add3A_24 : vector<64x1xf32>
    %rsqrt3A = math.rsqrt %add3A_25 : vector<64x1xf32>
    %mul3A_26 = vector.broadcast %rsqrt3A : vector<64x1xf32> to vector<64x9216xf32>
    %mul3A_27 = arith.mulf %mul3A_23, %mul3A_26 : vector<64x9216xf32>
    %add3A_28 = vector.broadcast %get3A_13 : vector<64x1xf32> to vector<64x9216xf32>
    %add3A_29 = arith.addf %mul3A_27, %add3A_28 : vector<64x9216xf32>
    %max3A = arith.constant 0.000000e+00 : f32
    %max3A_30 = vector.broadcast %max3A : f32 to vector<64x9216xf32>
    %max3A_31 = arith.maximumf %add3A_29, %max3A_30 : vector<64x9216xf32>
    %get3A_32 = arith.constant 0 : index
    %get3A_33 = arith.constant 0 : index
    %get3A_34 = vector.load %arg6[%get3A_32, %get3A_33] : memref<64x192xf32, #tpu.memory_space<vmem>>, vector<64x192xf32>
    %broadcast_in_dim3A = arith.constant 0.000000e+00 : f32
    %broadcast_in_dim3A_35 = vector.broadcast %broadcast_in_dim3A : f32 to vector<64x4xf32>
    %slice3A = vector.extract_strided_slice %max3A_31 {offsets = [0, 0], sizes = [64, 9212], strides = [1, 1]} : vector<64x9216xf32> to vector<64x9212xf32>
    %concatenate3A = tpu.concatenate %broadcast_in_dim3A_35, %slice3A in 1 : vector<64x4xf32>, vector<64x9212xf32> -> vector<64x9216xf32>
    %iota3A = tpu.iota {dimensions = array<i32: 1>} : vector<1x9216xi32>
    %jit3A = arith.constant 128 : i32
    %eq3A = arith.constant 0 : i32
    %eq3A_36 = arith.cmpi eq, %jit3A, %eq3A : i32
    %jit3A_37 = arith.constant 1 : i32
    %select_n3A = arith.select %eq3A_36, %jit3A_37, %jit3A : i32
    %rem3A = vector.broadcast %select_n3A : i32 to vector<1x9216xi32>
    %rem3A_38 = arith.remsi %iota3A, %rem3A : vector<1x9216xi32>
    %ne3A = arith.constant 0 : i32
    %ne3A_39 = vector.broadcast %ne3A : i32 to vector<1x9216xi32>
    %ne3A_40 = arith.cmpi ne, %rem3A_38, %ne3A_39 : vector<1x9216xi32>
    %lt3A = arith.constant 0 : i32
    %lt3A_41 = vector.broadcast %lt3A : i32 to vector<1x9216xi32>
    %lt3A_42 = arith.cmpi slt, %rem3A_38, %lt3A_41 : vector<1x9216xi32>
    %lt3A_43 = arith.constant 0 : i32
    %lt3A_44 = arith.cmpi slt, %select_n3A, %lt3A_43 : i32
    %ne3A_45 = vector.broadcast %lt3A_44 : i1 to vector<1x9216xi1>
    %ne3A_46 = vector.broadcast %ne3A_45 : vector<1x9216xi1> to vector<1x9216xi1>
    %ne3A_47 = arith.xori %lt3A_42, %ne3A_46 : vector<1x9216xi1>
    %and3A = arith.andi %ne3A_47, %ne3A_40 : vector<1x9216xi1>
    %add3A_48 = vector.broadcast %select_n3A : i32 to vector<1x9216xi32>
    %add3A_49 = arith.addi %rem3A_38, %add3A_48 : vector<1x9216xi32>
    %select_n3A_50 = arith.select %and3A, %add3A_49, %rem3A_38 : vector<1x9216xi1>, vector<1x9216xi32>
    %ge3A = arith.constant 4 : i32
    %ge3A_51 = vector.broadcast %ge3A : i32 to vector<1x9216xi32>
    %ge3A_52 = arith.cmpi sge, %select_n3A_50, %ge3A_51 : vector<1x9216xi32>
    %convert_element_type3A = arith.extui %ge3A_52 : vector<1x9216xi1> to vector<1x9216xi32>
    %convert_element_type3A_53 = arith.sitofp %convert_element_type3A : vector<1x9216xi32> to vector<1x9216xf32>
    %mul3A_54 = vector.broadcast %convert_element_type3A_53 : vector<1x9216xf32> to vector<64x9216xf32>
    %mul3A_55 = arith.mulf %concatenate3A, %mul3A_54 : vector<64x9216xf32>
    %broadcast_in_dim3A_56 = arith.constant 0.000000e+00 : f32
    %broadcast_in_dim3A_57 = vector.broadcast %broadcast_in_dim3A_56 : f32 to vector<64x2xf32>
    %slice3A_58 = vector.extract_strided_slice %max3A_31 {offsets = [0, 0], sizes = [64, 9214], strides = [1, 1]} : vector<64x9216xf32> to vector<64x9214xf32>
    %concatenate3A_59 = tpu.concatenate %broadcast_in_dim3A_57, %slice3A_58 in 1 : vector<64x2xf32>, vector<64x9214xf32> -> vector<64x9216xf32>
    %iota3A_60 = tpu.iota {dimensions = array<i32: 1>} : vector<1x9216xi32>
    %jit3A_61 = arith.constant 128 : i32
    %eq3A_62 = arith.constant 0 : i32
    %eq3A_63 = arith.cmpi eq, %jit3A_61, %eq3A_62 : i32
    %jit3A_64 = arith.constant 1 : i32
    %select_n3A_65 = arith.select %eq3A_63, %jit3A_64, %jit3A_61 : i32
    %rem3A_66 = vector.broadcast %select_n3A_65 : i32 to vector<1x9216xi32>
    %rem3A_67 = arith.remsi %iota3A_60, %rem3A_66 : vector<1x9216xi32>
    %ne3A_68 = arith.constant 0 : i32
    %ne3A_69 = vector.broadcast %ne3A_68 : i32 to vector<1x9216xi32>
    %ne3A_70 = arith.cmpi ne, %rem3A_67, %ne3A_69 : vector<1x9216xi32>
    %lt3A_71 = arith.constant 0 : i32
    %lt3A_72 = vector.broadcast %lt3A_71 : i32 to vector<1x9216xi32>
    %lt3A_73 = arith.cmpi slt, %rem3A_67, %lt3A_72 : vector<1x9216xi32>
    %lt3A_74 = arith.constant 0 : i32
    %lt3A_75 = arith.cmpi slt, %select_n3A_65, %lt3A_74 : i32
    %ne3A_76 = vector.broadcast %lt3A_75 : i1 to vector<1x9216xi1>
    %ne3A_77 = vector.broadcast %ne3A_76 : vector<1x9216xi1> to vector<1x9216xi1>
    %ne3A_78 = arith.xori %lt3A_73, %ne3A_77 : vector<1x9216xi1>
    %and3A_79 = arith.andi %ne3A_78, %ne3A_70 : vector<1x9216xi1>
    %add3A_80 = vector.broadcast %select_n3A_65 : i32 to vector<1x9216xi32>
    %add3A_81 = arith.addi %rem3A_67, %add3A_80 : vector<1x9216xi32>
    %select_n3A_82 = arith.select %and3A_79, %add3A_81, %rem3A_67 : vector<1x9216xi1>, vector<1x9216xi32>
    %ge3A_83 = arith.constant 2 : i32
    %ge3A_84 = vector.broadcast %ge3A_83 : i32 to vector<1x9216xi32>
    %ge3A_85 = arith.cmpi sge, %select_n3A_82, %ge3A_84 : vector<1x9216xi32>
    %convert_element_type3A_86 = arith.extui %ge3A_85 : vector<1x9216xi1> to vector<1x9216xi32>
    %convert_element_type3A_87 = arith.sitofp %convert_element_type3A_86 : vector<1x9216xi32> to vector<1x9216xf32>
    %mul3A_88 = vector.broadcast %convert_element_type3A_87 : vector<1x9216xf32> to vector<64x9216xf32>
    %mul3A_89 = arith.mulf %concatenate3A_59, %mul3A_88 : vector<64x9216xf32>
    %concatenate3A_90 = tpu.concatenate %mul3A_55, %mul3A_89, %max3A_31 in 0 : vector<64x9216xf32>, vector<64x9216xf32>, vector<64x9216xf32> -> vector<192x9216xf32>
    %dot_general3A = arith.constant dense<0.000000e+00> : vector<64x9216xf32>
    %dot_general3A_91 = tpu.matmul %get3A_34, %concatenate3A_90, %dot_general3A {dimension_numbers = #tpu.dot_dimension_numbers<[1], [0], [0], [1], [0, 0, 1, 1], [], []>, transpose_lhs_hint = false} : vector<64x192xf32>, vector<192x9216xf32>, vector<64x9216xf32> -> vector<64x9216xf32>
    %get3A_92 = arith.constant 0 : index
    %get3A_93 = arith.constant 0 : index
    %get3A_94 = vector.load %arg7[%get3A_92, %get3A_93] : memref<64x1xf32, #tpu.memory_space<vmem>>, vector<64x1xf32>
    %add3A_95 = vector.broadcast %get3A_94 : vector<64x1xf32> to vector<64x9216xf32>
    %add3A_96 = arith.addf %dot_general3A_91, %add3A_95 : vector<64x9216xf32>
    %swap3A = arith.constant 0 : index
    %swap3A_97 = arith.constant 0 : index
    %swap3A_98 = vector.load %arg8[%swap3A, %swap3A_97] : memref<64x9216xf32, #tpu.memory_space<vmem>>, vector<64x9216xf32>
    tpu.vector_store %arg8[%swap3A, %swap3A_97], %add3A_96 {strides = array<i32>} : memref<64x9216xf32, #tpu.memory_space<vmem>>, vector<64x9216xf32>,
    %eq3A_99 = arith.constant 0 : i32
    %eq3A_100 = arith.cmpi eq, %arg0, %eq3A_99 : i32
    %convert_element_type3A_101 = arith.extui %eq3A_100 : i1 to i32
    %cond3A = arith.constant 0 : i32
    %cond3A_102 = arith.cmpi ne, %convert_element_type3A_101, %cond3A : i32
    scf.if %cond3A_102 {
      %broadcast_in_dim3A_123 = arith.constant 0.000000e+00 : f32
      %broadcast_in_dim3A_124 = vector.broadcast %broadcast_in_dim3A_123 : f32 to vector<64x1xf32>
      %swap3A_125 = arith.constant 0 : index
      %swap3A_126 = arith.constant 0 : index
      %swap3A_127 = vector.load %arg9[%swap3A_125, %swap3A_126] : memref<64x1xf32, #tpu.memory_space<vmem>>, vector<64x1xf32>
      tpu.vector_store %arg9[%swap3A_125, %swap3A_126], %broadcast_in_dim3A_124 {strides = array<i32>} : memref<64x1xf32, #tpu.memory_space<vmem>>, vector<64x1xf32>,
      %broadcast_in_dim3A_128 = arith.constant 0.000000e+00 : f32
      %broadcast_in_dim3A_129 = vector.broadcast %broadcast_in_dim3A_128 : f32 to vector<64x1xf32>
      %swap3A_130 = arith.constant 0 : index
      %swap3A_131 = arith.constant 0 : index
      %swap3A_132 = vector.load %arg10[%swap3A_130, %swap3A_131] : memref<64x1xf32, #tpu.memory_space<vmem>>, vector<64x1xf32>
      tpu.vector_store %arg10[%swap3A_130, %swap3A_131], %broadcast_in_dim3A_129 {strides = array<i32>} : memref<64x1xf32, #tpu.memory_space<vmem>>, vector<64x1xf32>,
    } else {
    }
    %get3A_103 = arith.constant 0 : index
    %get3A_104 = arith.constant 0 : index
    %get3A_105 = vector.load %arg9[%get3A_103, %get3A_104] : memref<64x1xf32, #tpu.memory_space<vmem>>, vector<64x1xf32>
    %reduce_sum3A = arith.constant dense<0.000000e+00> : vector<64xf32>
    %reduce_sum3A_106 = vector.multi_reduction <add>, %add3A_96, %reduce_sum3A [1] : vector<64x9216xf32> to vector<64xf32>
    %broadcast_in_dim3A_107 = vector.shape_cast %reduce_sum3A_106 : vector<64xf32> to vector<64x1xf32>
    %add3A_108 = arith.addf %get3A_105, %broadcast_in_dim3A_107 : vector<64x1xf32>
    %swap3A_109 = arith.constant 0 : index
    %swap3A_110 = arith.constant 0 : index
    %swap3A_111 = vector.load %arg9[%swap3A_109, %swap3A_110] : memref<64x1xf32, #tpu.memory_space<vmem>>, vector<64x1xf32>
    tpu.vector_store %arg9[%swap3A_109, %swap3A_110], %add3A_108 {strides = array<i32>} : memref<64x1xf32, #tpu.memory_space<vmem>>, vector<64x1xf32>,
    %get3A_112 = arith.constant 0 : index
    %get3A_113 = arith.constant 0 : index
    %get3A_114 = vector.load %arg10[%get3A_112, %get3A_113] : memref<64x1xf32, #tpu.memory_space<vmem>>, vector<64x1xf32>
    %mul3A_115 = arith.mulf %add3A_96, %add3A_96 : vector<64x9216xf32>
    %reduce_sum3A_116 = arith.constant dense<0.000000e+00> : vector<64xf32>
    %reduce_sum3A_117 = vector.multi_reduction <add>, %mul3A_115, %reduce_sum3A_116 [1] : vector<64x9216xf32> to vector<64xf32>
    %broadcast_in_dim3A_118 = vector.shape_cast %reduce_sum3A_117 : vector<64xf32> to vector<64x1xf32>
    %add3A_119 = arith.addf %get3A_114, %broadcast_in_dim3A_118 : vector<64x1xf32>
    %swap3A_120 = arith.constant 0 : index
    %swap3A_121 = arith.constant 0 : index
    %swap3A_122 = vector.load %arg10[%swap3A_120, %swap3A_121] : memref<64x1xf32, #tpu.memory_space<vmem>>, vector<64x1xf32>
    tpu.vector_store %arg10[%swap3A_120, %swap3A_121], %add3A_119 {strides = array<i32>} : memref<64x1xf32, #tpu.memory_space<vmem>>, vector<64x1xf32>,
    return
  }
  func.func @transform_0(%arg0: i32) -> (i32, i32) {
    %c0_i32 = arith.constant 0 : i32
    %c0_i32_0 = arith.constant 0 : i32
    return %c0_i32, %arg0 : i32, i32
  }
  func.func @transform_1(%arg0: i32) -> (i32, i32) {
    %c0_i32 = arith.constant 0 : i32
    %c0_i32_0 = arith.constant 0 : i32
    %c0_i32_1 = arith.constant 0 : i32
    return %c0_i32, %c0_i32_0 : i32, i32
  }
  func.func @transform_2(%arg0: i32) -> (i32, i32) {
    %c0_i32 = arith.constant 0 : i32
    %c0_i32_0 = arith.constant 0 : i32
    %c0_i32_1 = arith.constant 0 : i32
    return %c0_i32, %c0_i32_0 : i32, i32
  }
  func.func @transform_3(%arg0: i32) -> (i32, i32) {
    %c0_i32 = arith.constant 0 : i32
    %c0_i32_0 = arith.constant 0 : i32
    %c0_i32_1 = arith.constant 0 : i32
    return %c0_i32, %c0_i32_0 : i32, i32
  }
  func.func @transform_4(%arg0: i32) -> (i32, i32) {
    %c0_i32 = arith.constant 0 : i32
    %c0_i32_0 = arith.constant 0 : i32
    %c0_i32_1 = arith.constant 0 : i32
    return %c0_i32, %c0_i32_0 : i32, i32
  }
  func.func @transform_5(%arg0: i32) -> (i32, i32) {
    %c0_i32 = arith.constant 0 : i32
    %c0_i32_0 = arith.constant 0 : i32
    %c0_i32_1 = arith.constant 0 : i32
    return %c0_i32, %c0_i32_0 : i32, i32
  }
  func.func @transform_6(%arg0: i32) -> (i32, i32) {
    %c0_i32 = arith.constant 0 : i32
    %c0_i32_0 = arith.constant 0 : i32
    %c0_i32_1 = arith.constant 0 : i32
    return %c0_i32, %c0_i32_0 : i32, i32
  }
  func.func @transform_7(%arg0: i32) -> (i32, i32) {
    %c0_i32 = arith.constant 0 : i32
    %c0_i32_0 = arith.constant 0 : i32
    return %c0_i32, %arg0 : i32, i32
  }
  func.func @transform_8(%arg0: i32) -> (i32, i32) {
    %c0_i32 = arith.constant 0 : i32
    %c0_i32_0 = arith.constant 0 : i32
    %c0_i32_1 = arith.constant 0 : i32
    return %c0_i32, %c0_i32_0 : i32, i32
  }
  func.func @transform_9(%arg0: i32) -> (i32, i32) {
    %c0_i32 = arith.constant 0 : i32
    %c0_i32_0 = arith.constant 0 : i32
    %c0_i32_1 = arith.constant 0 : i32
    return %c0_i32, %c0_i32_0 : i32, i32
  }
}

module attributes {stable_mosaic.version = 14 : i64} {
  func.func @_body(%arg0: i32, %arg1: memref<64x9216xf32, #tpu.memory_space<vmem>>, %arg2: memref<64x1xf32, #tpu.memory_space<vmem>>, %arg3: memref<64x1xf32, #tpu.memory_space<vmem>>, %arg4: memref<64x1xf32, #tpu.memory_space<vmem>>, %arg5: memref<64x1xf32, #tpu.memory_space<vmem>>, %arg6: memref<128x9216xf32, #tpu.memory_space<vmem>>, %arg7: memref<64x128xf32, #tpu.memory_space<vmem>>, %arg8: memref<64x1xf32, #tpu.memory_space<vmem>>, %arg9: memref<32x192xf32, #tpu.memory_space<vmem>>, %arg10: memref<32x1xf32, #tpu.memory_space<vmem>>, %arg11: memref<64x9216xf32, #tpu.memory_space<vmem>>, %arg12: memref<32x9216xf32, #tpu.memory_space<vmem>>, %arg13: memref<32x1xf32, #tpu.memory_space<vmem>>, %arg14: memref<32x1xf32, #tpu.memory_space<vmem>>) attributes {dimension_semantics = [#tpu.dimension_semantics<arbitrary>], iteration_bounds = array<i64: 5>, scalar_prefetch = 0 : i64, scratch_operands = 0 : i64, tpu.core_type = #tpu.core_type<tc>, window_params = [{transform_indices = @transform_0, window_bounds = array<i64: 64, 9216>}, {pipeline_mode = #tpu.pipeline_mode<synchronous>, transform_indices = @transform_1, window_bounds = array<i64: 64, 1>}, {pipeline_mode = #tpu.pipeline_mode<synchronous>, transform_indices = @transform_2, window_bounds = array<i64: 64, 1>}, {pipeline_mode = #tpu.pipeline_mode<synchronous>, transform_indices = @transform_3, window_bounds = array<i64: 64, 1>}, {pipeline_mode = #tpu.pipeline_mode<synchronous>, transform_indices = @transform_4, window_bounds = array<i64: 64, 1>}, {transform_indices = @transform_5, window_bounds = array<i64: 128, 9216>}, {pipeline_mode = #tpu.pipeline_mode<synchronous>, transform_indices = @transform_6, window_bounds = array<i64: 64, 128>}, {pipeline_mode = #tpu.pipeline_mode<synchronous>, transform_indices = @transform_7, window_bounds = array<i64: 64, 1>}, {pipeline_mode = #tpu.pipeline_mode<synchronous>, transform_indices = @transform_8, window_bounds = array<i64: 32, 192>}, {pipeline_mode = #tpu.pipeline_mode<synchronous>, transform_indices = @transform_9, window_bounds = array<i64: 32, 1>}, {transform_indices = @transform_10, window_bounds = array<i64: 64, 9216>}, {transform_indices = @transform_11, window_bounds = array<i64: 32, 9216>}, {pipeline_mode = #tpu.pipeline_mode<synchronous>, transform_indices = @transform_12, window_bounds = array<i64: 32, 1>}, {pipeline_mode = #tpu.pipeline_mode<synchronous>, transform_indices = @transform_13, window_bounds = array<i64: 32, 1>}]} {
    %get3A = arith.constant 0 : index
    %get3A_0 = arith.constant 0 : index
    %get3A_1 = vector.load %arg1[%get3A, %get3A_0] : memref<64x9216xf32, #tpu.memory_space<vmem>>, vector<64x9216xf32>
    %get3A_2 = arith.constant 0 : index
    %get3A_3 = arith.constant 0 : index
    %get3A_4 = vector.load %arg2[%get3A_2, %get3A_3] : memref<64x1xf32, #tpu.memory_space<vmem>>, vector<64x1xf32>
    %get3A_5 = arith.constant 0 : index
    %get3A_6 = arith.constant 0 : index
    %get3A_7 = vector.load %arg3[%get3A_5, %get3A_6] : memref<64x1xf32, #tpu.memory_space<vmem>>, vector<64x1xf32>
    %get3A_8 = arith.constant 0 : index
    %get3A_9 = arith.constant 0 : index
    %get3A_10 = vector.load %arg4[%get3A_8, %get3A_9] : memref<64x1xf32, #tpu.memory_space<vmem>>, vector<64x1xf32>
    %get3A_11 = arith.constant 0 : index
    %get3A_12 = arith.constant 0 : index
    %get3A_13 = vector.load %arg5[%get3A_11, %get3A_12] : memref<64x1xf32, #tpu.memory_space<vmem>>, vector<64x1xf32>
    %mul3A = arith.constant 2.17013894E-5 : f32
    %mul3A_14 = vector.broadcast %mul3A : f32 to vector<64x1xf32>
    %mul3A_15 = arith.mulf %get3A_4, %mul3A_14 : vector<64x1xf32>
    %mul3A_16 = arith.constant 2.17013894E-5 : f32
    %mul3A_17 = vector.broadcast %mul3A_16 : f32 to vector<64x1xf32>
    %mul3A_18 = arith.mulf %get3A_7, %mul3A_17 : vector<64x1xf32>
    %mul3A_19 = arith.mulf %mul3A_15, %mul3A_15 : vector<64x1xf32>
    %sub3A = arith.subf %mul3A_18, %mul3A_19 : vector<64x1xf32>
    %sub3A_20 = vector.broadcast %mul3A_15 : vector<64x1xf32> to vector<64x9216xf32>
    %sub3A_21 = arith.subf %get3A_1, %sub3A_20 : vector<64x9216xf32>
    %mul3A_22 = vector.broadcast %get3A_10 : vector<64x1xf32> to vector<64x9216xf32>
    %mul3A_23 = arith.mulf %mul3A_22, %sub3A_21 : vector<64x9216xf32>
    %add3A = arith.constant 9.99999974E-6 : f32
    %add3A_24 = vector.broadcast %add3A : f32 to vector<64x1xf32>
    %add3A_25 = arith.addf %sub3A, %add3A_24 : vector<64x1xf32>
    %rsqrt3A = math.rsqrt %add3A_25 : vector<64x1xf32>
    %mul3A_26 = vector.broadcast %rsqrt3A : vector<64x1xf32> to vector<64x9216xf32>
    %mul3A_27 = arith.mulf %mul3A_23, %mul3A_26 : vector<64x9216xf32>
    %add3A_28 = vector.broadcast %get3A_13 : vector<64x1xf32> to vector<64x9216xf32>
    %add3A_29 = arith.addf %mul3A_27, %add3A_28 : vector<64x9216xf32>
    %max3A = arith.constant 0.000000e+00 : f32
    %max3A_30 = vector.broadcast %max3A : f32 to vector<64x9216xf32>
    %max3A_31 = arith.maximumf %add3A_29, %max3A_30 : vector<64x9216xf32>
    %get3A_32 = arith.constant 0 : index
    %get3A_33 = arith.constant 0 : index
    %get3A_34 = vector.load %arg7[%get3A_32, %get3A_33] : memref<64x128xf32, #tpu.memory_space<vmem>>, vector<64x128xf32>
    %get3A_35 = arith.constant 0 : index
    %get3A_36 = arith.constant 0 : index
    %get3A_37 = vector.load %arg6[%get3A_35, %get3A_36] : memref<128x9216xf32, #tpu.memory_space<vmem>>, vector<128x9216xf32>
    %dot_general3A = arith.constant dense<0.000000e+00> : vector<64x9216xf32>
    %dot_general3A_38 = tpu.matmul %get3A_34, %get3A_37, %dot_general3A {dimension_numbers = #tpu.dot_dimension_numbers<[1], [0], [0], [1], [0, 0, 1, 1], [], []>, transpose_lhs_hint = false} : vector<64x128xf32>, vector<128x9216xf32>, vector<64x9216xf32> -> vector<64x9216xf32>
    %get3A_39 = arith.constant 0 : index
    %get3A_40 = arith.constant 0 : index
    %get3A_41 = vector.load %arg8[%get3A_39, %get3A_40] : memref<64x1xf32, #tpu.memory_space<vmem>>, vector<64x1xf32>
    %add3A_42 = vector.broadcast %get3A_41 : vector<64x1xf32> to vector<64x9216xf32>
    %add3A_43 = arith.addf %dot_general3A_38, %add3A_42 : vector<64x9216xf32>
    %add3A_44 = arith.addf %max3A_31, %add3A_43 : vector<64x9216xf32>
    %max3A_45 = arith.constant 0.000000e+00 : f32
    %max3A_46 = vector.broadcast %max3A_45 : f32 to vector<64x9216xf32>
    %max3A_47 = arith.maximumf %add3A_44, %max3A_46 : vector<64x9216xf32>
    %swap3A = arith.constant 0 : index
    %swap3A_48 = arith.constant 0 : index
    %swap3A_49 = vector.load %arg11[%swap3A, %swap3A_48] : memref<64x9216xf32, #tpu.memory_space<vmem>>, vector<64x9216xf32>
    tpu.vector_store %arg11[%swap3A, %swap3A_48], %max3A_47 {strides = array<i32>} : memref<64x9216xf32, #tpu.memory_space<vmem>>, vector<64x9216xf32>,
    %get3A_50 = arith.constant 0 : index
    %get3A_51 = arith.constant 0 : index
    %get3A_52 = vector.load %arg9[%get3A_50, %get3A_51] : memref<32x192xf32, #tpu.memory_space<vmem>>, vector<32x192xf32>
    %broadcast_in_dim3A = arith.constant 0.000000e+00 : f32
    %broadcast_in_dim3A_53 = vector.broadcast %broadcast_in_dim3A : f32 to vector<64x8xf32>
    %slice3A = vector.extract_strided_slice %max3A_47 {offsets = [0, 0], sizes = [64, 9208], strides = [1, 1]} : vector<64x9216xf32> to vector<64x9208xf32>
    %concatenate3A = tpu.concatenate %broadcast_in_dim3A_53, %slice3A in 1 : vector<64x8xf32>, vector<64x9208xf32> -> vector<64x9216xf32>
    %iota3A = tpu.iota {dimensions = array<i32: 1>} : vector<1x9216xi32>
    %jit3A = arith.constant 128 : i32
    %eq3A = arith.constant 0 : i32
    %eq3A_54 = arith.cmpi eq, %jit3A, %eq3A : i32
    %jit3A_55 = arith.constant 1 : i32
    %select_n3A = arith.select %eq3A_54, %jit3A_55, %jit3A : i32
    %rem3A = vector.broadcast %select_n3A : i32 to vector<1x9216xi32>
    %rem3A_56 = arith.remsi %iota3A, %rem3A : vector<1x9216xi32>
    %ne3A = arith.constant 0 : i32
    %ne3A_57 = vector.broadcast %ne3A : i32 to vector<1x9216xi32>
    %ne3A_58 = arith.cmpi ne, %rem3A_56, %ne3A_57 : vector<1x9216xi32>
    %lt3A = arith.constant 0 : i32
    %lt3A_59 = vector.broadcast %lt3A : i32 to vector<1x9216xi32>
    %lt3A_60 = arith.cmpi slt, %rem3A_56, %lt3A_59 : vector<1x9216xi32>
    %lt3A_61 = arith.constant 0 : i32
    %lt3A_62 = arith.cmpi slt, %select_n3A, %lt3A_61 : i32
    %ne3A_63 = vector.broadcast %lt3A_62 : i1 to vector<1x9216xi1>
    %ne3A_64 = vector.broadcast %ne3A_63 : vector<1x9216xi1> to vector<1x9216xi1>
    %ne3A_65 = arith.xori %lt3A_60, %ne3A_64 : vector<1x9216xi1>
    %and3A = arith.andi %ne3A_65, %ne3A_58 : vector<1x9216xi1>
    %add3A_66 = vector.broadcast %select_n3A : i32 to vector<1x9216xi32>
    %add3A_67 = arith.addi %rem3A_56, %add3A_66 : vector<1x9216xi32>
    %select_n3A_68 = arith.select %and3A, %add3A_67, %rem3A_56 : vector<1x9216xi1>, vector<1x9216xi32>
    %ge3A = arith.constant 8 : i32
    %ge3A_69 = vector.broadcast %ge3A : i32 to vector<1x9216xi32>
    %ge3A_70 = arith.cmpi sge, %select_n3A_68, %ge3A_69 : vector<1x9216xi32>
    %convert_element_type3A = arith.extui %ge3A_70 : vector<1x9216xi1> to vector<1x9216xi32>
    %convert_element_type3A_71 = arith.sitofp %convert_element_type3A : vector<1x9216xi32> to vector<1x9216xf32>
    %mul3A_72 = vector.broadcast %convert_element_type3A_71 : vector<1x9216xf32> to vector<64x9216xf32>
    %mul3A_73 = arith.mulf %concatenate3A, %mul3A_72 : vector<64x9216xf32>
    %broadcast_in_dim3A_74 = arith.constant 0.000000e+00 : f32
    %broadcast_in_dim3A_75 = vector.broadcast %broadcast_in_dim3A_74 : f32 to vector<64x4xf32>
    %slice3A_76 = vector.extract_strided_slice %max3A_47 {offsets = [0, 0], sizes = [64, 9212], strides = [1, 1]} : vector<64x9216xf32> to vector<64x9212xf32>
    %concatenate3A_77 = tpu.concatenate %broadcast_in_dim3A_75, %slice3A_76 in 1 : vector<64x4xf32>, vector<64x9212xf32> -> vector<64x9216xf32>
    %iota3A_78 = tpu.iota {dimensions = array<i32: 1>} : vector<1x9216xi32>
    %jit3A_79 = arith.constant 128 : i32
    %eq3A_80 = arith.constant 0 : i32
    %eq3A_81 = arith.cmpi eq, %jit3A_79, %eq3A_80 : i32
    %jit3A_82 = arith.constant 1 : i32
    %select_n3A_83 = arith.select %eq3A_81, %jit3A_82, %jit3A_79 : i32
    %rem3A_84 = vector.broadcast %select_n3A_83 : i32 to vector<1x9216xi32>
    %rem3A_85 = arith.remsi %iota3A_78, %rem3A_84 : vector<1x9216xi32>
    %ne3A_86 = arith.constant 0 : i32
    %ne3A_87 = vector.broadcast %ne3A_86 : i32 to vector<1x9216xi32>
    %ne3A_88 = arith.cmpi ne, %rem3A_85, %ne3A_87 : vector<1x9216xi32>
    %lt3A_89 = arith.constant 0 : i32
    %lt3A_90 = vector.broadcast %lt3A_89 : i32 to vector<1x9216xi32>
    %lt3A_91 = arith.cmpi slt, %rem3A_85, %lt3A_90 : vector<1x9216xi32>
    %lt3A_92 = arith.constant 0 : i32
    %lt3A_93 = arith.cmpi slt, %select_n3A_83, %lt3A_92 : i32
    %ne3A_94 = vector.broadcast %lt3A_93 : i1 to vector<1x9216xi1>
    %ne3A_95 = vector.broadcast %ne3A_94 : vector<1x9216xi1> to vector<1x9216xi1>
    %ne3A_96 = arith.xori %lt3A_91, %ne3A_95 : vector<1x9216xi1>
    %and3A_97 = arith.andi %ne3A_96, %ne3A_88 : vector<1x9216xi1>
    %add3A_98 = vector.broadcast %select_n3A_83 : i32 to vector<1x9216xi32>
    %add3A_99 = arith.addi %rem3A_85, %add3A_98 : vector<1x9216xi32>
    %select_n3A_100 = arith.select %and3A_97, %add3A_99, %rem3A_85 : vector<1x9216xi1>, vector<1x9216xi32>
    %ge3A_101 = arith.constant 4 : i32
    %ge3A_102 = vector.broadcast %ge3A_101 : i32 to vector<1x9216xi32>
    %ge3A_103 = arith.cmpi sge, %select_n3A_100, %ge3A_102 : vector<1x9216xi32>
    %convert_element_type3A_104 = arith.extui %ge3A_103 : vector<1x9216xi1> to vector<1x9216xi32>
    %convert_element_type3A_105 = arith.sitofp %convert_element_type3A_104 : vector<1x9216xi32> to vector<1x9216xf32>
    %mul3A_106 = vector.broadcast %convert_element_type3A_105 : vector<1x9216xf32> to vector<64x9216xf32>
    %mul3A_107 = arith.mulf %concatenate3A_77, %mul3A_106 : vector<64x9216xf32>
    %concatenate3A_108 = tpu.concatenate %mul3A_73, %mul3A_107, %max3A_47 in 0 : vector<64x9216xf32>, vector<64x9216xf32>, vector<64x9216xf32> -> vector<192x9216xf32>
    %dot_general3A_109 = arith.constant dense<0.000000e+00> : vector<32x9216xf32>
    %dot_general3A_110 = tpu.matmul %get3A_52, %concatenate3A_108, %dot_general3A_109 {dimension_numbers = #tpu.dot_dimension_numbers<[1], [0], [0], [1], [0, 0, 1, 1], [], []>, transpose_lhs_hint = false} : vector<32x192xf32>, vector<192x9216xf32>, vector<32x9216xf32> -> vector<32x9216xf32>
    %get3A_111 = arith.constant 0 : index
    %get3A_112 = arith.constant 0 : index
    %get3A_113 = vector.load %arg10[%get3A_111, %get3A_112] : memref<32x1xf32, #tpu.memory_space<vmem>>, vector<32x1xf32>
    %add3A_114 = vector.broadcast %get3A_113 : vector<32x1xf32> to vector<32x9216xf32>
    %add3A_115 = arith.addf %dot_general3A_110, %add3A_114 : vector<32x9216xf32>
    %swap3A_116 = arith.constant 0 : index
    %swap3A_117 = arith.constant 0 : index
    %swap3A_118 = vector.load %arg12[%swap3A_116, %swap3A_117] : memref<32x9216xf32, #tpu.memory_space<vmem>>, vector<32x9216xf32>
    tpu.vector_store %arg12[%swap3A_116, %swap3A_117], %add3A_115 {strides = array<i32>} : memref<32x9216xf32, #tpu.memory_space<vmem>>, vector<32x9216xf32>,
    %eq3A_119 = arith.constant 0 : i32
    %eq3A_120 = arith.cmpi eq, %arg0, %eq3A_119 : i32
    %convert_element_type3A_121 = arith.extui %eq3A_120 : i1 to i32
    %cond3A = arith.constant 0 : i32
    %cond3A_122 = arith.cmpi ne, %convert_element_type3A_121, %cond3A : i32
    scf.if %cond3A_122 {
      %broadcast_in_dim3A_143 = arith.constant 0.000000e+00 : f32
      %broadcast_in_dim3A_144 = vector.broadcast %broadcast_in_dim3A_143 : f32 to vector<32x1xf32>
      %swap3A_145 = arith.constant 0 : index
      %swap3A_146 = arith.constant 0 : index
      %swap3A_147 = vector.load %arg13[%swap3A_145, %swap3A_146] : memref<32x1xf32, #tpu.memory_space<vmem>>, vector<32x1xf32>
      tpu.vector_store %arg13[%swap3A_145, %swap3A_146], %broadcast_in_dim3A_144 {strides = array<i32>} : memref<32x1xf32, #tpu.memory_space<vmem>>, vector<32x1xf32>,
      %broadcast_in_dim3A_148 = arith.constant 0.000000e+00 : f32
      %broadcast_in_dim3A_149 = vector.broadcast %broadcast_in_dim3A_148 : f32 to vector<32x1xf32>
      %swap3A_150 = arith.constant 0 : index
      %swap3A_151 = arith.constant 0 : index
      %swap3A_152 = vector.load %arg14[%swap3A_150, %swap3A_151] : memref<32x1xf32, #tpu.memory_space<vmem>>, vector<32x1xf32>
      tpu.vector_store %arg14[%swap3A_150, %swap3A_151], %broadcast_in_dim3A_149 {strides = array<i32>} : memref<32x1xf32, #tpu.memory_space<vmem>>, vector<32x1xf32>,
    } else {
    }
    %get3A_123 = arith.constant 0 : index
    %get3A_124 = arith.constant 0 : index
    %get3A_125 = vector.load %arg13[%get3A_123, %get3A_124] : memref<32x1xf32, #tpu.memory_space<vmem>>, vector<32x1xf32>
    %reduce_sum3A = arith.constant dense<0.000000e+00> : vector<32xf32>
    %reduce_sum3A_126 = vector.multi_reduction <add>, %add3A_115, %reduce_sum3A [1] : vector<32x9216xf32> to vector<32xf32>
    %broadcast_in_dim3A_127 = vector.shape_cast %reduce_sum3A_126 : vector<32xf32> to vector<32x1xf32>
    %add3A_128 = arith.addf %get3A_125, %broadcast_in_dim3A_127 : vector<32x1xf32>
    %swap3A_129 = arith.constant 0 : index
    %swap3A_130 = arith.constant 0 : index
    %swap3A_131 = vector.load %arg13[%swap3A_129, %swap3A_130] : memref<32x1xf32, #tpu.memory_space<vmem>>, vector<32x1xf32>
    tpu.vector_store %arg13[%swap3A_129, %swap3A_130], %add3A_128 {strides = array<i32>} : memref<32x1xf32, #tpu.memory_space<vmem>>, vector<32x1xf32>,
    %get3A_132 = arith.constant 0 : index
    %get3A_133 = arith.constant 0 : index
    %get3A_134 = vector.load %arg14[%get3A_132, %get3A_133] : memref<32x1xf32, #tpu.memory_space<vmem>>, vector<32x1xf32>
    %mul3A_135 = arith.mulf %add3A_115, %add3A_115 : vector<32x9216xf32>
    %reduce_sum3A_136 = arith.constant dense<0.000000e+00> : vector<32xf32>
    %reduce_sum3A_137 = vector.multi_reduction <add>, %mul3A_135, %reduce_sum3A_136 [1] : vector<32x9216xf32> to vector<32xf32>
    %broadcast_in_dim3A_138 = vector.shape_cast %reduce_sum3A_137 : vector<32xf32> to vector<32x1xf32>
    %add3A_139 = arith.addf %get3A_134, %broadcast_in_dim3A_138 : vector<32x1xf32>
    %swap3A_140 = arith.constant 0 : index
    %swap3A_141 = arith.constant 0 : index
    %swap3A_142 = vector.load %arg14[%swap3A_140, %swap3A_141] : memref<32x1xf32, #tpu.memory_space<vmem>>, vector<32x1xf32>
    tpu.vector_store %arg14[%swap3A_140, %swap3A_141], %add3A_139 {strides = array<i32>} : memref<32x1xf32, #tpu.memory_space<vmem>>, vector<32x1xf32>,
    return
  }
  func.func @transform_0(%arg0: i32) -> (i32, i32) {
    %c0_i32 = arith.constant 0 : i32
    %c0_i32_0 = arith.constant 0 : i32
    return %c0_i32, %arg0 : i32, i32
  }
  func.func @transform_1(%arg0: i32) -> (i32, i32) {
    %c0_i32 = arith.constant 0 : i32
    %c0_i32_0 = arith.constant 0 : i32
    %c0_i32_1 = arith.constant 0 : i32
    return %c0_i32, %c0_i32_0 : i32, i32
  }
  func.func @transform_2(%arg0: i32) -> (i32, i32) {
    %c0_i32 = arith.constant 0 : i32
    %c0_i32_0 = arith.constant 0 : i32
    %c0_i32_1 = arith.constant 0 : i32
    return %c0_i32, %c0_i32_0 : i32, i32
  }
  func.func @transform_3(%arg0: i32) -> (i32, i32) {
    %c0_i32 = arith.constant 0 : i32
    %c0_i32_0 = arith.constant 0 : i32
    %c0_i32_1 = arith.constant 0 : i32
    return %c0_i32, %c0_i32_0 : i32, i32
  }
  func.func @transform_4(%arg0: i32) -> (i32, i32) {
    %c0_i32 = arith.constant 0 : i32
    %c0_i32_0 = arith.constant 0 : i32
    %c0_i32_1 = arith.constant 0 : i32
    return %c0_i32, %c0_i32_0 : i32, i32
  }
  func.func @transform_5(%arg0: i32) -> (i32, i32) {
    %c0_i32 = arith.constant 0 : i32
    %c0_i32_0 = arith.constant 0 : i32
    return %c0_i32, %arg0 : i32, i32
  }
  func.func @transform_6(%arg0: i32) -> (i32, i32) {
    %c0_i32 = arith.constant 0 : i32
    %c0_i32_0 = arith.constant 0 : i32
    %c0_i32_1 = arith.constant 0 : i32
    return %c0_i32, %c0_i32_0 : i32, i32
  }
  func.func @transform_7(%arg0: i32) -> (i32, i32) {
    %c0_i32 = arith.constant 0 : i32
    %c0_i32_0 = arith.constant 0 : i32
    %c0_i32_1 = arith.constant 0 : i32
    return %c0_i32, %c0_i32_0 : i32, i32
  }
  func.func @transform_8(%arg0: i32) -> (i32, i32) {
    %c0_i32 = arith.constant 0 : i32
    %c0_i32_0 = arith.constant 0 : i32
    %c0_i32_1 = arith.constant 0 : i32
    return %c0_i32, %c0_i32_0 : i32, i32
  }
  func.func @transform_9(%arg0: i32) -> (i32, i32) {
    %c0_i32 = arith.constant 0 : i32
    %c0_i32_0 = arith.constant 0 : i32
    %c0_i32_1 = arith.constant 0 : i32
    return %c0_i32, %c0_i32_0 : i32, i32
  }
  func.func @transform_10(%arg0: i32) -> (i32, i32) {
    %c0_i32 = arith.constant 0 : i32
    %c0_i32_0 = arith.constant 0 : i32
    return %c0_i32, %arg0 : i32, i32
  }
  func.func @transform_11(%arg0: i32) -> (i32, i32) {
    %c0_i32 = arith.constant 0 : i32
    %c0_i32_0 = arith.constant 0 : i32
    return %c0_i32, %arg0 : i32, i32
  }
  func.func @transform_12(%arg0: i32) -> (i32, i32) {
    %c0_i32 = arith.constant 0 : i32
    %c0_i32_0 = arith.constant 0 : i32
    %c0_i32_1 = arith.constant 0 : i32
    return %c0_i32, %c0_i32_0 : i32, i32
  }
  func.func @transform_13(%arg0: i32) -> (i32, i32) {
    %c0_i32 = arith.constant 0 : i32
    %c0_i32_0 = arith.constant 0 : i32
    %c0_i32_1 = arith.constant 0 : i32
    return %c0_i32, %c0_i32_0 : i32, i32
  }
}

module attributes {stable_mosaic.version = 14 : i64} {
  func.func @_body(%arg0: i32, %arg1: memref<32x9216xf32, #tpu.memory_space<vmem>>, %arg2: memref<32x1xf32, #tpu.memory_space<vmem>>, %arg3: memref<32x1xf32, #tpu.memory_space<vmem>>, %arg4: memref<32x1xf32, #tpu.memory_space<vmem>>, %arg5: memref<32x1xf32, #tpu.memory_space<vmem>>, %arg6: memref<32x96xf32, #tpu.memory_space<vmem>>, %arg7: memref<32x1xf32, #tpu.memory_space<vmem>>, %arg8: memref<32x9216xf32, #tpu.memory_space<vmem>>, %arg9: memref<32x1xf32, #tpu.memory_space<vmem>>, %arg10: memref<32x1xf32, #tpu.memory_space<vmem>>) attributes {dimension_semantics = [#tpu.dimension_semantics<arbitrary>], iteration_bounds = array<i64: 5>, scalar_prefetch = 0 : i64, scratch_operands = 0 : i64, tpu.core_type = #tpu.core_type<tc>, window_params = [{transform_indices = @transform_0, window_bounds = array<i64: 32, 9216>}, {pipeline_mode = #tpu.pipeline_mode<synchronous>, transform_indices = @transform_1, window_bounds = array<i64: 32, 1>}, {pipeline_mode = #tpu.pipeline_mode<synchronous>, transform_indices = @transform_2, window_bounds = array<i64: 32, 1>}, {pipeline_mode = #tpu.pipeline_mode<synchronous>, transform_indices = @transform_3, window_bounds = array<i64: 32, 1>}, {pipeline_mode = #tpu.pipeline_mode<synchronous>, transform_indices = @transform_4, window_bounds = array<i64: 32, 1>}, {pipeline_mode = #tpu.pipeline_mode<synchronous>, transform_indices = @transform_5, window_bounds = array<i64: 32, 96>}, {pipeline_mode = #tpu.pipeline_mode<synchronous>, transform_indices = @transform_6, window_bounds = array<i64: 32, 1>}, {transform_indices = @transform_7, window_bounds = array<i64: 32, 9216>}, {pipeline_mode = #tpu.pipeline_mode<synchronous>, transform_indices = @transform_8, window_bounds = array<i64: 32, 1>}, {pipeline_mode = #tpu.pipeline_mode<synchronous>, transform_indices = @transform_9, window_bounds = array<i64: 32, 1>}]} {
    %get3A = arith.constant 0 : index
    %get3A_0 = arith.constant 0 : index
    %get3A_1 = vector.load %arg1[%get3A, %get3A_0] : memref<32x9216xf32, #tpu.memory_space<vmem>>, vector<32x9216xf32>
    %get3A_2 = arith.constant 0 : index
    %get3A_3 = arith.constant 0 : index
    %get3A_4 = vector.load %arg2[%get3A_2, %get3A_3] : memref<32x1xf32, #tpu.memory_space<vmem>>, vector<32x1xf32>
    %get3A_5 = arith.constant 0 : index
    %get3A_6 = arith.constant 0 : index
    %get3A_7 = vector.load %arg3[%get3A_5, %get3A_6] : memref<32x1xf32, #tpu.memory_space<vmem>>, vector<32x1xf32>
    %get3A_8 = arith.constant 0 : index
    %get3A_9 = arith.constant 0 : index
    %get3A_10 = vector.load %arg4[%get3A_8, %get3A_9] : memref<32x1xf32, #tpu.memory_space<vmem>>, vector<32x1xf32>
    %get3A_11 = arith.constant 0 : index
    %get3A_12 = arith.constant 0 : index
    %get3A_13 = vector.load %arg5[%get3A_11, %get3A_12] : memref<32x1xf32, #tpu.memory_space<vmem>>, vector<32x1xf32>
    %mul3A = arith.constant 2.17013894E-5 : f32
    %mul3A_14 = vector.broadcast %mul3A : f32 to vector<32x1xf32>
    %mul3A_15 = arith.mulf %get3A_4, %mul3A_14 : vector<32x1xf32>
    %mul3A_16 = arith.constant 2.17013894E-5 : f32
    %mul3A_17 = vector.broadcast %mul3A_16 : f32 to vector<32x1xf32>
    %mul3A_18 = arith.mulf %get3A_7, %mul3A_17 : vector<32x1xf32>
    %mul3A_19 = arith.mulf %mul3A_15, %mul3A_15 : vector<32x1xf32>
    %sub3A = arith.subf %mul3A_18, %mul3A_19 : vector<32x1xf32>
    %sub3A_20 = vector.broadcast %mul3A_15 : vector<32x1xf32> to vector<32x9216xf32>
    %sub3A_21 = arith.subf %get3A_1, %sub3A_20 : vector<32x9216xf32>
    %mul3A_22 = vector.broadcast %get3A_10 : vector<32x1xf32> to vector<32x9216xf32>
    %mul3A_23 = arith.mulf %mul3A_22, %sub3A_21 : vector<32x9216xf32>
    %add3A = arith.constant 9.99999974E-6 : f32
    %add3A_24 = vector.broadcast %add3A : f32 to vector<32x1xf32>
    %add3A_25 = arith.addf %sub3A, %add3A_24 : vector<32x1xf32>
    %rsqrt3A = math.rsqrt %add3A_25 : vector<32x1xf32>
    %mul3A_26 = vector.broadcast %rsqrt3A : vector<32x1xf32> to vector<32x9216xf32>
    %mul3A_27 = arith.mulf %mul3A_23, %mul3A_26 : vector<32x9216xf32>
    %add3A_28 = vector.broadcast %get3A_13 : vector<32x1xf32> to vector<32x9216xf32>
    %add3A_29 = arith.addf %mul3A_27, %add3A_28 : vector<32x9216xf32>
    %max3A = arith.constant 0.000000e+00 : f32
    %max3A_30 = vector.broadcast %max3A : f32 to vector<32x9216xf32>
    %max3A_31 = arith.maximumf %add3A_29, %max3A_30 : vector<32x9216xf32>
    %get3A_32 = arith.constant 0 : index
    %get3A_33 = arith.constant 0 : index
    %get3A_34 = vector.load %arg6[%get3A_32, %get3A_33] : memref<32x96xf32, #tpu.memory_space<vmem>>, vector<32x96xf32>
    %broadcast_in_dim3A = arith.constant 0.000000e+00 : f32
    %broadcast_in_dim3A_35 = vector.broadcast %broadcast_in_dim3A : f32 to vector<32x8xf32>
    %slice3A = vector.extract_strided_slice %max3A_31 {offsets = [0, 0], sizes = [32, 9208], strides = [1, 1]} : vector<32x9216xf32> to vector<32x9208xf32>
    %concatenate3A = tpu.concatenate %broadcast_in_dim3A_35, %slice3A in 1 : vector<32x8xf32>, vector<32x9208xf32> -> vector<32x9216xf32>
    %iota3A = tpu.iota {dimensions = array<i32: 1>} : vector<1x9216xi32>
    %jit3A = arith.constant 128 : i32
    %eq3A = arith.constant 0 : i32
    %eq3A_36 = arith.cmpi eq, %jit3A, %eq3A : i32
    %jit3A_37 = arith.constant 1 : i32
    %select_n3A = arith.select %eq3A_36, %jit3A_37, %jit3A : i32
    %rem3A = vector.broadcast %select_n3A : i32 to vector<1x9216xi32>
    %rem3A_38 = arith.remsi %iota3A, %rem3A : vector<1x9216xi32>
    %ne3A = arith.constant 0 : i32
    %ne3A_39 = vector.broadcast %ne3A : i32 to vector<1x9216xi32>
    %ne3A_40 = arith.cmpi ne, %rem3A_38, %ne3A_39 : vector<1x9216xi32>
    %lt3A = arith.constant 0 : i32
    %lt3A_41 = vector.broadcast %lt3A : i32 to vector<1x9216xi32>
    %lt3A_42 = arith.cmpi slt, %rem3A_38, %lt3A_41 : vector<1x9216xi32>
    %lt3A_43 = arith.constant 0 : i32
    %lt3A_44 = arith.cmpi slt, %select_n3A, %lt3A_43 : i32
    %ne3A_45 = vector.broadcast %lt3A_44 : i1 to vector<1x9216xi1>
    %ne3A_46 = vector.broadcast %ne3A_45 : vector<1x9216xi1> to vector<1x9216xi1>
    %ne3A_47 = arith.xori %lt3A_42, %ne3A_46 : vector<1x9216xi1>
    %and3A = arith.andi %ne3A_47, %ne3A_40 : vector<1x9216xi1>
    %add3A_48 = vector.broadcast %select_n3A : i32 to vector<1x9216xi32>
    %add3A_49 = arith.addi %rem3A_38, %add3A_48 : vector<1x9216xi32>
    %select_n3A_50 = arith.select %and3A, %add3A_49, %rem3A_38 : vector<1x9216xi1>, vector<1x9216xi32>
    %ge3A = arith.constant 8 : i32
    %ge3A_51 = vector.broadcast %ge3A : i32 to vector<1x9216xi32>
    %ge3A_52 = arith.cmpi sge, %select_n3A_50, %ge3A_51 : vector<1x9216xi32>
    %convert_element_type3A = arith.extui %ge3A_52 : vector<1x9216xi1> to vector<1x9216xi32>
    %convert_element_type3A_53 = arith.sitofp %convert_element_type3A : vector<1x9216xi32> to vector<1x9216xf32>
    %mul3A_54 = vector.broadcast %convert_element_type3A_53 : vector<1x9216xf32> to vector<32x9216xf32>
    %mul3A_55 = arith.mulf %concatenate3A, %mul3A_54 : vector<32x9216xf32>
    %broadcast_in_dim3A_56 = arith.constant 0.000000e+00 : f32
    %broadcast_in_dim3A_57 = vector.broadcast %broadcast_in_dim3A_56 : f32 to vector<32x4xf32>
    %slice3A_58 = vector.extract_strided_slice %max3A_31 {offsets = [0, 0], sizes = [32, 9212], strides = [1, 1]} : vector<32x9216xf32> to vector<32x9212xf32>
    %concatenate3A_59 = tpu.concatenate %broadcast_in_dim3A_57, %slice3A_58 in 1 : vector<32x4xf32>, vector<32x9212xf32> -> vector<32x9216xf32>
    %iota3A_60 = tpu.iota {dimensions = array<i32: 1>} : vector<1x9216xi32>
    %jit3A_61 = arith.constant 128 : i32
    %eq3A_62 = arith.constant 0 : i32
    %eq3A_63 = arith.cmpi eq, %jit3A_61, %eq3A_62 : i32
    %jit3A_64 = arith.constant 1 : i32
    %select_n3A_65 = arith.select %eq3A_63, %jit3A_64, %jit3A_61 : i32
    %rem3A_66 = vector.broadcast %select_n3A_65 : i32 to vector<1x9216xi32>
    %rem3A_67 = arith.remsi %iota3A_60, %rem3A_66 : vector<1x9216xi32>
    %ne3A_68 = arith.constant 0 : i32
    %ne3A_69 = vector.broadcast %ne3A_68 : i32 to vector<1x9216xi32>
    %ne3A_70 = arith.cmpi ne, %rem3A_67, %ne3A_69 : vector<1x9216xi32>
    %lt3A_71 = arith.constant 0 : i32
    %lt3A_72 = vector.broadcast %lt3A_71 : i32 to vector<1x9216xi32>
    %lt3A_73 = arith.cmpi slt, %rem3A_67, %lt3A_72 : vector<1x9216xi32>
    %lt3A_74 = arith.constant 0 : i32
    %lt3A_75 = arith.cmpi slt, %select_n3A_65, %lt3A_74 : i32
    %ne3A_76 = vector.broadcast %lt3A_75 : i1 to vector<1x9216xi1>
    %ne3A_77 = vector.broadcast %ne3A_76 : vector<1x9216xi1> to vector<1x9216xi1>
    %ne3A_78 = arith.xori %lt3A_73, %ne3A_77 : vector<1x9216xi1>
    %and3A_79 = arith.andi %ne3A_78, %ne3A_70 : vector<1x9216xi1>
    %add3A_80 = vector.broadcast %select_n3A_65 : i32 to vector<1x9216xi32>
    %add3A_81 = arith.addi %rem3A_67, %add3A_80 : vector<1x9216xi32>
    %select_n3A_82 = arith.select %and3A_79, %add3A_81, %rem3A_67 : vector<1x9216xi1>, vector<1x9216xi32>
    %ge3A_83 = arith.constant 4 : i32
    %ge3A_84 = vector.broadcast %ge3A_83 : i32 to vector<1x9216xi32>
    %ge3A_85 = arith.cmpi sge, %select_n3A_82, %ge3A_84 : vector<1x9216xi32>
    %convert_element_type3A_86 = arith.extui %ge3A_85 : vector<1x9216xi1> to vector<1x9216xi32>
    %convert_element_type3A_87 = arith.sitofp %convert_element_type3A_86 : vector<1x9216xi32> to vector<1x9216xf32>
    %mul3A_88 = vector.broadcast %convert_element_type3A_87 : vector<1x9216xf32> to vector<32x9216xf32>
    %mul3A_89 = arith.mulf %concatenate3A_59, %mul3A_88 : vector<32x9216xf32>
    %concatenate3A_90 = tpu.concatenate %mul3A_55, %mul3A_89, %max3A_31 in 0 : vector<32x9216xf32>, vector<32x9216xf32>, vector<32x9216xf32> -> vector<96x9216xf32>
    %dot_general3A = arith.constant dense<0.000000e+00> : vector<32x9216xf32>
    %dot_general3A_91 = tpu.matmul %get3A_34, %concatenate3A_90, %dot_general3A {dimension_numbers = #tpu.dot_dimension_numbers<[1], [0], [0], [1], [0, 0, 1, 1], [], []>, transpose_lhs_hint = false} : vector<32x96xf32>, vector<96x9216xf32>, vector<32x9216xf32> -> vector<32x9216xf32>
    %get3A_92 = arith.constant 0 : index
    %get3A_93 = arith.constant 0 : index
    %get3A_94 = vector.load %arg7[%get3A_92, %get3A_93] : memref<32x1xf32, #tpu.memory_space<vmem>>, vector<32x1xf32>
    %add3A_95 = vector.broadcast %get3A_94 : vector<32x1xf32> to vector<32x9216xf32>
    %add3A_96 = arith.addf %dot_general3A_91, %add3A_95 : vector<32x9216xf32>
    %swap3A = arith.constant 0 : index
    %swap3A_97 = arith.constant 0 : index
    %swap3A_98 = vector.load %arg8[%swap3A, %swap3A_97] : memref<32x9216xf32, #tpu.memory_space<vmem>>, vector<32x9216xf32>
    tpu.vector_store %arg8[%swap3A, %swap3A_97], %add3A_96 {strides = array<i32>} : memref<32x9216xf32, #tpu.memory_space<vmem>>, vector<32x9216xf32>,
    %eq3A_99 = arith.constant 0 : i32
    %eq3A_100 = arith.cmpi eq, %arg0, %eq3A_99 : i32
    %convert_element_type3A_101 = arith.extui %eq3A_100 : i1 to i32
    %cond3A = arith.constant 0 : i32
    %cond3A_102 = arith.cmpi ne, %convert_element_type3A_101, %cond3A : i32
    scf.if %cond3A_102 {
      %broadcast_in_dim3A_123 = arith.constant 0.000000e+00 : f32
      %broadcast_in_dim3A_124 = vector.broadcast %broadcast_in_dim3A_123 : f32 to vector<32x1xf32>
      %swap3A_125 = arith.constant 0 : index
      %swap3A_126 = arith.constant 0 : index
      %swap3A_127 = vector.load %arg9[%swap3A_125, %swap3A_126] : memref<32x1xf32, #tpu.memory_space<vmem>>, vector<32x1xf32>
      tpu.vector_store %arg9[%swap3A_125, %swap3A_126], %broadcast_in_dim3A_124 {strides = array<i32>} : memref<32x1xf32, #tpu.memory_space<vmem>>, vector<32x1xf32>,
      %broadcast_in_dim3A_128 = arith.constant 0.000000e+00 : f32
      %broadcast_in_dim3A_129 = vector.broadcast %broadcast_in_dim3A_128 : f32 to vector<32x1xf32>
      %swap3A_130 = arith.constant 0 : index
      %swap3A_131 = arith.constant 0 : index
      %swap3A_132 = vector.load %arg10[%swap3A_130, %swap3A_131] : memref<32x1xf32, #tpu.memory_space<vmem>>, vector<32x1xf32>
      tpu.vector_store %arg10[%swap3A_130, %swap3A_131], %broadcast_in_dim3A_129 {strides = array<i32>} : memref<32x1xf32, #tpu.memory_space<vmem>>, vector<32x1xf32>,
    } else {
    }
    %get3A_103 = arith.constant 0 : index
    %get3A_104 = arith.constant 0 : index
    %get3A_105 = vector.load %arg9[%get3A_103, %get3A_104] : memref<32x1xf32, #tpu.memory_space<vmem>>, vector<32x1xf32>
    %reduce_sum3A = arith.constant dense<0.000000e+00> : vector<32xf32>
    %reduce_sum3A_106 = vector.multi_reduction <add>, %add3A_96, %reduce_sum3A [1] : vector<32x9216xf32> to vector<32xf32>
    %broadcast_in_dim3A_107 = vector.shape_cast %reduce_sum3A_106 : vector<32xf32> to vector<32x1xf32>
    %add3A_108 = arith.addf %get3A_105, %broadcast_in_dim3A_107 : vector<32x1xf32>
    %swap3A_109 = arith.constant 0 : index
    %swap3A_110 = arith.constant 0 : index
    %swap3A_111 = vector.load %arg9[%swap3A_109, %swap3A_110] : memref<32x1xf32, #tpu.memory_space<vmem>>, vector<32x1xf32>
    tpu.vector_store %arg9[%swap3A_109, %swap3A_110], %add3A_108 {strides = array<i32>} : memref<32x1xf32, #tpu.memory_space<vmem>>, vector<32x1xf32>,
    %get3A_112 = arith.constant 0 : index
    %get3A_113 = arith.constant 0 : index
    %get3A_114 = vector.load %arg10[%get3A_112, %get3A_113] : memref<32x1xf32, #tpu.memory_space<vmem>>, vector<32x1xf32>
    %mul3A_115 = arith.mulf %add3A_96, %add3A_96 : vector<32x9216xf32>
    %reduce_sum3A_116 = arith.constant dense<0.000000e+00> : vector<32xf32>
    %reduce_sum3A_117 = vector.multi_reduction <add>, %mul3A_115, %reduce_sum3A_116 [1] : vector<32x9216xf32> to vector<32xf32>
    %broadcast_in_dim3A_118 = vector.shape_cast %reduce_sum3A_117 : vector<32xf32> to vector<32x1xf32>
    %add3A_119 = arith.addf %get3A_114, %broadcast_in_dim3A_118 : vector<32x1xf32>
    %swap3A_120 = arith.constant 0 : index
    %swap3A_121 = arith.constant 0 : index
    %swap3A_122 = vector.load %arg10[%swap3A_120, %swap3A_121] : memref<32x1xf32, #tpu.memory_space<vmem>>, vector<32x1xf32>
    tpu.vector_store %arg10[%swap3A_120, %swap3A_121], %add3A_119 {strides = array<i32>} : memref<32x1xf32, #tpu.memory_space<vmem>>, vector<32x1xf32>,
    return
  }
  func.func @transform_0(%arg0: i32) -> (i32, i32) {
    %c0_i32 = arith.constant 0 : i32
    %c0_i32_0 = arith.constant 0 : i32
    return %c0_i32, %arg0 : i32, i32
  }
  func.func @transform_1(%arg0: i32) -> (i32, i32) {
    %c0_i32 = arith.constant 0 : i32
    %c0_i32_0 = arith.constant 0 : i32
    %c0_i32_1 = arith.constant 0 : i32
    return %c0_i32, %c0_i32_0 : i32, i32
  }
  func.func @transform_2(%arg0: i32) -> (i32, i32) {
    %c0_i32 = arith.constant 0 : i32
    %c0_i32_0 = arith.constant 0 : i32
    %c0_i32_1 = arith.constant 0 : i32
    return %c0_i32, %c0_i32_0 : i32, i32
  }
  func.func @transform_3(%arg0: i32) -> (i32, i32) {
    %c0_i32 = arith.constant 0 : i32
    %c0_i32_0 = arith.constant 0 : i32
    %c0_i32_1 = arith.constant 0 : i32
    return %c0_i32, %c0_i32_0 : i32, i32
  }
  func.func @transform_4(%arg0: i32) -> (i32, i32) {
    %c0_i32 = arith.constant 0 : i32
    %c0_i32_0 = arith.constant 0 : i32
    %c0_i32_1 = arith.constant 0 : i32
    return %c0_i32, %c0_i32_0 : i32, i32
  }
  func.func @transform_5(%arg0: i32) -> (i32, i32) {
    %c0_i32 = arith.constant 0 : i32
    %c0_i32_0 = arith.constant 0 : i32
    %c0_i32_1 = arith.constant 0 : i32
    return %c0_i32, %c0_i32_0 : i32, i32
  }
  func.func @transform_6(%arg0: i32) -> (i32, i32) {
    %c0_i32 = arith.constant 0 : i32
    %c0_i32_0 = arith.constant 0 : i32
    %c0_i32_1 = arith.constant 0 : i32
    return %c0_i32, %c0_i32_0 : i32, i32
  }
  func.func @transform_7(%arg0: i32) -> (i32, i32) {
    %c0_i32 = arith.constant 0 : i32
    %c0_i32_0 = arith.constant 0 : i32
    return %c0_i32, %arg0 : i32, i32
  }
  func.func @transform_8(%arg0: i32) -> (i32, i32) {
    %c0_i32 = arith.constant 0 : i32
    %c0_i32_0 = arith.constant 0 : i32
    %c0_i32_1 = arith.constant 0 : i32
    return %c0_i32, %c0_i32_0 : i32, i32
  }
  func.func @transform_9(%arg0: i32) -> (i32, i32) {
    %c0_i32 = arith.constant 0 : i32
    %c0_i32_0 = arith.constant 0 : i32
    %c0_i32_1 = arith.constant 0 : i32
    return %c0_i32, %c0_i32_0 : i32, i32
  }
}

module attributes {stable_mosaic.version = 14 : i64} {
  func.func @_tail_body(%arg0: i32, %arg1: memref<32x9216xf32, #tpu.memory_space<vmem>>, %arg2: memref<32x1xf32, #tpu.memory_space<vmem>>, %arg3: memref<32x1xf32, #tpu.memory_space<vmem>>, %arg4: memref<32x1xf32, #tpu.memory_space<vmem>>, %arg5: memref<32x1xf32, #tpu.memory_space<vmem>>, %arg6: memref<64x9216xf32, #tpu.memory_space<vmem>>, %arg7: memref<32x64xf32, #tpu.memory_space<vmem>>, %arg8: memref<32x1xf32, #tpu.memory_space<vmem>>, %arg9: memref<32x128xf32, #tpu.memory_space<vmem>>, %arg10: memref<1x128xf32, #tpu.memory_space<vmem>>, %arg11: memref<128x1xf32, #tpu.memory_space<vmem>>, %arg12: memref<1x1xf32, #tpu.memory_space<vmem>>, %arg13: memref<72x1xf32, #tpu.memory_space<vmem>>) attributes {dimension_semantics = [#tpu.dimension_semantics<arbitrary>], iteration_bounds = array<i64: 5>, scalar_prefetch = 0 : i64, scratch_operands = 0 : i64, tpu.core_type = #tpu.core_type<tc>, window_params = [{transform_indices = @transform_0, window_bounds = array<i64: 32, 9216>}, {pipeline_mode = #tpu.pipeline_mode<synchronous>, transform_indices = @transform_1, window_bounds = array<i64: 32, 1>}, {pipeline_mode = #tpu.pipeline_mode<synchronous>, transform_indices = @transform_2, window_bounds = array<i64: 32, 1>}, {pipeline_mode = #tpu.pipeline_mode<synchronous>, transform_indices = @transform_3, window_bounds = array<i64: 32, 1>}, {pipeline_mode = #tpu.pipeline_mode<synchronous>, transform_indices = @transform_4, window_bounds = array<i64: 32, 1>}, {transform_indices = @transform_5, window_bounds = array<i64: 64, 9216>}, {pipeline_mode = #tpu.pipeline_mode<synchronous>, transform_indices = @transform_6, window_bounds = array<i64: 32, 64>}, {pipeline_mode = #tpu.pipeline_mode<synchronous>, transform_indices = @transform_7, window_bounds = array<i64: 32, 1>}, {pipeline_mode = #tpu.pipeline_mode<synchronous>, transform_indices = @transform_8, window_bounds = array<i64: 32, 128>}, {pipeline_mode = #tpu.pipeline_mode<synchronous>, transform_indices = @transform_9, window_bounds = array<i64: 1, 128>}, {pipeline_mode = #tpu.pipeline_mode<synchronous>, transform_indices = @transform_10, window_bounds = array<i64: 128, 1>}, {pipeline_mode = #tpu.pipeline_mode<synchronous>, transform_indices = @transform_11, window_bounds = array<i64: 1, 1>}, {transform_indices = @transform_12, window_bounds = array<i64: 72, 1>}]} {
    %get3A = arith.constant 0 : index
    %get3A_0 = arith.constant 0 : index
    %get3A_1 = vector.load %arg1[%get3A, %get3A_0] : memref<32x9216xf32, #tpu.memory_space<vmem>>, vector<32x9216xf32>
    %get3A_2 = arith.constant 0 : index
    %get3A_3 = arith.constant 0 : index
    %get3A_4 = vector.load %arg2[%get3A_2, %get3A_3] : memref<32x1xf32, #tpu.memory_space<vmem>>, vector<32x1xf32>
    %get3A_5 = arith.constant 0 : index
    %get3A_6 = arith.constant 0 : index
    %get3A_7 = vector.load %arg3[%get3A_5, %get3A_6] : memref<32x1xf32, #tpu.memory_space<vmem>>, vector<32x1xf32>
    %get3A_8 = arith.constant 0 : index
    %get3A_9 = arith.constant 0 : index
    %get3A_10 = vector.load %arg4[%get3A_8, %get3A_9] : memref<32x1xf32, #tpu.memory_space<vmem>>, vector<32x1xf32>
    %get3A_11 = arith.constant 0 : index
    %get3A_12 = arith.constant 0 : index
    %get3A_13 = vector.load %arg5[%get3A_11, %get3A_12] : memref<32x1xf32, #tpu.memory_space<vmem>>, vector<32x1xf32>
    %mul3A = arith.constant 2.17013894E-5 : f32
    %mul3A_14 = vector.broadcast %mul3A : f32 to vector<32x1xf32>
    %mul3A_15 = arith.mulf %get3A_4, %mul3A_14 : vector<32x1xf32>
    %mul3A_16 = arith.constant 2.17013894E-5 : f32
    %mul3A_17 = vector.broadcast %mul3A_16 : f32 to vector<32x1xf32>
    %mul3A_18 = arith.mulf %get3A_7, %mul3A_17 : vector<32x1xf32>
    %mul3A_19 = arith.mulf %mul3A_15, %mul3A_15 : vector<32x1xf32>
    %sub3A = arith.subf %mul3A_18, %mul3A_19 : vector<32x1xf32>
    %sub3A_20 = vector.broadcast %mul3A_15 : vector<32x1xf32> to vector<32x9216xf32>
    %sub3A_21 = arith.subf %get3A_1, %sub3A_20 : vector<32x9216xf32>
    %mul3A_22 = vector.broadcast %get3A_10 : vector<32x1xf32> to vector<32x9216xf32>
    %mul3A_23 = arith.mulf %mul3A_22, %sub3A_21 : vector<32x9216xf32>
    %add3A = arith.constant 9.99999974E-6 : f32
    %add3A_24 = vector.broadcast %add3A : f32 to vector<32x1xf32>
    %add3A_25 = arith.addf %sub3A, %add3A_24 : vector<32x1xf32>
    %rsqrt3A = math.rsqrt %add3A_25 : vector<32x1xf32>
    %mul3A_26 = vector.broadcast %rsqrt3A : vector<32x1xf32> to vector<32x9216xf32>
    %mul3A_27 = arith.mulf %mul3A_23, %mul3A_26 : vector<32x9216xf32>
    %add3A_28 = vector.broadcast %get3A_13 : vector<32x1xf32> to vector<32x9216xf32>
    %add3A_29 = arith.addf %mul3A_27, %add3A_28 : vector<32x9216xf32>
    %max3A = arith.constant 0.000000e+00 : f32
    %max3A_30 = vector.broadcast %max3A : f32 to vector<32x9216xf32>
    %max3A_31 = arith.maximumf %add3A_29, %max3A_30 : vector<32x9216xf32>
    %get3A_32 = arith.constant 0 : index
    %get3A_33 = arith.constant 0 : index
    %get3A_34 = vector.load %arg7[%get3A_32, %get3A_33] : memref<32x64xf32, #tpu.memory_space<vmem>>, vector<32x64xf32>
    %get3A_35 = arith.constant 0 : index
    %get3A_36 = arith.constant 0 : index
    %get3A_37 = vector.load %arg6[%get3A_35, %get3A_36] : memref<64x9216xf32, #tpu.memory_space<vmem>>, vector<64x9216xf32>
    %dot_general3A = arith.constant dense<0.000000e+00> : vector<32x9216xf32>
    %dot_general3A_38 = tpu.matmul %get3A_34, %get3A_37, %dot_general3A {dimension_numbers = #tpu.dot_dimension_numbers<[1], [0], [0], [1], [0, 0, 1, 1], [], []>, transpose_lhs_hint = false} : vector<32x64xf32>, vector<64x9216xf32>, vector<32x9216xf32> -> vector<32x9216xf32>
    %get3A_39 = arith.constant 0 : index
    %get3A_40 = arith.constant 0 : index
    %get3A_41 = vector.load %arg8[%get3A_39, %get3A_40] : memref<32x1xf32, #tpu.memory_space<vmem>>, vector<32x1xf32>
    %add3A_42 = vector.broadcast %get3A_41 : vector<32x1xf32> to vector<32x9216xf32>
    %add3A_43 = arith.addf %dot_general3A_38, %add3A_42 : vector<32x9216xf32>
    %add3A_44 = arith.addf %max3A_31, %add3A_43 : vector<32x9216xf32>
    %max3A_45 = arith.constant 0.000000e+00 : f32
    %max3A_46 = vector.broadcast %max3A_45 : f32 to vector<32x9216xf32>
    %max3A_47 = arith.maximumf %add3A_44, %max3A_46 : vector<32x9216xf32>
    %iota3A = tpu.iota {dimensions = array<i32: 0>} : vector<9216x72xi32>
    %iota3A_48 = tpu.iota {dimensions = array<i32: 1>} : vector<9216x72xi32>
    %jit3A = arith.constant 128 : i32
    %div3A = vector.broadcast %jit3A : i32 to vector<9216x72xi32>
    %div3A_49 = arith.divsi %iota3A, %div3A : vector<9216x72xi32>
    %sign3A = arith.constant 0 : i32
    %sign3A_50 = vector.broadcast %sign3A : i32 to vector<9216x72xi32>
    %sign3A_51 = arith.cmpi sgt, %iota3A, %sign3A_50 : vector<9216x72xi32>
    %sign3A_52 = arith.extui %sign3A_51 : vector<9216x72xi1> to vector<9216x72xi32>
    %sign3A_53 = arith.constant 0 : i32
    %sign3A_54 = vector.broadcast %sign3A_53 : i32 to vector<9216x72xi32>
    %sign3A_55 = arith.cmpi slt, %iota3A, %sign3A_54 : vector<9216x72xi32>
    %sign3A_56 = arith.extui %sign3A_55 : vector<9216x72xi1> to vector<9216x72xi32>
    %sign3A_57 = arith.subi %sign3A_52, %sign3A_56 : vector<9216x72xi32>
    %sign3A_58 = arith.constant 0 : i32
    %sign3A_59 = arith.cmpi sgt, %jit3A, %sign3A_58 : i32
    %sign3A_60 = arith.extui %sign3A_59 : i1 to i32
    %sign3A_61 = arith.constant 0 : i32
    %sign3A_62 = arith.cmpi slt, %jit3A, %sign3A_61 : i32
    %sign3A_63 = arith.extui %sign3A_62 : i1 to i32
    %sign3A_64 = arith.subi %sign3A_60, %sign3A_63 : i32
    %ne3A = vector.broadcast %sign3A_64 : i32 to vector<9216x72xi32>
    %ne3A_65 = arith.cmpi ne, %sign3A_57, %ne3A : vector<9216x72xi32>
    %rem3A = vector.broadcast %jit3A : i32 to vector<9216x72xi32>
    %rem3A_66 = arith.remsi %iota3A, %rem3A : vector<9216x72xi32>
    %ne3A_67 = arith.constant 0 : i32
    %ne3A_68 = vector.broadcast %ne3A_67 : i32 to vector<9216x72xi32>
    %ne3A_69 = arith.cmpi ne, %rem3A_66, %ne3A_68 : vector<9216x72xi32>
    %and3A = arith.andi %ne3A_65, %ne3A_69 : vector<9216x72xi1>
    %sub3A_70 = arith.constant 1 : i32
    %sub3A_71 = vector.broadcast %sub3A_70 : i32 to vector<9216x72xi32>
    %sub3A_72 = arith.subi %div3A_49, %sub3A_71 : vector<9216x72xi32>
    %select_n3A = arith.select %and3A, %sub3A_72, %div3A_49 : vector<9216x72xi1>, vector<9216x72xi32>
    %eq3A = arith.cmpi eq, %select_n3A, %iota3A_48 : vector<9216x72xi32>
    %jit3A_73 = arith.constant 128 : i32
    %eq3A_74 = arith.constant 0 : i32
    %eq3A_75 = arith.cmpi eq, %jit3A_73, %eq3A_74 : i32
    %jit3A_76 = arith.constant 1 : i32
    %select_n3A_77 = arith.select %eq3A_75, %jit3A_76, %jit3A_73 : i32
    %rem3A_78 = vector.broadcast %select_n3A_77 : i32 to vector<9216x72xi32>
    %rem3A_79 = arith.remsi %iota3A, %rem3A_78 : vector<9216x72xi32>
    %ne3A_80 = arith.constant 0 : i32
    %ne3A_81 = vector.broadcast %ne3A_80 : i32 to vector<9216x72xi32>
    %ne3A_82 = arith.cmpi ne, %rem3A_79, %ne3A_81 : vector<9216x72xi32>
    %lt3A = arith.constant 0 : i32
    %lt3A_83 = vector.broadcast %lt3A : i32 to vector<9216x72xi32>
    %lt3A_84 = arith.cmpi slt, %rem3A_79, %lt3A_83 : vector<9216x72xi32>
    %lt3A_85 = arith.constant 0 : i32
    %lt3A_86 = arith.cmpi slt, %select_n3A_77, %lt3A_85 : i32
    %ne3A_87 = vector.broadcast %lt3A_86 : i1 to vector<9216x72xi1>
    %ne3A_88 = vector.broadcast %ne3A_87 : vector<9216x72xi1> to vector<9216x72xi1>
    %ne3A_89 = arith.xori %lt3A_84, %ne3A_88 : vector<9216x72xi1>
    %and3A_90 = arith.andi %ne3A_89, %ne3A_82 : vector<9216x72xi1>
    %add3A_91 = vector.broadcast %select_n3A_77 : i32 to vector<9216x72xi32>
    %add3A_92 = arith.addi %rem3A_79, %add3A_91 : vector<9216x72xi32>
    %select_n3A_93 = arith.select %and3A_90, %add3A_92, %rem3A_79 : vector<9216x72xi1>, vector<9216x72xi32>
    %eq3A_94 = arith.constant 127 : i32
    %eq3A_95 = vector.broadcast %eq3A_94 : i32 to vector<9216x72xi32>
    %eq3A_96 = arith.cmpi eq, %select_n3A_93, %eq3A_95 : vector<9216x72xi32>
    %and3A_97 = arith.andi %eq3A, %eq3A_96 : vector<9216x72xi1>
    %convert_element_type3A = arith.extui %and3A_97 : vector<9216x72xi1> to vector<9216x72xi32>
    %convert_element_type3A_98 = arith.sitofp %convert_element_type3A : vector<9216x72xi32> to vector<9216x72xf32>
    %dot_general3A_99 = arith.constant dense<0.000000e+00> : vector<32x72xf32>
    %dot_general3A_100 = tpu.matmul %max3A_47, %convert_element_type3A_98, %dot_general3A_99 {dimension_numbers = #tpu.dot_dimension_numbers<[1], [0], [0], [1], [0, 0, 1, 1], [], []>, transpose_lhs_hint = false} : vector<32x9216xf32>, vector<9216x72xf32>, vector<32x72xf32> -> vector<32x72xf32>
    %get3A_101 = arith.constant 0 : index
    %get3A_102 = arith.constant 0 : index
    %get3A_103 = vector.load %arg9[%get3A_101, %get3A_102] : memref<32x128xf32, #tpu.memory_space<vmem>>, vector<32x128xf32>
    %get3A_104 = arith.constant 0 : index
    %get3A_105 = arith.constant 0 : index
    %get3A_106 = vector.load %arg11[%get3A_104, %get3A_105] : memref<128x1xf32, #tpu.memory_space<vmem>>, vector<128x1xf32>
    %dot_general3A_107 = arith.constant dense<0.000000e+00> : vector<32x1xf32>
    %dot_general3A_108 = tpu.matmul %get3A_103, %get3A_106, %dot_general3A_107 {dimension_numbers = #tpu.dot_dimension_numbers<[1], [0], [0], [1], [0, 0, 1, 1], [], []>, transpose_lhs_hint = false} : vector<32x128xf32>, vector<128x1xf32>, vector<32x1xf32> -> vector<32x1xf32>
    %get3A_109 = arith.constant 0 : index
    %get3A_110 = arith.constant 0 : index
    %get3A_111 = vector.load %arg10[%get3A_109, %get3A_110] : memref<1x128xf32, #tpu.memory_space<vmem>>, vector<1x128xf32>
    %get3A_112 = arith.constant 0 : index
    %get3A_113 = arith.constant 0 : index
    %get3A_114 = vector.load %arg11[%get3A_112, %get3A_113] : memref<128x1xf32, #tpu.memory_space<vmem>>, vector<128x1xf32>
    %dot_general3A_115 = arith.constant dense<0.000000e+00> : vector<1x1xf32>
    %dot_general3A_116 = tpu.matmul %get3A_111, %get3A_114, %dot_general3A_115 {dimension_numbers = #tpu.dot_dimension_numbers<[1], [0], [0], [1], [0, 0, 1, 1], [], []>, transpose_lhs_hint = false} : vector<1x128xf32>, vector<128x1xf32>, vector<1x1xf32> -> vector<1x1xf32>
    %get3A_117 = arith.constant 0 : index
    %get3A_118 = arith.constant 0 : index
    %get3A_119 = vector.load %arg12[%get3A_117, %get3A_118] : memref<1x1xf32, #tpu.memory_space<vmem>>, vector<1x1xf32>
    %add3A_120 = arith.addf %dot_general3A_116, %get3A_119 : vector<1x1xf32>
    %dot_general3A_121 = arith.constant dense<0.000000e+00> : vector<72x1xf32>
    %dot_general3A_122 = tpu.matmul %dot_general3A_100, %dot_general3A_108, %dot_general3A_121 {dimension_numbers = #tpu.dot_dimension_numbers<[0], [0], [1], [1], [0, 1, 1, 1], [], []>, transpose_lhs_hint = false} : vector<32x72xf32>, vector<32x1xf32>, vector<72x1xf32> -> vector<72x1xf32>
    %add3A_123 = vector.broadcast %add3A_120 : vector<1x1xf32> to vector<72x1xf32>
    %add3A_124 = arith.addf %dot_general3A_122, %add3A_123 : vector<72x1xf32>
    %swap3A = arith.constant 0 : index
    %swap3A_125 = arith.constant 0 : index
    %swap3A_126 = vector.load %arg13[%swap3A, %swap3A_125] : memref<72x1xf32, #tpu.memory_space<vmem>>, vector<72x1xf32>
    tpu.vector_store %arg13[%swap3A, %swap3A_125], %add3A_124 {strides = array<i32>} : memref<72x1xf32, #tpu.memory_space<vmem>>, vector<72x1xf32>,
    return
  }
  func.func @transform_0(%arg0: i32) -> (i32, i32) {
    %c0_i32 = arith.constant 0 : i32
    %c0_i32_0 = arith.constant 0 : i32
    return %c0_i32, %arg0 : i32, i32
  }
  func.func @transform_1(%arg0: i32) -> (i32, i32) {
    %c0_i32 = arith.constant 0 : i32
    %c0_i32_0 = arith.constant 0 : i32
    %c0_i32_1 = arith.constant 0 : i32
    return %c0_i32, %c0_i32_0 : i32, i32
  }
  func.func @transform_2(%arg0: i32) -> (i32, i32) {
    %c0_i32 = arith.constant 0 : i32
    %c0_i32_0 = arith.constant 0 : i32
    %c0_i32_1 = arith.constant 0 : i32
    return %c0_i32, %c0_i32_0 : i32, i32
  }
  func.func @transform_3(%arg0: i32) -> (i32, i32) {
    %c0_i32 = arith.constant 0 : i32
    %c0_i32_0 = arith.constant 0 : i32
    %c0_i32_1 = arith.constant 0 : i32
    return %c0_i32, %c0_i32_0 : i32, i32
  }
  func.func @transform_4(%arg0: i32) -> (i32, i32) {
    %c0_i32 = arith.constant 0 : i32
    %c0_i32_0 = arith.constant 0 : i32
    %c0_i32_1 = arith.constant 0 : i32
    return %c0_i32, %c0_i32_0 : i32, i32
  }
  func.func @transform_5(%arg0: i32) -> (i32, i32) {
    %c0_i32 = arith.constant 0 : i32
    %c0_i32_0 = arith.constant 0 : i32
    return %c0_i32, %arg0 : i32, i32
  }
  func.func @transform_6(%arg0: i32) -> (i32, i32) {
    %c0_i32 = arith.constant 0 : i32
    %c0_i32_0 = arith.constant 0 : i32
    %c0_i32_1 = arith.constant 0 : i32
    return %c0_i32, %c0_i32_0 : i32, i32
  }
  func.func @transform_7(%arg0: i32) -> (i32, i32) {
    %c0_i32 = arith.constant 0 : i32
    %c0_i32_0 = arith.constant 0 : i32
    %c0_i32_1 = arith.constant 0 : i32
    return %c0_i32, %c0_i32_0 : i32, i32
  }
  func.func @transform_8(%arg0: i32) -> (i32, i32) {
    %c0_i32 = arith.constant 0 : i32
    %c0_i32_0 = arith.constant 0 : i32
    %c0_i32_1 = arith.constant 0 : i32
    return %c0_i32, %c0_i32_0 : i32, i32
  }
  func.func @transform_9(%arg0: i32) -> (i32, i32) {
    %c0_i32 = arith.constant 0 : i32
    %c0_i32_0 = arith.constant 0 : i32
    %c0_i32_1 = arith.constant 0 : i32
    return %c0_i32, %c0_i32_0 : i32, i32
  }
  func.func @transform_10(%arg0: i32) -> (i32, i32) {
    %c0_i32 = arith.constant 0 : i32
    %c0_i32_0 = arith.constant 0 : i32
    %c0_i32_1 = arith.constant 0 : i32
    return %c0_i32, %c0_i32_0 : i32, i32
  }
  func.func @transform_11(%arg0: i32) -> (i32, i32) {
    %c0_i32 = arith.constant 0 : i32
    %c0_i32_0 = arith.constant 0 : i32
    %c0_i32_1 = arith.constant 0 : i32
    return %c0_i32, %c0_i32_0 : i32, i32
  }
  func.func @transform_12(%arg0: i32) -> (i32, i32) {
    %c0_i32 = arith.constant 0 : i32
    %c0_i32_0 = arith.constant 0 : i32
    return %arg0, %c0_i32 : i32, i32
  }
}

</mosaic_0001>

<sc_bundles>
// kernel: kernel.17.cloned.1.call-start
scs
__scs_entry_jumppad:
0x0: {  	(pc) =	sbr.rel $0x88, $3  }
0x1: {  	(tag) =	ssettag $0x0;
	lr =	simm.s32 $0x1  }
0x2: {  	[smem:$0x3F71] =	sst lr;
	_ =	strace $0xD0000000  }
0x3: {  	_ = 	snop  }
0x4: {  	_ = 	snop  }
0x5: {  	_ = 	snop  }
0x6: {  	_ = 	snop  }
0x7: {  	_ = 	snop  }
__scs_overlays_trampoline_lowered:
0x8: {  	[smem:$0x3F80] =	sst s0  }
0x9: {  	[smem:$0x3F81] =	sst s1  }
0xa: {  	[smem:$0x3F82] =	sst s2  }
0xb: {  	[smem:$0x3F83] =	sst s3  }
0xc: {  	[smem:$0x3F84] =	sst s4  }
0xd: {  	[smem:$0x3F85] =	sst s5  }
0xe: {  	[smem:$0x3F86] =	sst s6  }
0xf: {  	[smem:$0x3F87] =	sst s7  }
0x10: {  	[smem:$0x3F88] =	sst s8  }
0x11: {  	[smem:$0x3F89] =	sst s9;
	s0 =	simm.s32 @!p0 $0x0  }
0x12: {  	s1 =	sld [smem:$0x3F6F];
	s0 =	simm.s32 @p0 $0x1  }
0x13: {  	[smem:$0x3F8A] =	sst s0;
	s0 =	simm.s32 @!p1 $0x0  }
0x14: {  	s2 =	sld [smem:$0x3F6E];
	s0 =	simm.s32 @p1 $0x1  }
0x15: {  	[smem:$0x3F8B] =	sst s0;
	s0 =	simm.s32 @!p2 $0x0  }
0x16: {  	s3 =	sld [smem:$0x3FDB];
	s0 =	simm.s32 @p2 $0x1  }
0x17: {  	s4 =	simm.s32 $0x1BF5;
	[smem:$0x3F8D] =	sst s0  }
0x18: {  	s0 =	sld [smem:$0x3F70];
	_ =	swait.ge [sflag:s4], $0x0  }
0x19: {  	s7 =	sld [smem:$0x3F71]  }
0x1a: {  	s8 =	sadd.s32 $0xFFFFE003, lr  }
0x1b: {  	s9 =	sadd.s32 $0xFFFFFEF7, lr;
	s5 =	simm.s32 $0xFFFFFFFF;
	p2 =	slt.u32 s8, $0xFFFFF086  }
0x1c: {  	p1 =	slt.u32 s9, $0xF7A;
	s5 =	simm.s32 @!p2 $0x0  }
0x1d: {  	s5 =	simm.s32 @p1 $0x1;
	p0 =	seq.s32 s7, s2  }
0x1e: {  	s7 =	smul.u32 @!p0 $0xF7A, s2;
	p2 =	seq.s32 @!p0 s5, $0x0  }
0x1f: {  	s9 =	smul.u32 $0xF7A, s1;
	s8 =	simm.s32 @!p0 $0x1BF5;
	p2 =	por !p2, p0  }
0x20: {  	[sflag:s8] =	ssyncset.s32 @!p0 $0xFFFFF086;
	s6 =	sadd.s32 @!p0 s3, s7;
	s7 =	simm.s32 @!p0 $0x108  }
0x21: {  	s3 =	sadd.s32 s3, s9;
	s6 =	sadd.s32 @!p0 $0x88, s6;
	s7 =	simm.s32 @p2 $0x1082  }
0x22: {  	[simem:s7], [sflag:s8] =	dma.local @!p0 [hbm:s6], $0xF7A  }
0x23: {  	s9 =	sor.u32 $0xD0000000, s2;
	s6 =	simm.s32 $0x108;
	_ =	swait.ge @!p0 [sflag:s8], $0x0  }
0x24: {  	s3 =	sadd.s32 $0x88, s3;
	s6 =	simm.s32 @!p1 $0x1082;
	[sflag:s4] =	ssyncset.s32 $0xFFFFF086  }
0x25: {  	[simem:s6], [sflag:s4] =	dma.local [hbm:s3], $0xF7A  }
0x26: {  	[smem:$0x3F71] =	sst s1;
	(tag) =	ssettag s2;
	_ =	strace s9  }
0x27: {  	s1 =	sld [smem:$0x3F81]  }
0x28: {  	s2 =	sld [smem:$0x3F82]  }
0x29: {  	s4 =	sld [smem:$0x3F84]  }
0x2a: {  	p0 =	seq.s32 s5, $0x0;
	s5 =	sld [smem:$0x3F85]  }
0x2b: {  	s6 =	sld [smem:$0x3F86]  }
0x2c: {  	s7 =	sld [smem:$0x3F87]  }
0x2d: {  	s3 =	simm.s32 $0x108;
	s8 =	sld [smem:$0x3F88]  }
0x2e: {  	s3 =	simm.s32 @!p0 $0x1082;
	s9 =	sld [smem:$0x3F89]  }
0x2f: {  	lr =	sadd.s32 s0, s3;
	s0 =	sld [smem:$0x3F80]  }
0x30: {  	s3 =	sld [smem:$0x3F83]  }
0x31: {  	[smem:$0x3F8C] =	sst s10  }
0x32: {  	s10 =	sld [smem:$0x3F8A];
	_ =	sdelay $0x3  }
0x33: {  	p0 =	seq.s32 s10, $0x1;
	s10 =	sld [smem:$0x3F8C];
	_ =	sdelay $0x3  }
0x34: {  	[smem:$0x3F8C] =	sst s10  }
0x35: {  	s10 =	sld [smem:$0x3F8B];
	_ =	sdelay $0x3  }
0x36: {  	p1 =	seq.s32 s10, $0x1;
	s10 =	sld [smem:$0x3F8C];
	_ =	sdelay $0x3  }
0x37: {  	[smem:$0x3F8C] =	sst s10  }
0x38: {  	s10 =	sld [smem:$0x3F8D]  }
0x39: {  	_ = 	snop;
	(pc) =	sbr.ind lr, $3  }
0x3a: {  	_ = 	snop  }
0x3b: {  	_ = 	snop  }
0x3c: {  	p2 =	seq.s32 s10, $0x1;
	s10 =	sld [smem:$0x3F8C]  }
0x3d: {  	_ =	shalt  }
0x3e: {  	_ =	shalt  }
0x3f: {  	_ =	shalt  }
0x40: {  	_ =	shalt  }
0x41: {  	_ =	shalt  }
0x42: {  	_ =	shalt  }
0x43: {  	_ =	shalt  }
0x44: {  	_ =	shalt  }
0x45: {  	_ =	shalt  }
0x46: {  	_ =	shalt  }
0x47: {  	_ =	shalt  }
0x48: {  	_ =	shalt  }
0x49: {  	_ =	shalt  }
0x4a: {  	_ =	shalt  }
0x4b: {  	_ =	shalt  }
0x4c: {  	_ =	shalt  }
0x4d: {  	_ =	shalt  }
0x4e: {  	_ =	shalt  }
0x4f: {  	_ =	shalt  }
0x50: {  	_ =	shalt  }
0x51: {  	_ =	shalt  }
0x52: {  	_ =	shalt  }
0x53: {  	_ =	shalt  }
0x54: {  	_ =	shalt  }
0x55: {  	_ =	shalt  }
0x56: {  	_ =	shalt  }
0x57: {  	_ =	shalt  }
0x58: {  	_ =	shalt  }
0x59: {  	_ =	shalt  }
0x5a: {  	_ =	shalt  }
0x5b: {  	_ =	shalt  }
0x5c: {  	_ =	shalt  }
0x5d: {  	_ =	shalt  }
0x5e: {  	_ =	shalt  }
0x5f: {  	_ =	shalt  }
0x60: {  	_ =	shalt  }
0x61: {  	_ =	shalt  }
0x62: {  	_ =	shalt  }
0x63: {  	_ =	shalt  }
0x64: {  	_ =	shalt  }
0x65: {  	_ =	shalt  }
0x66: {  	_ =	shalt  }
0x67: {  	_ =	shalt  }
0x68: {  	_ =	shalt  }
0x69: {  	_ =	shalt  }
0x6a: {  	_ =	shalt  }
0x6b: {  	_ =	shalt  }
0x6c: {  	_ =	shalt  }
0x6d: {  	_ =	shalt  }
0x6e: {  	_ =	shalt  }
0x6f: {  	_ =	shalt  }
0x70: {  	_ =	shalt  }
0x71: {  	_ =	shalt  }
0x72: {  	_ =	shalt  }
0x73: {  	_ =	shalt  }
0x74: {  	_ =	shalt  }
0x75: {  	_ =	shalt  }
0x76: {  	_ =	shalt  }
0x77: {  	_ =	shalt  }
0x78: {  	_ =	shalt  }
0x79: {  	_ =	shalt  }
0x7a: {  	_ =	shalt  }
0x7b: {  	_ =	shalt  }
0x7c: {  	_ =	shalt  }
0x7d: {  	_ =	shalt  }
0x7e: {  	_ =	shalt  }
0x7f: {  	_ =	shalt  }
0x80: {  	_ =	shalt  }
0x81: {  	_ =	shalt  }
0x82: {  	_ =	shalt  }
0x83: {  	_ =	shalt  }
0x84: {  	_ =	shalt  }
0x85: {  	_ =	shalt  }
0x86: {  	_ =	shalt  }
0x87: {  	_ =	shalt  }
.Lfunc_end0:
.L_simem_size_0:
called_computation_lowered:
.L_overlay_start_0:
0x88: {  	s2 =	sld [smem:$0x3FD9]  }
0x89: {  	s3 =	sld [smem:$0x3FFE];
	_ =	sdelay $0x1  }
0x8a: {  	s1 =	srdreg.scid  }
0x8b: {  	s0 =	sand.u32 $0x1, s1  }
0x8c: {  	s16 =	sshll.u32 s0, $0xA;
	s2 =	sadd.s32 s3, s2  }
0x8d: {  	s2 =	sadd.s32 s2, s16  }
0x8e: {  	[smem:$0x3F98] =	sst s2  }
0x8f: {  	_ = 	snop  }
0x90: {  	(tm) =	ssettm $0x1  }
0x91: {  	s17 =	sld [smem:$0x3FFB];
	_ =	sdelay $0x3  }
0x92: {  	_ =	strace s17  }
0x93: {  	s2 =	sld [smem:$0x3FFC];
	_ =	sdelay $0x3  }
0x94: {  	_ =	strace s2  }
0x95: {  	s2 =	sld [smem:$0x3FFD];
	_ =	sdelay $0x3  }
0x96: {  	_ =	strace s2  }
0x97: {  	_ =	strace $0x8FFFFFFF  }
0x98: {  	s18 =	sld [smem:$0x3FDB];
	_ =	sdelay $0x1  }
0x99: {  	s19 =	simm.s32 $_scs_section_size  }
0x9a: {  	s4 =	simm.s32 $_size__tile_overlayer_lowered;
	s5 =	simm.s32 $_tile_overlayer_lowered  }
0x9b: {  	s22 =	simm.s32 $0x1BFF;
	s21 =	sshll.u32 s5, $0x1;
	s2 =	sadd.s32 s19, s18  }
0x9c: {  	s6 =	simm.s32 $0x0;
	s20 =	sshll.u32 s4, $0x1;
	s4 =	sadd.s32 s21, s2  }
0x9d: {  	[timem:s6], [sflag:s22] =	dma.local [hbm:s4], s20  }
0x9e: {  	_ =	swait.ge [sflag:s22], s20  }
0x9f: {  	s3 =	ssub.s32 $0x0, s20;
	[sflag:s22] =	ssyncset.done $0x0  }
0xa0: {  	[sflag:s22] =	ssyncadd.s32 s3;
	_ =	sdelay $0x1  }
0xa1: {  	s23 =	simm.s32 $0x1B8B  }
0xa2: {  	_ =	swait.ge [sflag:s23], $0x1  }
0xa3: {  	[sflag:s23] =	ssyncset.done $0x0  }
0xa4: {  	s25 =	simm.s32 $0x1B8E;
	s24 =	sld [smem:$0x3FFE];
	[sflag:s23] =	ssyncadd.s32 $0xFFFFFFFF  }
0xa5: {  	s26 =	simm.s32 $execute0_lowered;
	[smem:$0x3FD2] =	sst s25  }
0xa6: {  	s4 =	sshll.u32 s26, $0x1;
	_ =	strace $0x80000046;
	[dreg:$0x1] =	wrdreg $0xFFFFFFFF  }
0xa7: {  	s28 =	simm.s32 $_size_execute0_lowered;
	s2 =	sadd.s32 s2, s4;
	[dreg:$0x0] =	wrdreg $0x0  }
0xa8: {  	s4 =	sshll.u32 s28, $0x1;
	[dreg:$0x2] =	wrdreg s2  }
0xa9: {  	[dreg:$0x3] =	wrdreg s4  }
0xaa: {  	[dreg:$0x4] =	wrdreg $0xC0  }
0xab: {  	_ =	task [dreg:s6], $0x5FFFF  }
0xac: {  	[dreg:$0x1] =	wrdreg $0xFFFFFFFF  }
0xad: {  	[dreg:$0x0] =	wrdreg $0x60  }
0xae: {  	[dreg:$0x2] =	wrdreg s24  }
0xaf: {  	[dreg:$0x3] =	wrdreg $0x9  }
0xb0: {  	_ =	task.clear_ibuf [dreg:s6], $0x4FFFF;
	_ =	strace $0x90000046  }
0xb1: {  	s29 =	simm.s32 $0x9;
	_ =	strace $0x80000048  }
0xb2: {  	_ =	swait.ge [sflag:s29], $0x1  }
0xb3: {  	[sflag:s29] =	ssyncadd.s32 $0xFFFFFFFF  }
0xb4: {  	_ =	strace $0x90000048  }
0xb5: {  	_ =	sfence  }
0xb6: {  	s30 =	sld [smem:$0x0];
	_ =	sdelay $0x2  }
0xb7: {  	s31 =	sshll.u32 s1, $0xD;
	s1 =	sshrl.u32 s1, $0x2  }
0xb8: {  	s3 =	sand.u32 $0x4000, s31;
	s1 =	sadd.s32 s1, s30  }
0xb9: {  	s0 =	sor.u32 s3, s0;
	s1 =	sshll.u32 s1, $0x11  }
0xba: {  	s0 =	sor.u32 s1, s0  }
0xbb: {  	s0 =	sadd.s32 $0x8F2B, s0  }
0xbc: {  	[sflag:s0] =	ssyncadd.remote.s32 $0x1  }
0xbd: {  	_ =	sfence.sel $0xFFFF  }
0xbe: {  	[dreg:$0x0] =	wrdreg $0xFFFFFFFF;
	(pc) =	sbr.abs _section_cstart, $3  }
0xbf: {  	[dreg:$0x1] =	wrdreg $0xFFFFFFFF  }
0xc0: {  	_ =	task.clear_ibuf [dreg:s6], $0x2FFFF;
	_ =	strace $0x9FFFFFFF  }
0xc1: {  	(tm) =	ssettm $0x7FFFFFFF  }
tec
execute0_lowered:
.L_overlay_start_1:
0x0: {  	(tag) =	ssettag $0x1  }
0x1: {  	s0 =	srdreg.scid  }
0x2: {  	s3 =	sand.u32 $0x1, s0  }
0x3: {  	s4 =	rddreg [dreg:$0x0];
	s0 =	stileid.u32;
	s1 =	sshll.u32 s3, $0x4  }
0x4: {  	s2 =	simm.s32 $0x0;
	s8 =	simm.s32 $0x80;
	s5 =	sor.u32 s0, s1  }
0x5: {  	s9 =	simm.s32 $0x400;
	[smem:$0x7FF] =	sst s2;
	s6 =	sshrl.u32 s5, $0x3  }
0x6: {  	s7 =	sshll.u32 s0, $0x7;
	s3 =	ssub.s32 $0x2, s3;
	s6 =	smul.u32 $0x14000, s6  }
0x7: {  	s1 =	rddreg [dreg:$0x1];
	s7 =	sand.u32 $0x380, s7;
	s5 =	smul.u32 $0x4EC, s5  }
0x8: {  	_ =	strace $0x80000047;
	s30 =	sshrl.u32 s3, $0x1;
	s6 =	sor.u32 s7, s6  }
0x9: {  	s31 =	ssub.s32 s3, s30;
	s5 =	sadd.s32 s5, s4;
	s6 =	sshrl.u32 s6, $0x3  }
0xa: {  	s3 =	sadd.s32 $0xA600, s5;
	s5 =	smax.u32 s31, $0x1;
	s4 =	sadd.s32 s6, s4  }
0xb: {  	v0 =	vimm.f32 $0.0e+00;
	v1 =	vimm.f32 $1.000000000e+00;
	s7 =	simm.s32 $0x2780;
	s6 =	simm.s32 $0x1;
	s4 =	sadd.s32 $0x1E200, s4  }
.LBB2_1:
0xc: {  	s10 =	simm.s32 $0x40;
	s11 =	simm.s32 $0x0  }
.LBB2_2:
0xd: {  	p0 =	sne.s32 s10, $0x9FC0;
	[tilespmem:s11+$0x2780] =	vst v0;
	s11 =	smov.u32 s10;
	s10 =	sadd.s32 $0x40, s10  }
.Ltmp0:
0xe: {  	(pc) =	sbr.rel @p0 .LBB2_2-.Ltmp0, $2  }
0xf: {  	_ =	sdelay $0x2  }
0x10: {  	s11 =	sshra.s32 s11, $0x2  }
0x11: {  	[tilespmem:s11+$0x2780] =	vst v0;
	s10 =	simm.s32 $0x0  }
0x12: {  	[tilespmem:s10], [sflag:$0x1] =	stream.linear.gather [hbm4b:s3+s10], $0x2760, $0x38;
	[tilespmem:$0x4F80] =	vst v63  }
0x13: {  	_ =	swait.ge [sflag:s6], $0x2760  }
0x14: {  	[sflag:s6] =	ssyncset.done $0x0  }
0x15: {  	s11 =	simm.s32 $0x0;
	s10 =	simm.s32 $0x40;
	[sflag:s6] =	ssyncadd.s32 $0xFFFFD8A0  }
.LBB2_4:
0x16: {  	p0 =	sne.s32 s10, $0x9D40;
	v2 =	vld [tilespmem:s11+$0x0];
	_ =	sdelay $0x3  }
.Ltmp1:
0x17: {  	(pc) =	sbr.rel @p0 .LBB2_4-.Ltmp1, $2  }
0x18: {  	_ =	sdelay $0x2  }
0x19: {  	s11 =	sshra.s32 s10, $0x2;
	s10 =	sadd.s32 $0x40, s10;
	[tilespmem:v2+s7+$0x0] =	vst.idx.add.f32.msk $0xffff, v1  }
0x1a: {  	v2 =	vld [tilespmem:s11+$0x0];
	_ =	sdelay $0x5  }
0x1b: {  	s2 =	sadd.s32 $0x1, s2  }
0x1c: {  	p0 =	sne.s32 s2, s5  }
.Ltmp2:
0x1d: {  	[tilespmem:v2+s7+$0x0] =	vst.idx.add.f32.msk $0xffff, v1;
	(pc) =	sbr.rel @p0 .LBB2_1-.Ltmp2, $4  }
0x1e: {  	[hbm4b:s4+s8] =	stream.strided.scatter [tilespmem:s7], [sflag:$0x1], $0x2800, s9, s8, $0x38;
	[tilespmem:$0x4F80] =	vst v63  }
0x1f: {  	_ =	swait.ge [sflag:s6], $0x2800  }
0x20: {  	[sflag:s6] =	ssyncset.done $0x0  }
0x21: {  	[sflag:s6] =	ssyncadd.s32 $0xFFFFD800  }
0x22: {  	_ =	sfence.sel $0x180000  }
0x23: {  	[bflag:$0x0] =	sbarrier.arrive $0xFFFF  }
0x24: {  	p0 =	sne.s32 s0, $0x0;
	_ =	strace $0x90000047  }
0x25: {  	s0 =	sadd.s32 @!p0 $0x100000, s1;
	[bflag:$0x2] =	sbarrier.arrive $0xFFFF  }
0x26: {  	[sflag:s0] =	ssyncadd.tile.s32 @!p0 $0x1;
	_ =	shalt  }
.Lfunc_end2:
_tile_overlayer_lowered:
.L_overlay_start_2:
0x27: {  	(tag) =	ssettag $0x2  }
0x28: {  	s0 =	rddreg [dreg:$0x0];
	s2 =	stileid.u32  }
0x29: {  	s1 =	rddreg [dreg:$0x1];
	p0 =	sne.s32 s2, $0x0  }
0x2a: {  	s3 =	rddreg [dreg:$0x2];
	[bflag:$0x3] =	sbarrier.arrive $0xFFFF;
	s2 =	simm.s32 @!p0 $0x1C01  }
0x2b: {  	[timem:s3], [sflag:s2] =	dma.local @!p0 [hbm:s0], s1  }
0x2c: {  	s0 =	simm.s32 @!p0 $0x1  }
0x2d: {  	_ =	swait.ge @!p0 [sflag:s0], s1  }
0x2e: {  	s1 =	ssub.s32 @!p0 $0x0, s1;
	[sflag:s0] =	ssyncset.done @!p0 $0x0  }
0x2f: {  	[sflag:s0] =	ssyncadd.s32 @!p0 s1  }
0x30: {  	[bflag:$0x3] =	sbarrier.arrive $0xFFFF  }
0x31: {  	_ =	shalt  }

// kernel: kernel.20.cloned.1.call-start
scs
__scs_entry_jumppad:
0x0: {  	(pc) =	sbr.rel $0x88, $3  }
0x1: {  	(tag) =	ssettag $0x0;
	lr =	simm.s32 $0x1  }
0x2: {  	[smem:$0x3F71] =	sst lr;
	_ =	strace $0xD0000000  }
0x3: {  	_ = 	snop  }
0x4: {  	_ = 	snop  }
0x5: {  	_ = 	snop  }
0x6: {  	_ = 	snop  }
0x7: {  	_ = 	snop  }
__scs_overlays_trampoline_lowered:
0x8: {  	[smem:$0x3F80] =	sst s0  }
0x9: {  	[smem:$0x3F81] =	sst s1  }
0xa: {  	[smem:$0x3F82] =	sst s2  }
0xb: {  	[smem:$0x3F83] =	sst s3  }
0xc: {  	[smem:$0x3F84] =	sst s4  }
0xd: {  	[smem:$0x3F85] =	sst s5  }
0xe: {  	[smem:$0x3F86] =	sst s6  }
0xf: {  	[smem:$0x3F87] =	sst s7  }
0x10: {  	[smem:$0x3F88] =	sst s8  }
0x11: {  	[smem:$0x3F89] =	sst s9;
	s0 =	simm.s32 @!p0 $0x0  }
0x12: {  	s1 =	sld [smem:$0x3F6F];
	s0 =	simm.s32 @p0 $0x1  }
0x13: {  	[smem:$0x3F8A] =	sst s0;
	s0 =	simm.s32 @!p1 $0x0  }
0x14: {  	s2 =	sld [smem:$0x3F6E];
	s0 =	simm.s32 @p1 $0x1  }
0x15: {  	[smem:$0x3F8B] =	sst s0;
	s0 =	simm.s32 @!p2 $0x0  }
0x16: {  	s3 =	sld [smem:$0x3FDB];
	s0 =	simm.s32 @p2 $0x1  }
0x17: {  	s4 =	simm.s32 $0x1BF5;
	[smem:$0x3F8D] =	sst s0  }
0x18: {  	s0 =	sld [smem:$0x3F70];
	_ =	swait.ge [sflag:s4], $0x0  }
0x19: {  	s7 =	sld [smem:$0x3F71]  }
0x1a: {  	s8 =	sadd.s32 $0xFFFFE003, lr  }
0x1b: {  	s9 =	sadd.s32 $0xFFFFFEF7, lr;
	s5 =	simm.s32 $0xFFFFFFFF;
	p2 =	slt.u32 s8, $0xFFFFF086  }
0x1c: {  	p1 =	slt.u32 s9, $0xF7A;
	s5 =	simm.s32 @!p2 $0x0  }
0x1d: {  	s5 =	simm.s32 @p1 $0x1;
	p0 =	seq.s32 s7, s2  }
0x1e: {  	s7 =	smul.u32 @!p0 $0xF7A, s2;
	p2 =	seq.s32 @!p0 s5, $0x0  }
0x1f: {  	s9 =	smul.u32 $0xF7A, s1;
	s8 =	simm.s32 @!p0 $0x1BF5;
	p2 =	por !p2, p0  }
0x20: {  	[sflag:s8] =	ssyncset.s32 @!p0 $0xFFFFF086;
	s6 =	sadd.s32 @!p0 s3, s7;
	s7 =	simm.s32 @!p0 $0x108  }
0x21: {  	s3 =	sadd.s32 s3, s9;
	s6 =	sadd.s32 @!p0 $0x88, s6;
	s7 =	simm.s32 @p2 $0x1082  }
0x22: {  	[simem:s7], [sflag:s8] =	dma.local @!p0 [hbm:s6], $0xF7A  }
0x23: {  	s9 =	sor.u32 $0xD0000000, s2;
	s6 =	simm.s32 $0x108;
	_ =	swait.ge @!p0 [sflag:s8], $0x0  }
0x24: {  	s3 =	sadd.s32 $0x88, s3;
	s6 =	simm.s32 @!p1 $0x1082;
	[sflag:s4] =	ssyncset.s32 $0xFFFFF086  }
0x25: {  	[simem:s6], [sflag:s4] =	dma.local [hbm:s3], $0xF7A  }
0x26: {  	[smem:$0x3F71] =	sst s1;
	(tag) =	ssettag s2;
	_ =	strace s9  }
0x27: {  	s1 =	sld [smem:$0x3F81]  }
0x28: {  	s2 =	sld [smem:$0x3F82]  }
0x29: {  	s4 =	sld [smem:$0x3F84]  }
0x2a: {  	p0 =	seq.s32 s5, $0x0;
	s5 =	sld [smem:$0x3F85]  }
0x2b: {  	s6 =	sld [smem:$0x3F86]  }
0x2c: {  	s7 =	sld [smem:$0x3F87]  }
0x2d: {  	s3 =	simm.s32 $0x108;
	s8 =	sld [smem:$0x3F88]  }
0x2e: {  	s3 =	simm.s32 @!p0 $0x1082;
	s9 =	sld [smem:$0x3F89]  }
0x2f: {  	lr =	sadd.s32 s0, s3;
	s0 =	sld [smem:$0x3F80]  }
0x30: {  	s3 =	sld [smem:$0x3F83]  }
0x31: {  	[smem:$0x3F8C] =	sst s10  }
0x32: {  	s10 =	sld [smem:$0x3F8A];
	_ =	sdelay $0x3  }
0x33: {  	p0 =	seq.s32 s10, $0x1;
	s10 =	sld [smem:$0x3F8C];
	_ =	sdelay $0x3  }
0x34: {  	[smem:$0x3F8C] =	sst s10  }
0x35: {  	s10 =	sld [smem:$0x3F8B];
	_ =	sdelay $0x3  }
0x36: {  	p1 =	seq.s32 s10, $0x1;
	s10 =	sld [smem:$0x3F8C];
	_ =	sdelay $0x3  }
0x37: {  	[smem:$0x3F8C] =	sst s10  }
0x38: {  	s10 =	sld [smem:$0x3F8D]  }
0x39: {  	_ = 	snop;
	(pc) =	sbr.ind lr, $3  }
0x3a: {  	_ = 	snop  }
0x3b: {  	_ = 	snop  }
0x3c: {  	p2 =	seq.s32 s10, $0x1;
	s10 =	sld [smem:$0x3F8C]  }
0x3d: {  	_ =	shalt  }
0x3e: {  	_ =	shalt  }
0x3f: {  	_ =	shalt  }
0x40: {  	_ =	shalt  }
0x41: {  	_ =	shalt  }
0x42: {  	_ =	shalt  }
0x43: {  	_ =	shalt  }
0x44: {  	_ =	shalt  }
0x45: {  	_ =	shalt  }
0x46: {  	_ =	shalt  }
0x47: {  	_ =	shalt  }
0x48: {  	_ =	shalt  }
0x49: {  	_ =	shalt  }
0x4a: {  	_ =	shalt  }
0x4b: {  	_ =	shalt  }
0x4c: {  	_ =	shalt  }
0x4d: {  	_ =	shalt  }
0x4e: {  	_ =	shalt  }
0x4f: {  	_ =	shalt  }
0x50: {  	_ =	shalt  }
0x51: {  	_ =	shalt  }
0x52: {  	_ =	shalt  }
0x53: {  	_ =	shalt  }
0x54: {  	_ =	shalt  }
0x55: {  	_ =	shalt  }
0x56: {  	_ =	shalt  }
0x57: {  	_ =	shalt  }
0x58: {  	_ =	shalt  }
0x59: {  	_ =	shalt  }
0x5a: {  	_ =	shalt  }
0x5b: {  	_ =	shalt  }
0x5c: {  	_ =	shalt  }
0x5d: {  	_ =	shalt  }
0x5e: {  	_ =	shalt  }
0x5f: {  	_ =	shalt  }
0x60: {  	_ =	shalt  }
0x61: {  	_ =	shalt  }
0x62: {  	_ =	shalt  }
0x63: {  	_ =	shalt  }
0x64: {  	_ =	shalt  }
0x65: {  	_ =	shalt  }
0x66: {  	_ =	shalt  }
0x67: {  	_ =	shalt  }
0x68: {  	_ =	shalt  }
0x69: {  	_ =	shalt  }
0x6a: {  	_ =	shalt  }
0x6b: {  	_ =	shalt  }
0x6c: {  	_ =	shalt  }
0x6d: {  	_ =	shalt  }
0x6e: {  	_ =	shalt  }
0x6f: {  	_ =	shalt  }
0x70: {  	_ =	shalt  }
0x71: {  	_ =	shalt  }
0x72: {  	_ =	shalt  }
0x73: {  	_ =	shalt  }
0x74: {  	_ =	shalt  }
0x75: {  	_ =	shalt  }
0x76: {  	_ =	shalt  }
0x77: {  	_ =	shalt  }
0x78: {  	_ =	shalt  }
0x79: {  	_ =	shalt  }
0x7a: {  	_ =	shalt  }
0x7b: {  	_ =	shalt  }
0x7c: {  	_ =	shalt  }
0x7d: {  	_ =	shalt  }
0x7e: {  	_ =	shalt  }
0x7f: {  	_ =	shalt  }
0x80: {  	_ =	shalt  }
0x81: {  	_ =	shalt  }
0x82: {  	_ =	shalt  }
0x83: {  	_ =	shalt  }
0x84: {  	_ =	shalt  }
0x85: {  	_ =	shalt  }
0x86: {  	_ =	shalt  }
0x87: {  	_ =	shalt  }
.Lfunc_end0:
.L_simem_size_0:
called_computation.1_lowered:
.L_overlay_start_0:
0x88: {  	s2 =	sld [smem:$0x3FD9]  }
0x89: {  	s3 =	sld [smem:$0x3FFE];
	_ =	sdelay $0x1  }
0x8a: {  	s1 =	srdreg.scid  }
0x8b: {  	s0 =	sand.u32 $0x1, s1  }
0x8c: {  	s16 =	sshll.u32 s0, $0xA;
	s2 =	sadd.s32 s3, s2  }
0x8d: {  	s2 =	sadd.s32 s2, s16  }
0x8e: {  	[smem:$0x3F98] =	sst s2  }
0x8f: {  	_ = 	snop  }
0x90: {  	(tm) =	ssettm $0x1  }
0x91: {  	s17 =	sld [smem:$0x3FFB];
	_ =	sdelay $0x3  }
0x92: {  	_ =	strace s17  }
0x93: {  	s2 =	sld [smem:$0x3FFC];
	_ =	sdelay $0x3  }
0x94: {  	_ =	strace s2  }
0x95: {  	s2 =	sld [smem:$0x3FFD];
	_ =	sdelay $0x3  }
0x96: {  	_ =	strace s2  }
0x97: {  	_ =	strace $0x8FFFFFFF  }
0x98: {  	s18 =	sld [smem:$0x3FDB];
	_ =	sdelay $0x1  }
0x99: {  	s19 =	simm.s32 $_scs_section_size  }
0x9a: {  	s4 =	simm.s32 $_size__tile_overlayer_lowered;
	s5 =	simm.s32 $_tile_overlayer_lowered  }
0x9b: {  	s22 =	simm.s32 $0x1BFF;
	s21 =	sshll.u32 s5, $0x1;
	s2 =	sadd.s32 s19, s18  }
0x9c: {  	s6 =	simm.s32 $0x0;
	s20 =	sshll.u32 s4, $0x1;
	s4 =	sadd.s32 s21, s2  }
0x9d: {  	[timem:s6], [sflag:s22] =	dma.local [hbm:s4], s20  }
0x9e: {  	_ =	swait.ge [sflag:s22], s20  }
0x9f: {  	s3 =	ssub.s32 $0x0, s20;
	[sflag:s22] =	ssyncset.done $0x0  }
0xa0: {  	[sflag:s22] =	ssyncadd.s32 s3;
	_ =	sdelay $0x1  }
0xa1: {  	s23 =	simm.s32 $0x1B8B  }
0xa2: {  	_ =	swait.ge [sflag:s23], $0x1  }
0xa3: {  	[sflag:s23] =	ssyncset.done $0x0  }
0xa4: {  	s25 =	simm.s32 $0x1B8E;
	s24 =	sld [smem:$0x3FFE];
	[sflag:s23] =	ssyncadd.s32 $0xFFFFFFFF  }
0xa5: {  	s26 =	simm.s32 $execute0_lowered;
	[smem:$0x3FD2] =	sst s25  }
0xa6: {  	s4 =	sshll.u32 s26, $0x1;
	_ =	strace $0x80000049;
	[dreg:$0x1] =	wrdreg $0xFFFFFFFF  }
0xa7: {  	s28 =	simm.s32 $_size_execute0_lowered;
	s2 =	sadd.s32 s2, s4;
	[dreg:$0x0] =	wrdreg $0x0  }
0xa8: {  	s4 =	sshll.u32 s28, $0x1;
	[dreg:$0x2] =	wrdreg s2  }
0xa9: {  	[dreg:$0x3] =	wrdreg s4  }
0xaa: {  	[dreg:$0x4] =	wrdreg $0xC0  }
0xab: {  	_ =	task [dreg:s6], $0x5FFFF  }
0xac: {  	[dreg:$0x1] =	wrdreg $0xFFFFFFFF  }
0xad: {  	[dreg:$0x0] =	wrdreg $0x60  }
0xae: {  	[dreg:$0x2] =	wrdreg s24  }
0xaf: {  	[dreg:$0x3] =	wrdreg $0xBEC00  }
0xb0: {  	[dreg:$0x4] =	wrdreg $0x9  }
0xb1: {  	_ =	task.clear_ibuf [dreg:s6], $0x5FFFF;
	_ =	strace $0x90000049  }
0xb2: {  	s29 =	simm.s32 $0x9;
	_ =	strace $0x8000004B  }
0xb3: {  	_ =	swait.ge [sflag:s29], $0x1  }
0xb4: {  	[sflag:s29] =	ssyncadd.s32 $0xFFFFFFFF  }
0xb5: {  	_ =	strace $0x9000004B  }
0xb6: {  	_ =	sfence  }
0xb7: {  	s30 =	sld [smem:$0x0];
	_ =	sdelay $0x2  }
0xb8: {  	s31 =	sshll.u32 s1, $0xD;
	s1 =	sshrl.u32 s1, $0x2  }
0xb9: {  	s3 =	sand.u32 $0x4000, s31;
	s1 =	sadd.s32 s1, s30  }
0xba: {  	s0 =	sor.u32 s3, s0;
	s1 =	sshll.u32 s1, $0x11  }
0xbb: {  	s0 =	sor.u32 s1, s0  }
0xbc: {  	s0 =	sadd.s32 $0x8F2B, s0  }
0xbd: {  	[sflag:s0] =	ssyncadd.remote.s32 $0x1  }
0xbe: {  	_ =	sfence.sel $0xFFFF  }
0xbf: {  	[dreg:$0x0] =	wrdreg $0xFFFFFFFF;
	(pc) =	sbr.abs _section_cstart, $3  }
0xc0: {  	[dreg:$0x1] =	wrdreg $0xFFFFFFFF  }
0xc1: {  	_ =	task.clear_ibuf [dreg:s6], $0x2FFFF;
	_ =	strace $0x9FFFFFFF  }
0xc2: {  	(tm) =	ssettm $0x7FFFFFFF  }
0xc3: {  	_ =	shalt  }
tec
execute0_lowered:
.L_overlay_start_1:
0x0: {  	(tag) =	ssettag $0x1  }
0x1: {  	s0 =	srdreg.scid;
	s5 =	rddreg [dreg:$0x0]  }
0x2: {  	s2 =	rddreg [dreg:$0x1];
	s3 =	simm.s32 $0x0;
	s11 =	simm.s32 $0x2760  }
0x3: {  	s14 =	simm.s32 $0x70;
	s15 =	simm.s32 $0x4EC0;
	s16 =	simm.s32 $0x86C0  }
0x4: {  	s17 =	simm.s32 $0x1;
	s18 =	simm.s32 $0x3;
	s19 =	simm.s32 $0x2  }
0x5: {  	s20 =	simm.s32 $0x4;
	s21 =	simm.s32 $0x4DE0;
	s22 =	simm.s32 $0x4E50  }
0x6: {  	s23 =	simm.s32 $0x0;
	s4 =	sand.u32 $0x1, s0;
	s0 =	stileid.u32  }
0x7: {  	[smem:$0x7FF] =	sst s3;
	s1 =	sshll.u32 s4, $0x4;
	s7 =	smul.u32 $0x13B00, s0  }
0x8: {  	s8 =	smul.u32 $0x13B000, s4;
	s9 =	ssub.s32 $0x2, s4;
	s4 =	sadd.s32 $0x45800, s5  }
0x9: {  	s12 =	sshll.u32 s0, $0x6;
	s1 =	sor.u32 s0, s1;
	s10 =	sshrl.u32 s9, $0x1  }
0xa: {  	s12 =	sor.u32 $0x1C05, s12;
	s6 =	smul.u32 $0x4EC, s1;
	s1 =	rddreg [dreg:$0x2]  }
0xb: {  	_ =	strace $0x8000004A;
	s8 =	sadd.s32 s7, s8;
	s9 =	ssub.s32 s9, s10  }
0xc: {  	s13 =	sadd.s32 s7, s2;
	s7 =	sshrl.u32 s7, $0x3;
	s10 =	simm.s32 $0x5  }
0xd: {  	s8 =	sshrl.u32 s8, $0x3;
	s7 =	sadd.s32 s4, s7;
	s9 =	smax.u32 s9, $0x1  }
0xe: {  	s13 =	sshrl.u32 s13, $0x3;
	s6 =	sadd.s32 s6, s5;
	s8 =	sadd.s32 s8, s5  }
0xf: {  	s5 =	sadd.s32 $0x14400, s6;
	s6 =	sadd.s32 $0xA600, s6;
	s8 =	sadd.s32 $0x6CE00, s8  }
.LBB2_1:
0x10: {  	[tilespmem:s3], [sflag:$0x5] =	stream.linear.gather [hbm4b:s5+s3], $0x2760, $0x38;
	[tilespmem:$0x1F9C0] =	vst v63  }
0x11: {  	_ =	swait.ge [sflag:s10], $0x2760  }
0x12: {  	[sflag:s10] =	ssyncset.done $0x0  }
0x13: {  	[sflag:s10] =	ssyncadd.s32 $0xFFFFD8A0  }
0x14: {  	[tilespmem:s11], [sflag:$0x5] =	stream.linear.gather [hbm4b:s6+s3], $0x2760, $0x38;
	[tilespmem:$0x1F9C0] =	vst v63  }
0x15: {  	_ =	swait.ge [sflag:s10], $0x2760  }
0x16: {  	[sflag:s10] =	ssyncset.done $0x0  }
0x17: {  	[sflag:s10] =	ssyncadd.s32 $0xFFFFD8A0  }
0x18: {  	[spmem:s13], [sflag:s12] =	dma.local [hbm:s7], $0x2760  }
0x19: {  	_ =	swait.ge [sflag:s10], $0x2760  }
0x1a: {  	[sflag:s10] =	ssyncset.done $0x0  }
0x1b: {  	[sflag:s10] =	ssyncadd.s32 $0xFFFFD8A0  }
0x1c: {  	[bflag:$0x0] =	sbarrier.arrive $0xFFFF  }
0x1d: {  	[tilespmem:s15], [sflag:$0x1] =	stream.indirect.gather [hbm4b:s4+s14], $0x80, s3, s14, $0xb8;
	[tilespmem:$0x1F9C0] =	vst v63  }
0x1e: {  	_ = 	snop  }
0x1f: {  	[tilespmem:s16], [sflag:$0x2] =	stream.indirect.gather [hbm4b:s4+s14], $0x80, s14, s14, $0xb8;
	[tilespmem:$0x1F9C0] =	vst v63  }
0x20: {  	_ =	swait.ge [sflag:s17], $0x3800  }
0x21: {  	[sflag:s17] =	ssyncset.done $0x0  }
0x22: {  	s24 =	simm.s32 $0x2760;
	[sflag:s17] =	ssyncadd.s32 $0xFFFFC800  }
0x23: {  	[spmem:s2] =	stream.indirect.scatter.add.f32 [tilespmem:s15], [sflag:$0x3], $0x80, s24, s14, $0xb8;
	[tilespmem:$0x1F9C0] =	vst v63  }
0x24: {  	_ =	swait.ge [sflag:s18], $0x3800  }
0x25: {  	[sflag:s18] =	ssyncset.done $0x0  }
0x26: {  	s30 =	simm.s32 $0xE0;
	[sflag:s18] =	ssyncadd.s32 $0xFFFFC800  }
0x27: {  	[tilespmem:s15], [sflag:$0x1] =	stream.indirect.gather [hbm4b:s4+s14], $0x80, s30, s14, $0xb8;
	[tilespmem:$0x1F9C0] =	vst v63  }
0x28: {  	_ =	swait.ge [sflag:s19], $0x3800  }
0x29: {  	[sflag:s19] =	ssyncset.done $0x0  }
0x2a: {  	s31 =	simm.s32 $0x27D0;
	[sflag:s19] =	ssyncadd.s32 $0xFFFFC800  }
0x2b: {  	[spmem:s2] =	stream.indirect.scatter.add.f32 [tilespmem:s16], [sflag:$0x4], $0x80, s31, s14, $0xb8;
	[tilespmem:$0x1F9C0] =	vst v63  }
0x2c: {  	_ =	swait.ge [sflag:s20], $0x3800  }
0x2d: {  	[sflag:s20] =	ssyncset.done $0x0  }
0x2e: {  	s25 =	simm.s32 $0x150;
	s24 =	simm.s32 $0x380;
	[sflag:s20] =	ssyncadd.s32 $0xFFFFC800  }
.LBB2_2:
0x2f: {  	[tilespmem:s16], [sflag:$0x2] =	stream.indirect.gather [hbm4b:s4+s14], $0x80, s25, s14, $0xb8;
	[tilespmem:$0x1F9C0] =	vst v63  }
0x30: {  	s25 =	smov.u32 s24  }
0x31: {  	p0 =	sne.s32 s24, $0x9680;
	s24 =	sadd.s32 $0x380, s24;
	_ =	swait.ge [sflag:s17], $0x3800  }
0x32: {  	s25 =	sshra.s32 s25, $0x2;
	[sflag:s17] =	ssyncset.done $0x0  }
0x33: {  	s26 =	sadd.s32 $0x2760, s25;
	[sflag:s17] =	ssyncadd.s32 $0xFFFFC800  }
0x34: {  	[spmem:s2] =	stream.indirect.scatter.add.f32 [tilespmem:s15], [sflag:$0x3], $0x80, s26, s14, $0xb8;
	[tilespmem:$0x1F9C0] =	vst v63  }
0x35: {  	_ =	swait.ge [sflag:s18], $0x3800  }
0x36: {  	[sflag:s18] =	ssyncset.done $0x0  }
0x37: {  	s26 =	sadd.s32 $0xE0, s25;
	[sflag:s18] =	ssyncadd.s32 $0xFFFFC800  }
0x38: {  	[tilespmem:s15], [sflag:$0x1] =	stream.indirect.gather [hbm4b:s4+s14], $0x80, s26, s14, $0xb8;
	[tilespmem:$0x1F9C0] =	vst v63  }
0x39: {  	_ =	swait.ge [sflag:s19], $0x3800  }
0x3a: {  	[sflag:s19] =	ssyncset.done $0x0  }
.Ltmp0:
0x3b: {  	s26 =	sadd.s32 $0x27D0, s25;
	[sflag:s19] =	ssyncadd.s32 $0xFFFFC800;
	(pc) =	sbr.rel @p0 .LBB2_2-.Ltmp0, $4  }
0x3c: {  	[spmem:s2] =	stream.indirect.scatter.add.f32 [tilespmem:s16], [sflag:$0x4], $0x80, s26, s14, $0xb8;
	[tilespmem:$0x1F9C0] =	vst v63  }
0x3d: {  	_ =	swait.ge [sflag:s20], $0x3800  }
0x3e: {  	[sflag:s20] =	ssyncset.done $0x0  }
0x3f: {  	s25 =	sadd.s32 $0x150, s25;
	[sflag:s20] =	ssyncadd.s32 $0xFFFFC800  }
0x40: {  	[tilespmem:s16], [sflag:$0x2] =	stream.indirect.gather [hbm4b:s4+s14], $0x80, s25, s14, $0xb8;
	[tilespmem:$0x1F9C0] =	vst v63  }
0x41: {  	_ =	swait.ge [sflag:s17], $0x3800  }
0x42: {  	[sflag:s17] =	ssyncset.done $0x0  }
0x43: {  	[sflag:s17] =	ssyncadd.s32 $0xFFFFC800  }
0x44: {  	[spmem:s2] =	stream.indirect.scatter.add.f32 [tilespmem:s15], [sflag:$0x3], $0x80, s21, s14, $0xb8;
	[tilespmem:$0x1F9C0] =	vst v63  }
0x45: {  	_ =	swait.ge [sflag:s19], $0x3800  }
0x46: {  	[sflag:s19] =	ssyncset.done $0x0  }
0x47: {  	[sflag:s19] =	ssyncadd.s32 $0xFFFFC800  }
0x48: {  	[spmem:s2] =	stream.indirect.scatter.add.f32 [tilespmem:s16], [sflag:$0x4], $0x80, s22, s14, $0xb8;
	[tilespmem:$0x1F9C0] =	vst v63  }
0x49: {  	_ =	swait.ge [sflag:s18], $0x3800  }
0x4a: {  	[sflag:s18] =	ssyncset.done $0x0  }
0x4b: {  	[sflag:s18] =	ssyncadd.s32 $0xFFFFC800  }
0x4c: {  	_ =	swait.ge [sflag:s20], $0x3800  }
0x4d: {  	s23 =	sadd.s32 $0x1, s23;
	[sflag:s20] =	ssyncset.done $0x0  }
0x4e: {  	p0 =	sne.s32 s23, s9;
	[sflag:s20] =	ssyncadd.s32 $0xFFFFC800  }
.Ltmp1:
0x4f: {  	[bflag:$0x0] =	sbarrier.arrive $0xFFFF;
	(pc) =	sbr.rel @p0 .LBB2_1-.Ltmp1, $4  }
0x50: {  	[hbm:s8], [sflag:s12] =	dma.local [spmem:s13], $0x2760  }
0x51: {  	_ =	swait.ge [sflag:s10], $0x2760  }
0x52: {  	[sflag:s10] =	ssyncset.done $0x0  }
0x53: {  	[sflag:s10] =	ssyncadd.s32 $0xFFFFD8A0  }
0x54: {  	_ =	sfence.sel $0x180000  }
0x55: {  	[bflag:$0x0] =	sbarrier.arrive $0xFFFF  }
0x56: {  	p0 =	sne.s32 s0, $0x0;
	_ =	strace $0x9000004A  }
0x57: {  	s0 =	sadd.s32 @!p0 $0x100000, s1;
	[bflag:$0x2] =	sbarrier.arrive $0xFFFF  }
0x58: {  	[sflag:s0] =	ssyncadd.tile.s32 @!p0 $0x1;
	_ =	shalt  }
.Lfunc_end2:
_tile_overlayer_lowered:
.L_overlay_start_2:
0x59: {  	(tag) =	ssettag $0x2  }
0x5a: {  	s0 =	rddreg [dreg:$0x0];
	s2 =	stileid.u32  }
0x5b: {  	s1 =	rddreg [dreg:$0x1];
	p0 =	sne.s32 s2, $0x0  }
0x5c: {  	s3 =	rddreg [dreg:$0x2];
	[bflag:$0x3] =	sbarrier.arrive $0xFFFF;
	s2 =	simm.s32 @!p0 $0x1C05  }
0x5d: {  	[timem:s3], [sflag:s2] =	dma.local @!p0 [hbm:s0], s1  }
0x5e: {  	s0 =	simm.s32 @!p0 $0x5  }
0x5f: {  	_ =	swait.ge @!p0 [sflag:s0], s1  }
0x60: {  	s1 =	ssub.s32 @!p0 $0x0, s1;
	[sflag:s0] =	ssyncset.done @!p0 $0x0  }
0x61: {  	[sflag:s0] =	ssyncadd.s32 @!p0 s1  }
0x62: {  	[bflag:$0x3] =	sbarrier.arrive $0xFFFF  }
0x63: {  	_ =	shalt  }

// kernel: kernel.23.cloned.1.call-start
scs
__scs_entry_jumppad:
0x0: {  	(pc) =	sbr.rel $0x88, $3  }
0x1: {  	(tag) =	ssettag $0x0;
	lr =	simm.s32 $0x1  }
0x2: {  	[smem:$0x3F71] =	sst lr;
	_ =	strace $0xD0000000  }
0x3: {  	_ = 	snop  }
0x4: {  	_ = 	snop  }
0x5: {  	_ = 	snop  }
0x6: {  	_ = 	snop  }
0x7: {  	_ = 	snop  }
__scs_overlays_trampoline_lowered:
0x8: {  	[smem:$0x3F80] =	sst s0  }
0x9: {  	[smem:$0x3F81] =	sst s1  }
0xa: {  	[smem:$0x3F82] =	sst s2  }
0xb: {  	[smem:$0x3F83] =	sst s3  }
0xc: {  	[smem:$0x3F84] =	sst s4  }
0xd: {  	[smem:$0x3F85] =	sst s5  }
0xe: {  	[smem:$0x3F86] =	sst s6  }
0xf: {  	[smem:$0x3F87] =	sst s7  }
0x10: {  	[smem:$0x3F88] =	sst s8  }
0x11: {  	[smem:$0x3F89] =	sst s9;
	s0 =	simm.s32 @!p0 $0x0  }
0x12: {  	s1 =	sld [smem:$0x3F6F];
	s0 =	simm.s32 @p0 $0x1  }
0x13: {  	[smem:$0x3F8A] =	sst s0;
	s0 =	simm.s32 @!p1 $0x0  }
0x14: {  	s2 =	sld [smem:$0x3F6E];
	s0 =	simm.s32 @p1 $0x1  }
0x15: {  	[smem:$0x3F8B] =	sst s0;
	s0 =	simm.s32 @!p2 $0x0  }
0x16: {  	s3 =	sld [smem:$0x3FDB];
	s0 =	simm.s32 @p2 $0x1  }
0x17: {  	s4 =	simm.s32 $0x1BF5;
	[smem:$0x3F8D] =	sst s0  }
0x18: {  	s0 =	sld [smem:$0x3F70];
	_ =	swait.ge [sflag:s4], $0x0  }
0x19: {  	s7 =	sld [smem:$0x3F71]  }
0x1a: {  	s8 =	sadd.s32 $0xFFFFE003, lr  }
0x1b: {  	s9 =	sadd.s32 $0xFFFFFEF7, lr;
	s5 =	simm.s32 $0xFFFFFFFF;
	p2 =	slt.u32 s8, $0xFFFFF086  }
0x1c: {  	p1 =	slt.u32 s9, $0xF7A;
	s5 =	simm.s32 @!p2 $0x0  }
0x1d: {  	s5 =	simm.s32 @p1 $0x1;
	p0 =	seq.s32 s7, s2  }
0x1e: {  	s7 =	smul.u32 @!p0 $0xF7A, s2;
	p2 =	seq.s32 @!p0 s5, $0x0  }
0x1f: {  	s9 =	smul.u32 $0xF7A, s1;
	s8 =	simm.s32 @!p0 $0x1BF5;
	p2 =	por !p2, p0  }
0x20: {  	[sflag:s8] =	ssyncset.s32 @!p0 $0xFFFFF086;
	s6 =	sadd.s32 @!p0 s3, s7;
	s7 =	simm.s32 @!p0 $0x108  }
0x21: {  	s3 =	sadd.s32 s3, s9;
	s6 =	sadd.s32 @!p0 $0x88, s6;
	s7 =	simm.s32 @p2 $0x1082  }
0x22: {  	[simem:s7], [sflag:s8] =	dma.local @!p0 [hbm:s6], $0xF7A  }
0x23: {  	s9 =	sor.u32 $0xD0000000, s2;
	s6 =	simm.s32 $0x108;
	_ =	swait.ge @!p0 [sflag:s8], $0x0  }
0x24: {  	s3 =	sadd.s32 $0x88, s3;
	s6 =	simm.s32 @!p1 $0x1082;
	[sflag:s4] =	ssyncset.s32 $0xFFFFF086  }
0x25: {  	[simem:s6], [sflag:s4] =	dma.local [hbm:s3], $0xF7A  }
0x26: {  	[smem:$0x3F71] =	sst s1;
	(tag) =	ssettag s2;
	_ =	strace s9  }
0x27: {  	s1 =	sld [smem:$0x3F81]  }
0x28: {  	s2 =	sld [smem:$0x3F82]  }
0x29: {  	s4 =	sld [smem:$0x3F84]  }
0x2a: {  	p0 =	seq.s32 s5, $0x0;
	s5 =	sld [smem:$0x3F85]  }
0x2b: {  	s6 =	sld [smem:$0x3F86]  }
0x2c: {  	s7 =	sld [smem:$0x3F87]  }
0x2d: {  	s3 =	simm.s32 $0x108;
	s8 =	sld [smem:$0x3F88]  }
0x2e: {  	s3 =	simm.s32 @!p0 $0x1082;
	s9 =	sld [smem:$0x3F89]  }
0x2f: {  	lr =	sadd.s32 s0, s3;
	s0 =	sld [smem:$0x3F80]  }
0x30: {  	s3 =	sld [smem:$0x3F83]  }
0x31: {  	[smem:$0x3F8C] =	sst s10  }
0x32: {  	s10 =	sld [smem:$0x3F8A];
	_ =	sdelay $0x3  }
0x33: {  	p0 =	seq.s32 s10, $0x1;
	s10 =	sld [smem:$0x3F8C];
	_ =	sdelay $0x3  }
0x34: {  	[smem:$0x3F8C] =	sst s10  }
0x35: {  	s10 =	sld [smem:$0x3F8B];
	_ =	sdelay $0x3  }
0x36: {  	p1 =	seq.s32 s10, $0x1;
	s10 =	sld [smem:$0x3F8C];
	_ =	sdelay $0x3  }
0x37: {  	[smem:$0x3F8C] =	sst s10  }
0x38: {  	s10 =	sld [smem:$0x3F8D]  }
0x39: {  	_ = 	snop;
	(pc) =	sbr.ind lr, $3  }
0x3a: {  	_ = 	snop  }
0x3b: {  	_ = 	snop  }
0x3c: {  	p2 =	seq.s32 s10, $0x1;
	s10 =	sld [smem:$0x3F8C]  }
0x3d: {  	_ =	shalt  }
0x3e: {  	_ =	shalt  }
0x3f: {  	_ =	shalt  }
0x40: {  	_ =	shalt  }
0x41: {  	_ =	shalt  }
0x42: {  	_ =	shalt  }
0x43: {  	_ =	shalt  }
0x44: {  	_ =	shalt  }
0x45: {  	_ =	shalt  }
0x46: {  	_ =	shalt  }
0x47: {  	_ =	shalt  }
0x48: {  	_ =	shalt  }
0x49: {  	_ =	shalt  }
0x4a: {  	_ =	shalt  }
0x4b: {  	_ =	shalt  }
0x4c: {  	_ =	shalt  }
0x4d: {  	_ =	shalt  }
0x4e: {  	_ =	shalt  }
0x4f: {  	_ =	shalt  }
0x50: {  	_ =	shalt  }
0x51: {  	_ =	shalt  }
0x52: {  	_ =	shalt  }
0x53: {  	_ =	shalt  }
0x54: {  	_ =	shalt  }
0x55: {  	_ =	shalt  }
0x56: {  	_ =	shalt  }
0x57: {  	_ =	shalt  }
0x58: {  	_ =	shalt  }
0x59: {  	_ =	shalt  }
0x5a: {  	_ =	shalt  }
0x5b: {  	_ =	shalt  }
0x5c: {  	_ =	shalt  }
0x5d: {  	_ =	shalt  }
0x5e: {  	_ =	shalt  }
0x5f: {  	_ =	shalt  }
0x60: {  	_ =	shalt  }
0x61: {  	_ =	shalt  }
0x62: {  	_ =	shalt  }
0x63: {  	_ =	shalt  }
0x64: {  	_ =	shalt  }
0x65: {  	_ =	shalt  }
0x66: {  	_ =	shalt  }
0x67: {  	_ =	shalt  }
0x68: {  	_ =	shalt  }
0x69: {  	_ =	shalt  }
0x6a: {  	_ =	shalt  }
0x6b: {  	_ =	shalt  }
0x6c: {  	_ =	shalt  }
0x6d: {  	_ =	shalt  }
0x6e: {  	_ =	shalt  }
0x6f: {  	_ =	shalt  }
0x70: {  	_ =	shalt  }
0x71: {  	_ =	shalt  }
0x72: {  	_ =	shalt  }
0x73: {  	_ =	shalt  }
0x74: {  	_ =	shalt  }
0x75: {  	_ =	shalt  }
0x76: {  	_ =	shalt  }
0x77: {  	_ =	shalt  }
0x78: {  	_ =	shalt  }
0x79: {  	_ =	shalt  }
0x7a: {  	_ =	shalt  }
0x7b: {  	_ =	shalt  }
0x7c: {  	_ =	shalt  }
0x7d: {  	_ =	shalt  }
0x7e: {  	_ =	shalt  }
0x7f: {  	_ =	shalt  }
0x80: {  	_ =	shalt  }
0x81: {  	_ =	shalt  }
0x82: {  	_ =	shalt  }
0x83: {  	_ =	shalt  }
0x84: {  	_ =	shalt  }
0x85: {  	_ =	shalt  }
0x86: {  	_ =	shalt  }
0x87: {  	_ =	shalt  }
.Lfunc_end0:
.L_simem_size_0:
called_computation.2_lowered:
.L_overlay_start_0:
0x88: {  	s2 =	sld [smem:$0x3FD9]  }
0x89: {  	s3 =	sld [smem:$0x3FFE];
	_ =	sdelay $0x1  }
0x8a: {  	s1 =	srdreg.scid  }
0x8b: {  	s0 =	sand.u32 $0x1, s1  }
0x8c: {  	s16 =	sshll.u32 s0, $0xA;
	s2 =	sadd.s32 s3, s2  }
0x8d: {  	s2 =	sadd.s32 s2, s16  }
0x8e: {  	[smem:$0x3F98] =	sst s2  }
0x8f: {  	_ = 	snop  }
0x90: {  	(tm) =	ssettm $0x1  }
0x91: {  	s17 =	sld [smem:$0x3FFB];
	_ =	sdelay $0x3  }
0x92: {  	_ =	strace s17  }
0x93: {  	s2 =	sld [smem:$0x3FFC];
	_ =	sdelay $0x3  }
0x94: {  	_ =	strace s2  }
0x95: {  	s2 =	sld [smem:$0x3FFD];
	_ =	sdelay $0x3  }
0x96: {  	_ =	strace s2  }
0x97: {  	_ =	strace $0x8FFFFFFF  }
0x98: {  	s18 =	sld [smem:$0x3FDB];
	_ =	sdelay $0x1  }
0x99: {  	s19 =	simm.s32 $_scs_section_size  }
0x9a: {  	s4 =	simm.s32 $_size__tile_overlayer_lowered;
	s5 =	simm.s32 $_tile_overlayer_lowered  }
0x9b: {  	s22 =	simm.s32 $0x1BFF;
	s21 =	sshll.u32 s5, $0x1;
	s2 =	sadd.s32 s19, s18  }
0x9c: {  	s6 =	simm.s32 $0x0;
	s20 =	sshll.u32 s4, $0x1;
	s4 =	sadd.s32 s21, s2  }
0x9d: {  	[timem:s6], [sflag:s22] =	dma.local [hbm:s4], s20  }
0x9e: {  	_ =	swait.ge [sflag:s22], s20  }
0x9f: {  	s3 =	ssub.s32 $0x0, s20;
	[sflag:s22] =	ssyncset.done $0x0  }
0xa0: {  	[sflag:s22] =	ssyncadd.s32 s3;
	_ =	sdelay $0x1  }
0xa1: {  	s23 =	simm.s32 $0x1B8B  }
0xa2: {  	_ =	swait.ge [sflag:s23], $0x1  }
0xa3: {  	[sflag:s23] =	ssyncset.done $0x0  }
0xa4: {  	s25 =	simm.s32 $0x1B8E;
	s24 =	sld [smem:$0x3FFE];
	[sflag:s23] =	ssyncadd.s32 $0xFFFFFFFF  }
0xa5: {  	s26 =	simm.s32 $execute0_lowered;
	[smem:$0x3FD2] =	sst s25  }
0xa6: {  	s4 =	sshll.u32 s26, $0x1;
	_ =	strace $0x8000004C;
	[dreg:$0x1] =	wrdreg $0xFFFFFFFF  }
0xa7: {  	s28 =	simm.s32 $_size_execute0_lowered;
	s2 =	sadd.s32 s2, s4;
	[dreg:$0x0] =	wrdreg $0x0  }
0xa8: {  	s4 =	sshll.u32 s28, $0x1;
	[dreg:$0x2] =	wrdreg s2  }
0xa9: {  	[dreg:$0x3] =	wrdreg s4  }
0xaa: {  	[dreg:$0x4] =	wrdreg $0xC0  }
0xab: {  	_ =	task [dreg:s6], $0x5FFFF  }
0xac: {  	[dreg:$0x1] =	wrdreg $0xFFFFFFFF  }
0xad: {  	[dreg:$0x0] =	wrdreg $0x60  }
0xae: {  	[dreg:$0x2] =	wrdreg s24  }
0xaf: {  	[dreg:$0x3] =	wrdreg $0xBEC00  }
0xb0: {  	[dreg:$0x4] =	wrdreg $0x9  }
0xb1: {  	_ =	task.clear_ibuf [dreg:s6], $0x5FFFF;
	_ =	strace $0x9000004C  }
0xb2: {  	s29 =	simm.s32 $0x9;
	_ =	strace $0x8000004E  }
0xb3: {  	_ =	swait.ge [sflag:s29], $0x1  }
0xb4: {  	[sflag:s29] =	ssyncadd.s32 $0xFFFFFFFF  }
0xb5: {  	_ =	strace $0x9000004E  }
0xb6: {  	_ =	sfence  }
0xb7: {  	s30 =	sld [smem:$0x0];
	_ =	sdelay $0x2  }
0xb8: {  	s31 =	sshll.u32 s1, $0xD;
	s1 =	sshrl.u32 s1, $0x2  }
0xb9: {  	s3 =	sand.u32 $0x4000, s31;
	s1 =	sadd.s32 s1, s30  }
0xba: {  	s0 =	sor.u32 s3, s0;
	s1 =	sshll.u32 s1, $0x11  }
0xbb: {  	s0 =	sor.u32 s1, s0  }
0xbc: {  	s0 =	sadd.s32 $0x8F2B, s0  }
0xbd: {  	[sflag:s0] =	ssyncadd.remote.s32 $0x1  }
0xbe: {  	_ =	sfence.sel $0xFFFF  }
0xbf: {  	[dreg:$0x0] =	wrdreg $0xFFFFFFFF;
	(pc) =	sbr.abs _section_cstart, $3  }
0xc0: {  	[dreg:$0x1] =	wrdreg $0xFFFFFFFF  }
0xc1: {  	_ =	task.clear_ibuf [dreg:s6], $0x2FFFF;
	_ =	strace $0x9FFFFFFF  }
0xc2: {  	(tm) =	ssettm $0x7FFFFFFF  }
0xc3: {  	_ =	shalt  }
tec
execute0_lowered:
.L_overlay_start_1:
0x0: {  	(tag) =	ssettag $0x1  }
0x1: {  	s0 =	srdreg.scid;
	s5 =	rddreg [dreg:$0x0]  }
0x2: {  	s2 =	rddreg [dreg:$0x1];
	s3 =	simm.s32 $0x0;
	s11 =	simm.s32 $0x2760  }
0x3: {  	s14 =	simm.s32 $0x70;
	s15 =	simm.s32 $0x4EC0;
	s16 =	simm.s32 $0x86C0  }
0x4: {  	s17 =	simm.s32 $0x1;
	s18 =	simm.s32 $0x3;
	s19 =	simm.s32 $0x2  }
0x5: {  	s20 =	simm.s32 $0x4;
	s21 =	simm.s32 $0x4DE0;
	s22 =	simm.s32 $0x4E50  }
0x6: {  	s23 =	simm.s32 $0x0;
	s4 =	sand.u32 $0x1, s0;
	s0 =	stileid.u32  }
0x7: {  	[smem:$0x7FF] =	sst s3;
	s1 =	sshll.u32 s4, $0x4;
	s7 =	smul.u32 $0x13B00, s0  }
0x8: {  	s8 =	smul.u32 $0x13B000, s4;
	s9 =	ssub.s32 $0x2, s4;
	s4 =	sadd.s32 $0x45800, s5  }
0x9: {  	s12 =	sshll.u32 s0, $0x6;
	s1 =	sor.u32 s0, s1;
	s10 =	sshrl.u32 s9, $0x1  }
0xa: {  	s12 =	sor.u32 $0x1C05, s12;
	s6 =	smul.u32 $0x4EC, s1;
	s1 =	rddreg [dreg:$0x2]  }
0xb: {  	_ =	strace $0x8000004D;
	s8 =	sadd.s32 s7, s8;
	s9 =	ssub.s32 s9, s10  }
0xc: {  	s13 =	sadd.s32 s7, s2;
	s7 =	sshrl.u32 s7, $0x3;
	s10 =	simm.s32 $0x5  }
0xd: {  	s8 =	sshrl.u32 s8, $0x3;
	s7 =	sadd.s32 s4, s7;
	s9 =	smax.u32 s9, $0x1  }
0xe: {  	s13 =	sshrl.u32 s13, $0x3;
	s6 =	sadd.s32 s6, s5;
	s8 =	sadd.s32 s8, s5  }
0xf: {  	s5 =	sadd.s32 $0x14400, s6;
	s6 =	sadd.s32 $0xA600, s6;
	s8 =	sadd.s32 $0x6CE00, s8  }
.LBB2_1:
0x10: {  	[tilespmem:s3], [sflag:$0x5] =	stream.linear.gather [hbm4b:s5+s3], $0x2760, $0x38;
	[tilespmem:$0x1F9C0] =	vst v63  }
0x11: {  	_ =	swait.ge [sflag:s10], $0x2760  }
0x12: {  	[sflag:s10] =	ssyncset.done $0x0  }
0x13: {  	[sflag:s10] =	ssyncadd.s32 $0xFFFFD8A0  }
0x14: {  	[tilespmem:s11], [sflag:$0x5] =	stream.linear.gather [hbm4b:s6+s3], $0x2760, $0x38;
	[tilespmem:$0x1F9C0] =	vst v63  }
0x15: {  	_ =	swait.ge [sflag:s10], $0x2760  }
0x16: {  	[sflag:s10] =	ssyncset.done $0x0  }
0x17: {  	[sflag:s10] =	ssyncadd.s32 $0xFFFFD8A0  }
0x18: {  	[spmem:s13], [sflag:s12] =	dma.local [hbm:s7], $0x2760  }
0x19: {  	_ =	swait.ge [sflag:s10], $0x2760  }
0x1a: {  	[sflag:s10] =	ssyncset.done $0x0  }
0x1b: {  	[sflag:s10] =	ssyncadd.s32 $0xFFFFD8A0  }
0x1c: {  	[bflag:$0x0] =	sbarrier.arrive $0xFFFF  }
0x1d: {  	[tilespmem:s15], [sflag:$0x1] =	stream.indirect.gather [hbm4b:s4+s14], $0x80, s3, s14, $0xb8;
	[tilespmem:$0x1F9C0] =	vst v63  }
0x1e: {  	_ = 	snop  }
0x1f: {  	[tilespmem:s16], [sflag:$0x2] =	stream.indirect.gather [hbm4b:s4+s14], $0x80, s14, s14, $0xb8;
	[tilespmem:$0x1F9C0] =	vst v63  }
0x20: {  	_ =	swait.ge [sflag:s17], $0x3800  }
0x21: {  	[sflag:s17] =	ssyncset.done $0x0  }
0x22: {  	s24 =	simm.s32 $0x2760;
	[sflag:s17] =	ssyncadd.s32 $0xFFFFC800  }
0x23: {  	[spmem:s2] =	stream.indirect.scatter.add.f32 [tilespmem:s15], [sflag:$0x3], $0x80, s24, s14, $0xb8;
	[tilespmem:$0x1F9C0] =	vst v63  }
0x24: {  	_ =	swait.ge [sflag:s18], $0x3800  }
0x25: {  	[sflag:s18] =	ssyncset.done $0x0  }
0x26: {  	s30 =	simm.s32 $0xE0;
	[sflag:s18] =	ssyncadd.s32 $0xFFFFC800  }
0x27: {  	[tilespmem:s15], [sflag:$0x1] =	stream.indirect.gather [hbm4b:s4+s14], $0x80, s30, s14, $0xb8;
	[tilespmem:$0x1F9C0] =	vst v63  }
0x28: {  	_ =	swait.ge [sflag:s19], $0x3800  }
0x29: {  	[sflag:s19] =	ssyncset.done $0x0  }
0x2a: {  	s31 =	simm.s32 $0x27D0;
	[sflag:s19] =	ssyncadd.s32 $0xFFFFC800  }
0x2b: {  	[spmem:s2] =	stream.indirect.scatter.add.f32 [tilespmem:s16], [sflag:$0x4], $0x80, s31, s14, $0xb8;
	[tilespmem:$0x1F9C0] =	vst v63  }
0x2c: {  	_ =	swait.ge [sflag:s20], $0x3800  }
0x2d: {  	[sflag:s20] =	ssyncset.done $0x0  }
0x2e: {  	s25 =	simm.s32 $0x150;
	s24 =	simm.s32 $0x380;
	[sflag:s20] =	ssyncadd.s32 $0xFFFFC800  }
.LBB2_2:
0x2f: {  	[tilespmem:s16], [sflag:$0x2] =	stream.indirect.gather [hbm4b:s4+s14], $0x80, s25, s14, $0xb8;
	[tilespmem:$0x1F9C0] =	vst v63  }
0x30: {  	s25 =	smov.u32 s24  }
0x31: {  	p0 =	sne.s32 s24, $0x9680;
	s24 =	sadd.s32 $0x380, s24;
	_ =	swait.ge [sflag:s17], $0x3800  }
0x32: {  	s25 =	sshra.s32 s25, $0x2;
	[sflag:s17] =	ssyncset.done $0x0  }
0x33: {  	s26 =	sadd.s32 $0x2760, s25;
	[sflag:s17] =	ssyncadd.s32 $0xFFFFC800  }
0x34: {  	[spmem:s2] =	stream.indirect.scatter.add.f32 [tilespmem:s15], [sflag:$0x3], $0x80, s26, s14, $0xb8;
	[tilespmem:$0x1F9C0] =	vst v63  }
0x35: {  	_ =	swait.ge [sflag:s18], $0x3800  }
0x36: {  	[sflag:s18] =	ssyncset.done $0x0  }
0x37: {  	s26 =	sadd.s32 $0xE0, s25;
	[sflag:s18] =	ssyncadd.s32 $0xFFFFC800  }
0x38: {  	[tilespmem:s15], [sflag:$0x1] =	stream.indirect.gather [hbm4b:s4+s14], $0x80, s26, s14, $0xb8;
	[tilespmem:$0x1F9C0] =	vst v63  }
0x39: {  	_ =	swait.ge [sflag:s19], $0x3800  }
0x3a: {  	[sflag:s19] =	ssyncset.done $0x0  }
.Ltmp0:
0x3b: {  	s26 =	sadd.s32 $0x27D0, s25;
	[sflag:s19] =	ssyncadd.s32 $0xFFFFC800;
	(pc) =	sbr.rel @p0 .LBB2_2-.Ltmp0, $4  }
0x3c: {  	[spmem:s2] =	stream.indirect.scatter.add.f32 [tilespmem:s16], [sflag:$0x4], $0x80, s26, s14, $0xb8;
	[tilespmem:$0x1F9C0] =	vst v63  }
0x3d: {  	_ =	swait.ge [sflag:s20], $0x3800  }
0x3e: {  	[sflag:s20] =	ssyncset.done $0x0  }
0x3f: {  	s25 =	sadd.s32 $0x150, s25;
	[sflag:s20] =	ssyncadd.s32 $0xFFFFC800  }
0x40: {  	[tilespmem:s16], [sflag:$0x2] =	stream.indirect.gather [hbm4b:s4+s14], $0x80, s25, s14, $0xb8;
	[tilespmem:$0x1F9C0] =	vst v63  }
0x41: {  	_ =	swait.ge [sflag:s17], $0x3800  }
0x42: {  	[sflag:s17] =	ssyncset.done $0x0  }
0x43: {  	[sflag:s17] =	ssyncadd.s32 $0xFFFFC800  }
0x44: {  	[spmem:s2] =	stream.indirect.scatter.add.f32 [tilespmem:s15], [sflag:$0x3], $0x80, s21, s14, $0xb8;
	[tilespmem:$0x1F9C0] =	vst v63  }
0x45: {  	_ =	swait.ge [sflag:s19], $0x3800  }
0x46: {  	[sflag:s19] =	ssyncset.done $0x0  }
0x47: {  	[sflag:s19] =	ssyncadd.s32 $0xFFFFC800  }
0x48: {  	[spmem:s2] =	stream.indirect.scatter.add.f32 [tilespmem:s16], [sflag:$0x4], $0x80, s22, s14, $0xb8;
	[tilespmem:$0x1F9C0] =	vst v63  }
0x49: {  	_ =	swait.ge [sflag:s18], $0x3800  }
0x4a: {  	[sflag:s18] =	ssyncset.done $0x0  }
0x4b: {  	[sflag:s18] =	ssyncadd.s32 $0xFFFFC800  }
0x4c: {  	_ =	swait.ge [sflag:s20], $0x3800  }
0x4d: {  	s23 =	sadd.s32 $0x1, s23;
	[sflag:s20] =	ssyncset.done $0x0  }
0x4e: {  	p0 =	sne.s32 s23, s9;
	[sflag:s20] =	ssyncadd.s32 $0xFFFFC800  }
.Ltmp1:
0x4f: {  	[bflag:$0x0] =	sbarrier.arrive $0xFFFF;
	(pc) =	sbr.rel @p0 .LBB2_1-.Ltmp1, $4  }
0x50: {  	[hbm:s8], [sflag:s12] =	dma.local [spmem:s13], $0x2760  }
0x51: {  	_ =	swait.ge [sflag:s10], $0x2760  }
0x52: {  	[sflag:s10] =	ssyncset.done $0x0  }
0x53: {  	[sflag:s10] =	ssyncadd.s32 $0xFFFFD8A0  }
0x54: {  	_ =	sfence.sel $0x180000  }
0x55: {  	[bflag:$0x0] =	sbarrier.arrive $0xFFFF  }
0x56: {  	p0 =	sne.s32 s0, $0x0;
	_ =	strace $0x9000004D  }
0x57: {  	s0 =	sadd.s32 @!p0 $0x100000, s1;
	[bflag:$0x2] =	sbarrier.arrive $0xFFFF  }
0x58: {  	[sflag:s0] =	ssyncadd.tile.s32 @!p0 $0x1;
	_ =	shalt  }
.Lfunc_end2:
_tile_overlayer_lowered:
.L_overlay_start_2:
0x59: {  	(tag) =	ssettag $0x2  }
0x5a: {  	s0 =	rddreg [dreg:$0x0];
	s2 =	stileid.u32  }
0x5b: {  	s1 =	rddreg [dreg:$0x1];
	p0 =	sne.s32 s2, $0x0  }
0x5c: {  	s3 =	rddreg [dreg:$0x2];
	[bflag:$0x3] =	sbarrier.arrive $0xFFFF;
	s2 =	simm.s32 @!p0 $0x1C05  }
0x5d: {  	[timem:s3], [sflag:s2] =	dma.local @!p0 [hbm:s0], s1  }
0x5e: {  	s0 =	simm.s32 @!p0 $0x5  }
0x5f: {  	_ =	swait.ge @!p0 [sflag:s0], s1  }
0x60: {  	s1 =	ssub.s32 @!p0 $0x0, s1;
	[sflag:s0] =	ssyncset.done @!p0 $0x0  }
0x61: {  	[sflag:s0] =	ssyncadd.s32 @!p0 s1  }
0x62: {  	[bflag:$0x3] =	sbarrier.arrive $0xFFFF  }
0x63: {  	_ =	shalt  }

// kernel: kernel.26.cloned.1.call-start
scs
__scs_entry_jumppad:
0x0: {  	(pc) =	sbr.rel $0x88, $3  }
0x1: {  	(tag) =	ssettag $0x0;
	lr =	simm.s32 $0x1  }
0x2: {  	[smem:$0x3F71] =	sst lr;
	_ =	strace $0xD0000000  }
0x3: {  	_ = 	snop  }
0x4: {  	_ = 	snop  }
0x5: {  	_ = 	snop  }
0x6: {  	_ = 	snop  }
0x7: {  	_ = 	snop  }
__scs_overlays_trampoline_lowered:
0x8: {  	[smem:$0x3F80] =	sst s0  }
0x9: {  	[smem:$0x3F81] =	sst s1  }
0xa: {  	[smem:$0x3F82] =	sst s2  }
0xb: {  	[smem:$0x3F83] =	sst s3  }
0xc: {  	[smem:$0x3F84] =	sst s4  }
0xd: {  	[smem:$0x3F85] =	sst s5  }
0xe: {  	[smem:$0x3F86] =	sst s6  }
0xf: {  	[smem:$0x3F87] =	sst s7  }
0x10: {  	[smem:$0x3F88] =	sst s8  }
0x11: {  	[smem:$0x3F89] =	sst s9;
	s0 =	simm.s32 @!p0 $0x0  }
0x12: {  	s1 =	sld [smem:$0x3F6F];
	s0 =	simm.s32 @p0 $0x1  }
0x13: {  	[smem:$0x3F8A] =	sst s0;
	s0 =	simm.s32 @!p1 $0x0  }
0x14: {  	s2 =	sld [smem:$0x3F6E];
	s0 =	simm.s32 @p1 $0x1  }
0x15: {  	[smem:$0x3F8B] =	sst s0;
	s0 =	simm.s32 @!p2 $0x0  }
0x16: {  	s3 =	sld [smem:$0x3FDB];
	s0 =	simm.s32 @p2 $0x1  }
0x17: {  	s4 =	simm.s32 $0x1BF5;
	[smem:$0x3F8D] =	sst s0  }
0x18: {  	s0 =	sld [smem:$0x3F70];
	_ =	swait.ge [sflag:s4], $0x0  }
0x19: {  	s7 =	sld [smem:$0x3F71]  }
0x1a: {  	s8 =	sadd.s32 $0xFFFFE003, lr  }
0x1b: {  	s9 =	sadd.s32 $0xFFFFFEF7, lr;
	s5 =	simm.s32 $0xFFFFFFFF;
	p2 =	slt.u32 s8, $0xFFFFF086  }
0x1c: {  	p1 =	slt.u32 s9, $0xF7A;
	s5 =	simm.s32 @!p2 $0x0  }
0x1d: {  	s5 =	simm.s32 @p1 $0x1;
	p0 =	seq.s32 s7, s2  }
0x1e: {  	s7 =	smul.u32 @!p0 $0xF7A, s2;
	p2 =	seq.s32 @!p0 s5, $0x0  }
0x1f: {  	s9 =	smul.u32 $0xF7A, s1;
	s8 =	simm.s32 @!p0 $0x1BF5;
	p2 =	por !p2, p0  }
0x20: {  	[sflag:s8] =	ssyncset.s32 @!p0 $0xFFFFF086;
	s6 =	sadd.s32 @!p0 s3, s7;
	s7 =	simm.s32 @!p0 $0x108  }
0x21: {  	s3 =	sadd.s32 s3, s9;
	s6 =	sadd.s32 @!p0 $0x88, s6;
	s7 =	simm.s32 @p2 $0x1082  }
0x22: {  	[simem:s7], [sflag:s8] =	dma.local @!p0 [hbm:s6], $0xF7A  }
0x23: {  	s9 =	sor.u32 $0xD0000000, s2;
	s6 =	simm.s32 $0x108;
	_ =	swait.ge @!p0 [sflag:s8], $0x0  }
0x24: {  	s3 =	sadd.s32 $0x88, s3;
	s6 =	simm.s32 @!p1 $0x1082;
	[sflag:s4] =	ssyncset.s32 $0xFFFFF086  }
0x25: {  	[simem:s6], [sflag:s4] =	dma.local [hbm:s3], $0xF7A  }
0x26: {  	[smem:$0x3F71] =	sst s1;
	(tag) =	ssettag s2;
	_ =	strace s9  }
0x27: {  	s1 =	sld [smem:$0x3F81]  }
0x28: {  	s2 =	sld [smem:$0x3F82]  }
0x29: {  	s4 =	sld [smem:$0x3F84]  }
0x2a: {  	p0 =	seq.s32 s5, $0x0;
	s5 =	sld [smem:$0x3F85]  }
0x2b: {  	s6 =	sld [smem:$0x3F86]  }
0x2c: {  	s7 =	sld [smem:$0x3F87]  }
0x2d: {  	s3 =	simm.s32 $0x108;
	s8 =	sld [smem:$0x3F88]  }
0x2e: {  	s3 =	simm.s32 @!p0 $0x1082;
	s9 =	sld [smem:$0x3F89]  }
0x2f: {  	lr =	sadd.s32 s0, s3;
	s0 =	sld [smem:$0x3F80]  }
0x30: {  	s3 =	sld [smem:$0x3F83]  }
0x31: {  	[smem:$0x3F8C] =	sst s10  }
0x32: {  	s10 =	sld [smem:$0x3F8A];
	_ =	sdelay $0x3  }
0x33: {  	p0 =	seq.s32 s10, $0x1;
	s10 =	sld [smem:$0x3F8C];
	_ =	sdelay $0x3  }
0x34: {  	[smem:$0x3F8C] =	sst s10  }
0x35: {  	s10 =	sld [smem:$0x3F8B];
	_ =	sdelay $0x3  }
0x36: {  	p1 =	seq.s32 s10, $0x1;
	s10 =	sld [smem:$0x3F8C];
	_ =	sdelay $0x3  }
0x37: {  	[smem:$0x3F8C] =	sst s10  }
0x38: {  	s10 =	sld [smem:$0x3F8D]  }
0x39: {  	_ = 	snop;
	(pc) =	sbr.ind lr, $3  }
0x3a: {  	_ = 	snop  }
0x3b: {  	_ = 	snop  }
0x3c: {  	p2 =	seq.s32 s10, $0x1;
	s10 =	sld [smem:$0x3F8C]  }
0x3d: {  	_ =	shalt  }
0x3e: {  	_ =	shalt  }
0x3f: {  	_ =	shalt  }
0x40: {  	_ =	shalt  }
0x41: {  	_ =	shalt  }
0x42: {  	_ =	shalt  }
0x43: {  	_ =	shalt  }
0x44: {  	_ =	shalt  }
0x45: {  	_ =	shalt  }
0x46: {  	_ =	shalt  }
0x47: {  	_ =	shalt  }
0x48: {  	_ =	shalt  }
0x49: {  	_ =	shalt  }
0x4a: {  	_ =	shalt  }
0x4b: {  	_ =	shalt  }
0x4c: {  	_ =	shalt  }
0x4d: {  	_ =	shalt  }
0x4e: {  	_ =	shalt  }
0x4f: {  	_ =	shalt  }
0x50: {  	_ =	shalt  }
0x51: {  	_ =	shalt  }
0x52: {  	_ =	shalt  }
0x53: {  	_ =	shalt  }
0x54: {  	_ =	shalt  }
0x55: {  	_ =	shalt  }
0x56: {  	_ =	shalt  }
0x57: {  	_ =	shalt  }
0x58: {  	_ =	shalt  }
0x59: {  	_ =	shalt  }
0x5a: {  	_ =	shalt  }
0x5b: {  	_ =	shalt  }
0x5c: {  	_ =	shalt  }
0x5d: {  	_ =	shalt  }
0x5e: {  	_ =	shalt  }
0x5f: {  	_ =	shalt  }
0x60: {  	_ =	shalt  }
0x61: {  	_ =	shalt  }
0x62: {  	_ =	shalt  }
0x63: {  	_ =	shalt  }
0x64: {  	_ =	shalt  }
0x65: {  	_ =	shalt  }
0x66: {  	_ =	shalt  }
0x67: {  	_ =	shalt  }
0x68: {  	_ =	shalt  }
0x69: {  	_ =	shalt  }
0x6a: {  	_ =	shalt  }
0x6b: {  	_ =	shalt  }
0x6c: {  	_ =	shalt  }
0x6d: {  	_ =	shalt  }
0x6e: {  	_ =	shalt  }
0x6f: {  	_ =	shalt  }
0x70: {  	_ =	shalt  }
0x71: {  	_ =	shalt  }
0x72: {  	_ =	shalt  }
0x73: {  	_ =	shalt  }
0x74: {  	_ =	shalt  }
0x75: {  	_ =	shalt  }
0x76: {  	_ =	shalt  }
0x77: {  	_ =	shalt  }
0x78: {  	_ =	shalt  }
0x79: {  	_ =	shalt  }
0x7a: {  	_ =	shalt  }
0x7b: {  	_ =	shalt  }
0x7c: {  	_ =	shalt  }
0x7d: {  	_ =	shalt  }
0x7e: {  	_ =	shalt  }
0x7f: {  	_ =	shalt  }
0x80: {  	_ =	shalt  }
0x81: {  	_ =	shalt  }
0x82: {  	_ =	shalt  }
0x83: {  	_ =	shalt  }
0x84: {  	_ =	shalt  }
0x85: {  	_ =	shalt  }
0x86: {  	_ =	shalt  }
0x87: {  	_ =	shalt  }
.Lfunc_end0:
.L_simem_size_0:
called_computation.3_lowered:
.L_overlay_start_0:
0x88: {  	s2 =	sld [smem:$0x3FD9]  }
0x89: {  	s3 =	sld [smem:$0x3FFE];
	_ =	sdelay $0x1  }
0x8a: {  	s1 =	srdreg.scid  }
0x8b: {  	s0 =	sand.u32 $0x1, s1  }
0x8c: {  	s16 =	sshll.u32 s0, $0xA;
	s2 =	sadd.s32 s3, s2  }
0x8d: {  	s2 =	sadd.s32 s2, s16  }
0x8e: {  	[smem:$0x3F98] =	sst s2  }
0x8f: {  	_ = 	snop  }
0x90: {  	(tm) =	ssettm $0x1  }
0x91: {  	s17 =	sld [smem:$0x3FFB];
	_ =	sdelay $0x3  }
0x92: {  	_ =	strace s17  }
0x93: {  	s2 =	sld [smem:$0x3FFC];
	_ =	sdelay $0x3  }
0x94: {  	_ =	strace s2  }
0x95: {  	s2 =	sld [smem:$0x3FFD];
	_ =	sdelay $0x3  }
0x96: {  	_ =	strace s2  }
0x97: {  	_ =	strace $0x8FFFFFFF  }
0x98: {  	s18 =	sld [smem:$0x3FDB];
	_ =	sdelay $0x1  }
0x99: {  	s19 =	simm.s32 $_scs_section_size  }
0x9a: {  	s4 =	simm.s32 $_size__tile_overlayer_lowered;
	s5 =	simm.s32 $_tile_overlayer_lowered  }
0x9b: {  	s22 =	simm.s32 $0x1BFF;
	s21 =	sshll.u32 s5, $0x1;
	s2 =	sadd.s32 s19, s18  }
0x9c: {  	s6 =	simm.s32 $0x0;
	s20 =	sshll.u32 s4, $0x1;
	s4 =	sadd.s32 s21, s2  }
0x9d: {  	[timem:s6], [sflag:s22] =	dma.local [hbm:s4], s20  }
0x9e: {  	_ =	swait.ge [sflag:s22], s20  }
0x9f: {  	s3 =	ssub.s32 $0x0, s20;
	[sflag:s22] =	ssyncset.done $0x0  }
0xa0: {  	[sflag:s22] =	ssyncadd.s32 s3;
	_ =	sdelay $0x1  }
0xa1: {  	s23 =	simm.s32 $0x1B8B  }
0xa2: {  	_ =	swait.ge [sflag:s23], $0x1  }
0xa3: {  	[sflag:s23] =	ssyncset.done $0x0  }
0xa4: {  	s25 =	simm.s32 $0x1B8E;
	s24 =	sld [smem:$0x3FFE];
	[sflag:s23] =	ssyncadd.s32 $0xFFFFFFFF  }
0xa5: {  	s26 =	simm.s32 $execute0_lowered;
	[smem:$0x3FD2] =	sst s25  }
0xa6: {  	s4 =	sshll.u32 s26, $0x1;
	_ =	strace $0x8000004F;
	[dreg:$0x1] =	wrdreg $0xFFFFFFFF  }
0xa7: {  	s28 =	simm.s32 $_size_execute0_lowered;
	s2 =	sadd.s32 s2, s4;
	[dreg:$0x0] =	wrdreg $0x0  }
0xa8: {  	s4 =	sshll.u32 s28, $0x1;
	[dreg:$0x2] =	wrdreg s2  }
0xa9: {  	[dreg:$0x3] =	wrdreg s4  }
0xaa: {  	[dreg:$0x4] =	wrdreg $0xC0  }
0xab: {  	_ =	task [dreg:s6], $0x5FFFF  }
0xac: {  	[dreg:$0x1] =	wrdreg $0xFFFFFFFF  }
0xad: {  	[dreg:$0x0] =	wrdreg $0x60  }
0xae: {  	[dreg:$0x2] =	wrdreg s24  }
0xaf: {  	[dreg:$0x3] =	wrdreg $0xBEC00  }
0xb0: {  	[dreg:$0x4] =	wrdreg $0x9  }
0xb1: {  	_ =	task.clear_ibuf [dreg:s6], $0x5FFFF;
	_ =	strace $0x9000004F  }
0xb2: {  	s29 =	simm.s32 $0x9;
	_ =	strace $0x80000051  }
0xb3: {  	_ =	swait.ge [sflag:s29], $0x1  }
0xb4: {  	[sflag:s29] =	ssyncadd.s32 $0xFFFFFFFF  }
0xb5: {  	_ =	strace $0x90000051  }
0xb6: {  	_ =	sfence  }
0xb7: {  	s30 =	sld [smem:$0x0];
	_ =	sdelay $0x2  }
0xb8: {  	s31 =	sshll.u32 s1, $0xD;
	s1 =	sshrl.u32 s1, $0x2  }
0xb9: {  	s3 =	sand.u32 $0x4000, s31;
	s1 =	sadd.s32 s1, s30  }
0xba: {  	s0 =	sor.u32 s3, s0;
	s1 =	sshll.u32 s1, $0x11  }
0xbb: {  	s0 =	sor.u32 s1, s0  }
0xbc: {  	s0 =	sadd.s32 $0x8F2B, s0  }
0xbd: {  	[sflag:s0] =	ssyncadd.remote.s32 $0x1  }
0xbe: {  	_ =	sfence.sel $0xFFFF  }
0xbf: {  	[dreg:$0x0] =	wrdreg $0xFFFFFFFF;
	(pc) =	sbr.abs _section_cstart, $3  }
0xc0: {  	[dreg:$0x1] =	wrdreg $0xFFFFFFFF  }
0xc1: {  	_ =	task.clear_ibuf [dreg:s6], $0x2FFFF;
	_ =	strace $0x9FFFFFFF  }
0xc2: {  	(tm) =	ssettm $0x7FFFFFFF  }
0xc3: {  	_ =	shalt  }
tec
execute0_lowered:
.L_overlay_start_1:
0x0: {  	(tag) =	ssettag $0x1  }
0x1: {  	s0 =	srdreg.scid;
	s5 =	rddreg [dreg:$0x0]  }
0x2: {  	s2 =	rddreg [dreg:$0x1];
	s3 =	simm.s32 $0x0;
	s11 =	simm.s32 $0x2760  }
0x3: {  	s14 =	simm.s32 $0x70;
	s15 =	simm.s32 $0x4EC0;
	s16 =	simm.s32 $0x86C0  }
0x4: {  	s17 =	simm.s32 $0x1;
	s18 =	simm.s32 $0x3;
	s19 =	simm.s32 $0x2  }
0x5: {  	s20 =	simm.s32 $0x4;
	s21 =	simm.s32 $0x4DE0;
	s22 =	simm.s32 $0x4E50  }
0x6: {  	s23 =	simm.s32 $0x0;
	s4 =	sand.u32 $0x1, s0;
	s0 =	stileid.u32  }
0x7: {  	[smem:$0x7FF] =	sst s3;
	s1 =	sshll.u32 s4, $0x4;
	s7 =	smul.u32 $0x13B00, s0  }
0x8: {  	s8 =	smul.u32 $0x13B000, s4;
	s9 =	ssub.s32 $0x2, s4;
	s4 =	sadd.s32 $0x45800, s5  }
0x9: {  	s12 =	sshll.u32 s0, $0x6;
	s1 =	sor.u32 s0, s1;
	s10 =	sshrl.u32 s9, $0x1  }
0xa: {  	s12 =	sor.u32 $0x1C05, s12;
	s6 =	smul.u32 $0x4EC, s1;
	s1 =	rddreg [dreg:$0x2]  }
0xb: {  	_ =	strace $0x80000050;
	s8 =	sadd.s32 s7, s8;
	s9 =	ssub.s32 s9, s10  }
0xc: {  	s13 =	sadd.s32 s7, s2;
	s7 =	sshrl.u32 s7, $0x3;
	s10 =	simm.s32 $0x5  }
0xd: {  	s8 =	sshrl.u32 s8, $0x3;
	s7 =	sadd.s32 s4, s7;
	s9 =	smax.u32 s9, $0x1  }
0xe: {  	s13 =	sshrl.u32 s13, $0x3;
	s6 =	sadd.s32 s6, s5;
	s8 =	sadd.s32 s8, s5  }
0xf: {  	s5 =	sadd.s32 $0x14400, s6;
	s6 =	sadd.s32 $0xA600, s6;
	s8 =	sadd.s32 $0x6CE00, s8  }
.LBB2_1:
0x10: {  	[tilespmem:s3], [sflag:$0x5] =	stream.linear.gather [hbm4b:s5+s3], $0x2760, $0x38;
	[tilespmem:$0x1F9C0] =	vst v63  }
0x11: {  	_ =	swait.ge [sflag:s10], $0x2760  }
0x12: {  	[sflag:s10] =	ssyncset.done $0x0  }
0x13: {  	[sflag:s10] =	ssyncadd.s32 $0xFFFFD8A0  }
0x14: {  	[tilespmem:s11], [sflag:$0x5] =	stream.linear.gather [hbm4b:s6+s3], $0x2760, $0x38;
	[tilespmem:$0x1F9C0] =	vst v63  }
0x15: {  	_ =	swait.ge [sflag:s10], $0x2760  }
0x16: {  	[sflag:s10] =	ssyncset.done $0x0  }
0x17: {  	[sflag:s10] =	ssyncadd.s32 $0xFFFFD8A0  }
0x18: {  	[spmem:s13], [sflag:s12] =	dma.local [hbm:s7], $0x2760  }
0x19: {  	_ =	swait.ge [sflag:s10], $0x2760  }
0x1a: {  	[sflag:s10] =	ssyncset.done $0x0  }
0x1b: {  	[sflag:s10] =	ssyncadd.s32 $0xFFFFD8A0  }
0x1c: {  	[bflag:$0x0] =	sbarrier.arrive $0xFFFF  }
0x1d: {  	[tilespmem:s15], [sflag:$0x1] =	stream.indirect.gather [hbm4b:s4+s14], $0x80, s3, s14, $0xb8;
	[tilespmem:$0x1F9C0] =	vst v63  }
0x1e: {  	_ = 	snop  }
0x1f: {  	[tilespmem:s16], [sflag:$0x2] =	stream.indirect.gather [hbm4b:s4+s14], $0x80, s14, s14, $0xb8;
	[tilespmem:$0x1F9C0] =	vst v63  }
0x20: {  	_ =	swait.ge [sflag:s17], $0x3800  }
0x21: {  	[sflag:s17] =	ssyncset.done $0x0  }
0x22: {  	s24 =	simm.s32 $0x2760;
	[sflag:s17] =	ssyncadd.s32 $0xFFFFC800  }
0x23: {  	[spmem:s2] =	stream.indirect.scatter.add.f32 [tilespmem:s15], [sflag:$0x3], $0x80, s24, s14, $0xb8;
	[tilespmem:$0x1F9C0] =	vst v63  }
0x24: {  	_ =	swait.ge [sflag:s18], $0x3800  }
0x25: {  	[sflag:s18] =	ssyncset.done $0x0  }
0x26: {  	s30 =	simm.s32 $0xE0;
	[sflag:s18] =	ssyncadd.s32 $0xFFFFC800  }
0x27: {  	[tilespmem:s15], [sflag:$0x1] =	stream.indirect.gather [hbm4b:s4+s14], $0x80, s30, s14, $0xb8;
	[tilespmem:$0x1F9C0] =	vst v63  }
0x28: {  	_ =	swait.ge [sflag:s19], $0x3800  }
0x29: {  	[sflag:s19] =	ssyncset.done $0x0  }
0x2a: {  	s31 =	simm.s32 $0x27D0;
	[sflag:s19] =	ssyncadd.s32 $0xFFFFC800  }
0x2b: {  	[spmem:s2] =	stream.indirect.scatter.add.f32 [tilespmem:s16], [sflag:$0x4], $0x80, s31, s14, $0xb8;
	[tilespmem:$0x1F9C0] =	vst v63  }
0x2c: {  	_ =	swait.ge [sflag:s20], $0x3800  }
0x2d: {  	[sflag:s20] =	ssyncset.done $0x0  }
0x2e: {  	s25 =	simm.s32 $0x150;
	s24 =	simm.s32 $0x380;
	[sflag:s20] =	ssyncadd.s32 $0xFFFFC800  }
.LBB2_2:
0x2f: {  	[tilespmem:s16], [sflag:$0x2] =	stream.indirect.gather [hbm4b:s4+s14], $0x80, s25, s14, $0xb8;
	[tilespmem:$0x1F9C0] =	vst v63  }
0x30: {  	s25 =	smov.u32 s24  }
0x31: {  	p0 =	sne.s32 s24, $0x9680;
	s24 =	sadd.s32 $0x380, s24;
	_ =	swait.ge [sflag:s17], $0x3800  }
0x32: {  	s25 =	sshra.s32 s25, $0x2;
	[sflag:s17] =	ssyncset.done $0x0  }
0x33: {  	s26 =	sadd.s32 $0x2760, s25;
	[sflag:s17] =	ssyncadd.s32 $0xFFFFC800  }
0x34: {  	[spmem:s2] =	stream.indirect.scatter.add.f32 [tilespmem:s15], [sflag:$0x3], $0x80, s26, s14, $0xb8;
	[tilespmem:$0x1F9C0] =	vst v63  }
0x35: {  	_ =	swait.ge [sflag:s18], $0x3800  }
0x36: {  	[sflag:s18] =	ssyncset.done $0x0  }
0x37: {  	s26 =	sadd.s32 $0xE0, s25;
	[sflag:s18] =	ssyncadd.s32 $0xFFFFC800  }
0x38: {  	[tilespmem:s15], [sflag:$0x1] =	stream.indirect.gather [hbm4b:s4+s14], $0x80, s26, s14, $0xb8;
	[tilespmem:$0x1F9C0] =	vst v63  }
0x39: {  	_ =	swait.ge [sflag:s19], $0x3800  }
0x3a: {  	[sflag:s19] =	ssyncset.done $0x0  }
.Ltmp0:
0x3b: {  	s26 =	sadd.s32 $0x27D0, s25;
	[sflag:s19] =	ssyncadd.s32 $0xFFFFC800;
	(pc) =	sbr.rel @p0 .LBB2_2-.Ltmp0, $4  }
0x3c: {  	[spmem:s2] =	stream.indirect.scatter.add.f32 [tilespmem:s16], [sflag:$0x4], $0x80, s26, s14, $0xb8;
	[tilespmem:$0x1F9C0] =	vst v63  }
0x3d: {  	_ =	swait.ge [sflag:s20], $0x3800  }
0x3e: {  	[sflag:s20] =	ssyncset.done $0x0  }
0x3f: {  	s25 =	sadd.s32 $0x150, s25;
	[sflag:s20] =	ssyncadd.s32 $0xFFFFC800  }
0x40: {  	[tilespmem:s16], [sflag:$0x2] =	stream.indirect.gather [hbm4b:s4+s14], $0x80, s25, s14, $0xb8;
	[tilespmem:$0x1F9C0] =	vst v63  }
0x41: {  	_ =	swait.ge [sflag:s17], $0x3800  }
0x42: {  	[sflag:s17] =	ssyncset.done $0x0  }
0x43: {  	[sflag:s17] =	ssyncadd.s32 $0xFFFFC800  }
0x44: {  	[spmem:s2] =	stream.indirect.scatter.add.f32 [tilespmem:s15], [sflag:$0x3], $0x80, s21, s14, $0xb8;
	[tilespmem:$0x1F9C0] =	vst v63  }
0x45: {  	_ =	swait.ge [sflag:s19], $0x3800  }
0x46: {  	[sflag:s19] =	ssyncset.done $0x0  }
0x47: {  	[sflag:s19] =	ssyncadd.s32 $0xFFFFC800  }
0x48: {  	[spmem:s2] =	stream.indirect.scatter.add.f32 [tilespmem:s16], [sflag:$0x4], $0x80, s22, s14, $0xb8;
	[tilespmem:$0x1F9C0] =	vst v63  }
0x49: {  	_ =	swait.ge [sflag:s18], $0x3800  }
0x4a: {  	[sflag:s18] =	ssyncset.done $0x0  }
0x4b: {  	[sflag:s18] =	ssyncadd.s32 $0xFFFFC800  }
0x4c: {  	_ =	swait.ge [sflag:s20], $0x3800  }
0x4d: {  	s23 =	sadd.s32 $0x1, s23;
	[sflag:s20] =	ssyncset.done $0x0  }
0x4e: {  	p0 =	sne.s32 s23, s9;
	[sflag:s20] =	ssyncadd.s32 $0xFFFFC800  }
.Ltmp1:
0x4f: {  	[bflag:$0x0] =	sbarrier.arrive $0xFFFF;
	(pc) =	sbr.rel @p0 .LBB2_1-.Ltmp1, $4  }
0x50: {  	[hbm:s8], [sflag:s12] =	dma.local [spmem:s13], $0x2760  }
0x51: {  	_ =	swait.ge [sflag:s10], $0x2760  }
0x52: {  	[sflag:s10] =	ssyncset.done $0x0  }
0x53: {  	[sflag:s10] =	ssyncadd.s32 $0xFFFFD8A0  }
0x54: {  	_ =	sfence.sel $0x180000  }
0x55: {  	[bflag:$0x0] =	sbarrier.arrive $0xFFFF  }
0x56: {  	p0 =	sne.s32 s0, $0x0;
	_ =	strace $0x90000050  }
0x57: {  	s0 =	sadd.s32 @!p0 $0x100000, s1;
	[bflag:$0x2] =	sbarrier.arrive $0xFFFF  }
0x58: {  	[sflag:s0] =	ssyncadd.tile.s32 @!p0 $0x1;
	_ =	shalt  }
.Lfunc_end2:
_tile_overlayer_lowered:
.L_overlay_start_2:
0x59: {  	(tag) =	ssettag $0x2  }
0x5a: {  	s0 =	rddreg [dreg:$0x0];
	s2 =	stileid.u32  }
0x5b: {  	s1 =	rddreg [dreg:$0x1];
	p0 =	sne.s32 s2, $0x0  }
0x5c: {  	s3 =	rddreg [dreg:$0x2];
	[bflag:$0x3] =	sbarrier.arrive $0xFFFF;
	s2 =	simm.s32 @!p0 $0x1C05  }
0x5d: {  	[timem:s3], [sflag:s2] =	dma.local @!p0 [hbm:s0], s1  }
0x5e: {  	s0 =	simm.s32 @!p0 $0x5  }
0x5f: {  	_ =	swait.ge @!p0 [sflag:s0], s1  }
0x60: {  	s1 =	ssub.s32 @!p0 $0x0, s1;
	[sflag:s0] =	ssyncset.done @!p0 $0x0  }
0x61: {  	[sflag:s0] =	ssyncadd.s32 @!p0 s1  }
0x62: {  	[bflag:$0x3] =	sbarrier.arrive $0xFFFF  }
0x63: {  	_ =	shalt  }

</sc_bundles>
